<compile_context>
chip_gen: v7x
topology: tpu7x:2x2x1
jax: 0.10.2.dev20260603
libtpu: 0.0.44.dev20260713+nightly
codegen_flags: <defaults>
</compile_context>

<pallas_src>
import functools

import jax
import jax.numpy as jnp
from jax import lax
from jax.experimental import pallas as pl
from jax.experimental.pallas import tpu as pltpu
from jax.experimental.pallas import tpu_sc as plsc

N_ = 10000
E_ = 320000
F_ = 128
H_ = 128
C_ = 64
L_ = 10
ALPHA_ = 0.9
BETA_ = 1.0 - ALPHA_

NSC_ = 2
NT_ = 16
CH_ = C_ // NSC_
RPT_ = 640
QR_ = 160
NPAD_ = NT_ * RPT_
KG_ = 128
EPT_ = 20480
NG_ = EPT_ // KG_
EPAD_ = NT_ * EPT_


def _mlp_body(x_ref, wi_ref, bi_ref, wo_ref, bo_ref, o_ref):
    h = lax.dot_general(x_ref[...], wi_ref[...], (((1,), (1,)), ((), ())),
                        preferred_element_type=jnp.float32)
    h = jnp.maximum(h + bi_ref[...], 0.0)
    o = lax.dot_general(h, wo_ref[...], (((1,), (1,)), ((), ())),
                        preferred_element_type=jnp.float32)
    o_ref[...] = o + bo_ref[...]


def _mlp(x_pad, W_in, b_in, W_out, b_out):
    grid = NPAD_ // RPT_
    return pl.pallas_call(
        _mlp_body,
        grid=(grid,),
        in_specs=[
            pl.BlockSpec((RPT_, F_), lambda i: (i, 0)),
            pl.BlockSpec((H_, F_), lambda i: (0, 0)),
            pl.BlockSpec((1, H_), lambda i: (0, 0)),
            pl.BlockSpec((C_, H_), lambda i: (0, 0)),
            pl.BlockSpec((1, C_), lambda i: (0, 0)),
        ],
        out_specs=pl.BlockSpec((RPT_, C_), lambda i: (i, 0)),
        out_shape=jax.ShapeDtypeStruct((NPAD_, C_), jnp.float32),
    )(x_pad, W_in, b_in.reshape(1, H_), W_out, b_out.reshape(1, C_))


def _fill(ref, rows, val):
    v16 = jnp.full((16,), val, jnp.float32)

    def fb(i, carry):
        for u in range(4):
            ref[i * 4 + u, pl.ds(0, 16)] = v16
            ref[i * 4 + u, pl.ds(16, 16)] = v16
        return carry

    lax.fori_loop(0, rows // 4, fb, 0)


def _sc_body(x0buf, srcg, dstg, hbuf,
             src_scr, dst_scr, gbuf, astg, xstg, normbuf, acc, hsh,
             gsem, ssem):
    c = lax.axis_index("c")
    s = lax.axis_index("s")
    row0 = c * NPAD_
    base = s * RPT_

    pltpu.sync_copy(srcg.at[s], src_scr)
    pltpu.sync_copy(dstg.at[s], dst_scr)

    _fill(xstg, QR_, 0.0)
    for q in range(RPT_ // QR_):
        lo = base + q * QR_
        pltpu.sync_copy(x0buf.at[pl.ds(row0 + lo, QR_)], astg)
        pltpu.sync_copy(astg, hsh.at[pl.ds(lo, QR_)])
        pltpu.sync_copy(xstg, acc.at[pl.ds(lo, QR_)])
    plsc.subcore_barrier()

    _fill(gbuf.at[0], KG_, 1.0)

    def deg_body(j, carry):
        pltpu.sync_copy(gbuf.at[0], acc.at[dst_scr.at[j]], add=True)
        return carry

    lax.fori_loop(0, NG_, deg_body, 0)
    plsc.subcore_barrier()

    _fill(xstg, QR_, 0.0)
    for q in range(RPT_ // QR_):
        lo = base + q * QR_
        pltpu.sync_copy(acc.at[pl.ds(lo, QR_)], astg)
        pltpu.sync_copy(xstg, acc.at[pl.ds(lo, QR_)])

        def norm_body(v, carry):
            d = astg[v, pl.ds(0, 16)]
            normbuf[q * QR_ + v, pl.ds(0, 16)] = ALPHA_ / jnp.maximum(d, 1.0)
            return carry

        lax.fori_loop(0, QR_, norm_body, 0)
    plsc.subcore_barrier()

    def _g_copy(g, b):
        return pltpu.make_async_copy(
            hsh.at[src_scr.at[pl.ds(g * KG_, KG_)]], gbuf.at[b], gsem.at[b])

    def _s_copy(g, b):
        return pltpu.make_async_copy(
            gbuf.at[b], acc.at[dst_scr.at[g]], ssem.at[b])

    def round_body(r, carry):
        NB = 5
        for b in range(NB):
            _g_copy(b, b).start()

        def edge_body(i, carry2):
            g0 = i * NB
            _g_copy(g0, 0).wait()
            _s_copy(g0, 0).start(add=True)
            _g_copy(g0 + 1, 1).wait()
            _s_copy(g0 + 1, 1).start(add=True)
            for b in range(NB - 2):
                _s_copy(g0 + b, b).wait()
                _g_copy(g0 + NB + b, b).start()
                _g_copy(g0 + 2 + b, 2 + b).wait()
                _s_copy(g0 + 2 + b, 2 + b).start(add=True)
            _s_copy(g0 + NB - 2, NB - 2).wait()
            _g_copy(g0 + 2 * NB - 2, NB - 2).start()
            _s_copy(g0 + NB - 1, NB - 1).wait()
            _g_copy(g0 + 2 * NB - 1, NB - 1).start()
            return carry2

        lax.fori_loop(0, NG_ // NB, edge_body, 0)
        for b in range(NB):
            _g_copy(NG_ + b, b).wait()
        plsc.subcore_barrier()

        for q in range(RPT_ // QR_):
            lo = base + q * QR_
            pltpu.sync_copy(acc.at[pl.ds(lo, QR_)], astg)
            _fill(xstg, QR_, 0.0)
            pltpu.sync_copy(xstg, acc.at[pl.ds(lo, QR_)])
            pltpu.sync_copy(x0buf.at[pl.ds(row0 + lo, QR_)], xstg)

            def hb(v, carry2):
                nr = normbuf[q * QR_ + v, pl.ds(0, 16)]
                for col in (0, 16):
                    a = astg[v, pl.ds(col, 16)]
                    b = xstg[v, pl.ds(col, 16)]
                    astg[v, pl.ds(col, 16)] = a * nr + b * BETA_
                return carry2

            lax.fori_loop(0, QR_, hb, 0)
            pltpu.sync_copy(astg, hsh.at[pl.ds(lo, QR_)])

            @pl.when(r == L_ - 1)
            def _():
                pltpu.sync_copy(astg, hbuf.at[pl.ds(row0 + lo, QR_)])

        plsc.subcore_barrier()
        return carry

    lax.fori_loop(0, L_, round_body, 0)


def _propagate(x0buf, srcg, dstg):
    mesh = plsc.VectorSubcoreMesh(core_axis_name="c", subcore_axis_name="s")
    return pl.kernel(
        _sc_body,
        out_type=jax.ShapeDtypeStruct((NSC_ * NPAD_, CH_), jnp.float32),
        mesh=mesh,
        compiler_params=pltpu.CompilerParams(use_tc_tiling_on_sc=False),
        scratch_types=[
            pltpu.VMEM((EPT_ + 5 * KG_,), jnp.int32),
            pltpu.VMEM((NG_, KG_), jnp.int32),
            pltpu.VMEM((5, KG_, CH_), jnp.float32),
            pltpu.VMEM((QR_, CH_), jnp.float32),
            pltpu.VMEM((QR_, CH_), jnp.float32),
            pltpu.VMEM((RPT_, 16), jnp.float32),
            pltpu.VMEM_SHARED((NPAD_, CH_), jnp.float32),
            pltpu.VMEM_SHARED((NPAD_, CH_), jnp.float32),
            pltpu.SemaphoreType.DMA((5,)),
            pltpu.SemaphoreType.DMA((5,)),
        ],
    )(x0buf, srcg, dstg)


def kernel(x, edge_index, W_in, b_in, W_out, b_out):
    x_pad = jnp.concatenate(
        [x, jnp.zeros((NPAD_ - N_, F_), jnp.float32)], axis=0)
    x0 = _mlp(x_pad, W_in, b_in, W_out, b_out)
    x0buf = x0.reshape(NPAD_, NSC_, CH_).transpose(1, 0, 2).reshape(
        NSC_ * NPAD_, CH_)

    src = edge_index[0]
    dst = edge_index[1]
    pad = EPAD_ - E_
    src_p = jnp.concatenate([src, jnp.zeros((pad,), jnp.int32)])
    dst_p = jnp.concatenate([dst, jnp.full((pad,), N_, jnp.int32)])
    srcg = jnp.concatenate(
        [src_p.reshape(NT_, EPT_), jnp.zeros((NT_, 5 * KG_), jnp.int32)],
        axis=1)
    dstg = dst_p.reshape(NT_, NG_, KG_)

    hbuf = _propagate(x0buf, srcg, dstg)
    h = hbuf.reshape(NSC_, NPAD_, CH_).transpose(1, 0, 2).reshape(NPAD_, C_)
    return h[:N_]

# --- scband reference (transcript-rebuilt; emitter-appended) ---
"""Pipeline reference for scband-appnp-85650237816961 (READ-ONLY COPY).

The authoritative reference and input builder live on the scoring server;
editing this copy changes nothing except your own understanding.
"""

import jax, jax.numpy as jnp
import numpy as np

N = 10000
E = 320000
F = 128
H = 128
C = 64
L = 10
ALPHA = 0.9


def setup_inputs(seed: int = 0) -> dict:
    key = jax.random.key(seed)
    k = jax.random.split(key, 6)
    x = jax.random.normal(k[0], (N, F), dtype=jnp.float32)
    edge_index = jax.random.randint(k[1], (2, E), 0, N, dtype=jnp.int32)
    W_in = jax.random.normal(k[2], (H, F), dtype=jnp.float32) * (1.0 / np.sqrt(F))
    b_in = jnp.zeros((H,), dtype=jnp.float32)
    W_out = jax.random.normal(k[3], (C, H), dtype=jnp.float32) * (1.0 / np.sqrt(H))
    b_out = jnp.zeros((C,), dtype=jnp.float32)
    return {"x": x, "edge_index": edge_index, "W_in": W_in, "b_in": b_in, "W_out": W_out, "b_out": b_out}


def reference(x, edge_index, W_in, b_in, W_out, b_out):
    src = edge_index[0]
    dst = edge_index[1]
    # row-normalized adjacency D^-1 A (dense-adj spmm equivalent)
    ones = jnp.ones((E,), dtype=jnp.float32)
    deg = jax.ops.segment_sum(ones, dst, num_segments=N)
    deg = jnp.maximum(deg, 1.0)
    norm = 1.0 / deg[dst]
    # MLP: linear_in -> dropout(eval: identity) -> relu -> linear_out
    h = x @ W_in.T + b_in
    h = jax.nn.relu(h)
    h = h @ W_out.T + b_out
    x0 = h
    # APPNP propagation: x = alpha * A_hat @ x + (1 - alpha) * x_0
    for _ in range(L):
        msg = h[src] * norm[:, None]
        agg = jax.ops.segment_sum(msg, dst, num_segments=N)
        h = ALPHA * agg + (1.0 - ALPHA) * x0
    return h

if __name__ == "__main__":
    import jax
    _d = setup_inputs()
    print(jax.jit(kernel)(*tuple(_d.values())))

</pallas_src>

<mosaic_0001>
#map = affine_map<(d0, d1) -> (0, 0)>
#map1 = affine_map<(d0, d1) -> (0, 0, 0)>
module attributes {stable_mosaic.version = 14 : i64} {
  func.func @_sc_body(%arg0: i32, %arg1: i32, %arg2: memref<20480x32xf32, #tpu.memory_space<hbm>>, %arg3: memref<16x21120xi32, #tpu.memory_space<hbm>>, %arg4: memref<16x160x128xi32, #tpu.memory_space<hbm>>, %arg5: memref<20480x32xf32, #tpu.memory_space<hbm>>, %arg6: memref<21120xi32, #tpu.memory_space<vmem>>, %arg7: memref<160x128xi32, #tpu.memory_space<vmem>>, %arg8: memref<5x128x32xf32, #tpu.memory_space<vmem>>, %arg9: memref<160x32xf32, #tpu.memory_space<vmem>>, %arg10: memref<160x32xf32, #tpu.memory_space<vmem>>, %arg11: memref<640x16xf32, #tpu.memory_space<vmem>>, %arg12: memref<10240x32xf32, #tpu.memory_space<vmem_shared>>, %arg13: memref<10240x32xf32, #tpu.memory_space<vmem_shared>>, %arg14: memref<5x!tpu.dma_semaphore, #tpu.memory_space<semaphore_mem>>, %arg15: memref<5x!tpu.dma_semaphore, #tpu.memory_space<semaphore_mem>>) attributes {dimension_semantics = [#tpu.dimension_semantics<core_parallel>, #tpu.dimension_semantics<subcore_parallel>], iteration_bounds = array<i64: 2, 16>, scalar_prefetch = 0 : i64, scratch_operands = 10 : i64, tpu.core_type = #tpu.core_type<sc_vector_subcore>, window_params = [{transform_indices = #map}, {transform_indices = #map}, {transform_indices = #map1}, {transform_indices = #map}]} {
    %mul3A = arith.constant 10240 : i32
    %mul3A_0 = arith.muli %arg0, %mul3A : i32
    %mul3A_1 = arith.constant 640 : i32
    %mul3A_2 = arith.muli %arg1, %mul3A_1 : i32
    "tpu.region"() ({
      %run_scoped3A = tpu.sem_alloc : memref<!tpu.dma_semaphore, #tpu.memory_space<semaphore_mem>>
      %dma_start3A = arith.constant 0 : i32
      %dma_start3A_83 = tpu.memref_slice %arg3[%arg1, %dma_start3A] : memref<16x21120xi32, #tpu.memory_space<hbm>> -> memref<1x21120xi32, #tpu.memory_space<hbm>>
      %dma_start3A_84 = tpu.memref_squeeze %dma_start3A_83 : memref<1x21120xi32, #tpu.memory_space<hbm>> -> memref<21120xi32, #tpu.memory_space<hbm>>
      %dma_start3A_85 = arith.constant 0 : i32
      %dma_start3A_86 = tpu.memref_slice %arg3[%arg1, %dma_start3A_85] : memref<16x21120xi32, #tpu.memory_space<hbm>> -> memref<1x21120xi32, #tpu.memory_space<hbm>>
      %dma_start3A_87 = tpu.memref_squeeze %dma_start3A_86 : memref<1x21120xi32, #tpu.memory_space<hbm>> -> memref<21120xi32, #tpu.memory_space<hbm>>
      tpu.enqueue_dma source(%dma_start3A_87 : memref<21120xi32, #tpu.memory_space<hbm>>) target(%arg6 : memref<21120xi32, #tpu.memory_space<vmem>>) target_semaphore(%run_scoped3A : memref<!tpu.dma_semaphore, #tpu.memory_space<semaphore_mem>>)
      %dma_wait3A = arith.constant 0 : i32
      %dma_wait3A_88 = tpu.memref_slice %arg3[%arg1, %dma_wait3A] : memref<16x21120xi32, #tpu.memory_space<hbm>> -> memref<1x21120xi32, #tpu.memory_space<hbm>>
      %dma_wait3A_89 = tpu.memref_squeeze %dma_wait3A_88 : memref<1x21120xi32, #tpu.memory_space<hbm>> -> memref<21120xi32, #tpu.memory_space<hbm>>
      %dma_wait3A_90 = arith.constant 0 : i32
      %dma_wait3A_91 = tpu.memref_slice %arg3[%arg1, %dma_wait3A_90] : memref<16x21120xi32, #tpu.memory_space<hbm>> -> memref<1x21120xi32, #tpu.memory_space<hbm>>
      %dma_wait3A_92 = tpu.memref_squeeze %dma_wait3A_91 : memref<1x21120xi32, #tpu.memory_space<hbm>> -> memref<21120xi32, #tpu.memory_space<hbm>>
      tpu.wait_dma2 semaphore(%run_scoped3A : memref<!tpu.dma_semaphore, #tpu.memory_space<semaphore_mem>>) src(%dma_wait3A_92 : memref<21120xi32, #tpu.memory_space<hbm>>) dst(%arg6 : memref<21120xi32, #tpu.memory_space<vmem>>)
      tpu.yield
    }) : () -> ()
    "tpu.region"() ({
      %run_scoped3A = tpu.sem_alloc : memref<!tpu.dma_semaphore, #tpu.memory_space<semaphore_mem>>
      %dma_start3A = arith.constant 0 : i32
      %dma_start3A_83 = arith.constant 0 : i32
      %dma_start3A_84 = tpu.memref_slice %arg4[%arg1, %dma_start3A, %dma_start3A_83] : memref<16x160x128xi32, #tpu.memory_space<hbm>> -> memref<1x160x128xi32, #tpu.memory_space<hbm>>
      %dma_start3A_85 = tpu.memref_squeeze %dma_start3A_84 : memref<1x160x128xi32, #tpu.memory_space<hbm>> -> memref<160x128xi32, #tpu.memory_space<hbm>>
      %dma_start3A_86 = arith.constant 0 : i32
      %dma_start3A_87 = arith.constant 0 : i32
      %dma_start3A_88 = tpu.memref_slice %arg4[%arg1, %dma_start3A_86, %dma_start3A_87] : memref<16x160x128xi32, #tpu.memory_space<hbm>> -> memref<1x160x128xi32, #tpu.memory_space<hbm>>
      %dma_start3A_89 = tpu.memref_squeeze %dma_start3A_88 : memref<1x160x128xi32, #tpu.memory_space<hbm>> -> memref<160x128xi32, #tpu.memory_space<hbm>>
      tpu.enqueue_dma source(%dma_start3A_89 : memref<160x128xi32, #tpu.memory_space<hbm>>) target(%arg7 : memref<160x128xi32, #tpu.memory_space<vmem>>) target_semaphore(%run_scoped3A : memref<!tpu.dma_semaphore, #tpu.memory_space<semaphore_mem>>)
      %dma_wait3A = arith.constant 0 : i32
      %dma_wait3A_90 = arith.constant 0 : i32
      %dma_wait3A_91 = tpu.memref_slice %arg4[%arg1, %dma_wait3A, %dma_wait3A_90] : memref<16x160x128xi32, #tpu.memory_space<hbm>> -> memref<1x160x128xi32, #tpu.memory_space<hbm>>
      %dma_wait3A_92 = tpu.memref_squeeze %dma_wait3A_91 : memref<1x160x128xi32, #tpu.memory_space<hbm>> -> memref<160x128xi32, #tpu.memory_space<hbm>>
      %dma_wait3A_93 = arith.constant 0 : i32
      %dma_wait3A_94 = arith.constant 0 : i32
      %dma_wait3A_95 = tpu.memref_slice %arg4[%arg1, %dma_wait3A_93, %dma_wait3A_94] : memref<16x160x128xi32, #tpu.memory_space<hbm>> -> memref<1x160x128xi32, #tpu.memory_space<hbm>>
      %dma_wait3A_96 = tpu.memref_squeeze %dma_wait3A_95 : memref<1x160x128xi32, #tpu.memory_space<hbm>> -> memref<160x128xi32, #tpu.memory_space<hbm>>
      tpu.wait_dma2 semaphore(%run_scoped3A : memref<!tpu.dma_semaphore, #tpu.memory_space<semaphore_mem>>) src(%dma_wait3A_96 : memref<160x128xi32, #tpu.memory_space<hbm>>) dst(%arg7 : memref<160x128xi32, #tpu.memory_space<vmem>>)
      tpu.yield
    }) : () -> ()
    %broadcast_in_dim3A = arith.constant 0.000000e+00 : f32
    %broadcast_in_dim3A_3 = vector.broadcast %broadcast_in_dim3A : f32 to vector<16xf32>
    %scan3A = arith.constant 0 : i32
    %scan3A_4 = arith.constant 0 : i32
    %scan3A_5 = arith.constant 40 : i32
    %scan3A_6 = arith.addi %scan3A_4, %scan3A_5 : i32
    %scan3A_7 = arith.constant 1 : i32
    scf.for %scan3A_83 = %scan3A_4 to %scan3A_6 step %scan3A_7  : i32 {
      %mul3A_84 = arith.constant 4 : i32
      %mul3A_85 = arith.muli %scan3A_83, %mul3A_84 : i32
      %add3A_86 = arith.constant 0 : i32
      %add3A_87 = arith.addi %mul3A_85, %add3A_86 : i32
      %swap3A = arith.index_cast %add3A_87 : i32 to index
      %swap3A_88 = arith.constant 0 : index
      %swap3A_89 = tpu.vector_load %arg10[%swap3A, %swap3A_88] {strides = array<i32>} : memref<160x32xf32, #tpu.memory_space<vmem>>, vector<1x16xf32>,
      %swap3A_90 = vector.shape_cast %swap3A_89 : vector<1x16xf32> to vector<16xf32>
      %swap3A_91 = vector.shape_cast %broadcast_in_dim3A_3 : vector<16xf32> to vector<1x16xf32>
      tpu.vector_store %arg10[%swap3A, %swap3A_88], %swap3A_91 {strides = array<i32>} : memref<160x32xf32, #tpu.memory_space<vmem>>, vector<1x16xf32>,
      %mul3A_92 = arith.constant 4 : i32
      %mul3A_93 = arith.muli %scan3A_83, %mul3A_92 : i32
      %add3A_94 = arith.constant 0 : i32
      %add3A_95 = arith.addi %mul3A_93, %add3A_94 : i32
      %swap3A_96 = arith.index_cast %add3A_95 : i32 to index
      %swap3A_97 = arith.constant 16 : index
      %swap3A_98 = tpu.vector_load %arg10[%swap3A_96, %swap3A_97] {strides = array<i32>} : memref<160x32xf32, #tpu.memory_space<vmem>>, vector<1x16xf32>,
      %swap3A_99 = vector.shape_cast %swap3A_98 : vector<1x16xf32> to vector<16xf32>
      %swap3A_100 = vector.shape_cast %broadcast_in_dim3A_3 : vector<16xf32> to vector<1x16xf32>
      tpu.vector_store %arg10[%swap3A_96, %swap3A_97], %swap3A_100 {strides = array<i32>} : memref<160x32xf32, #tpu.memory_space<vmem>>, vector<1x16xf32>,
      %mul3A_101 = arith.constant 4 : i32
      %mul3A_102 = arith.muli %scan3A_83, %mul3A_101 : i32
      %add3A_103 = arith.constant 1 : i32
      %add3A_104 = arith.addi %mul3A_102, %add3A_103 : i32
      %swap3A_105 = arith.index_cast %add3A_104 : i32 to index
      %swap3A_106 = arith.constant 0 : index
      %swap3A_107 = tpu.vector_load %arg10[%swap3A_105, %swap3A_106] {strides = array<i32>} : memref<160x32xf32, #tpu.memory_space<vmem>>, vector<1x16xf32>,
      %swap3A_108 = vector.shape_cast %swap3A_107 : vector<1x16xf32> to vector<16xf32>
      %swap3A_109 = vector.shape_cast %broadcast_in_dim3A_3 : vector<16xf32> to vector<1x16xf32>
      tpu.vector_store %arg10[%swap3A_105, %swap3A_106], %swap3A_109 {strides = array<i32>} : memref<160x32xf32, #tpu.memory_space<vmem>>, vector<1x16xf32>,
      %mul3A_110 = arith.constant 4 : i32
      %mul3A_111 = arith.muli %scan3A_83, %mul3A_110 : i32
      %add3A_112 = arith.constant 1 : i32
      %add3A_113 = arith.addi %mul3A_111, %add3A_112 : i32
      %swap3A_114 = arith.index_cast %add3A_113 : i32 to index
      %swap3A_115 = arith.constant 16 : index
      %swap3A_116 = tpu.vector_load %arg10[%swap3A_114, %swap3A_115] {strides = array<i32>} : memref<160x32xf32, #tpu.memory_space<vmem>>, vector<1x16xf32>,
      %swap3A_117 = vector.shape_cast %swap3A_116 : vector<1x16xf32> to vector<16xf32>
      %swap3A_118 = vector.shape_cast %broadcast_in_dim3A_3 : vector<16xf32> to vector<1x16xf32>
      tpu.vector_store %arg10[%swap3A_114, %swap3A_115], %swap3A_118 {strides = array<i32>} : memref<160x32xf32, #tpu.memory_space<vmem>>, vector<1x16xf32>,
      %mul3A_119 = arith.constant 4 : i32
      %mul3A_120 = arith.muli %scan3A_83, %mul3A_119 : i32
      %add3A_121 = arith.constant 2 : i32
      %add3A_122 = arith.addi %mul3A_120, %add3A_121 : i32
      %swap3A_123 = arith.index_cast %add3A_122 : i32 to index
      %swap3A_124 = arith.constant 0 : index
      %swap3A_125 = tpu.vector_load %arg10[%swap3A_123, %swap3A_124] {strides = array<i32>} : memref<160x32xf32, #tpu.memory_space<vmem>>, vector<1x16xf32>,
      %swap3A_126 = vector.shape_cast %swap3A_125 : vector<1x16xf32> to vector<16xf32>
      %swap3A_127 = vector.shape_cast %broadcast_in_dim3A_3 : vector<16xf32> to vector<1x16xf32>
      tpu.vector_store %arg10[%swap3A_123, %swap3A_124], %swap3A_127 {strides = array<i32>} : memref<160x32xf32, #tpu.memory_space<vmem>>, vector<1x16xf32>,
      %mul3A_128 = arith.constant 4 : i32
      %mul3A_129 = arith.muli %scan3A_83, %mul3A_128 : i32
      %add3A_130 = arith.constant 2 : i32
      %add3A_131 = arith.addi %mul3A_129, %add3A_130 : i32
      %swap3A_132 = arith.index_cast %add3A_131 : i32 to index
      %swap3A_133 = arith.constant 16 : index
      %swap3A_134 = tpu.vector_load %arg10[%swap3A_132, %swap3A_133] {strides = array<i32>} : memref<160x32xf32, #tpu.memory_space<vmem>>, vector<1x16xf32>,
      %swap3A_135 = vector.shape_cast %swap3A_134 : vector<1x16xf32> to vector<16xf32>
      %swap3A_136 = vector.shape_cast %broadcast_in_dim3A_3 : vector<16xf32> to vector<1x16xf32>
      tpu.vector_store %arg10[%swap3A_132, %swap3A_133], %swap3A_136 {strides = array<i32>} : memref<160x32xf32, #tpu.memory_space<vmem>>, vector<1x16xf32>,
      %mul3A_137 = arith.constant 4 : i32
      %mul3A_138 = arith.muli %scan3A_83, %mul3A_137 : i32
      %add3A_139 = arith.constant 3 : i32
      %add3A_140 = arith.addi %mul3A_138, %add3A_139 : i32
      %swap3A_141 = arith.index_cast %add3A_140 : i32 to index
      %swap3A_142 = arith.constant 0 : index
      %swap3A_143 = tpu.vector_load %arg10[%swap3A_141, %swap3A_142] {strides = array<i32>} : memref<160x32xf32, #tpu.memory_space<vmem>>, vector<1x16xf32>,
      %swap3A_144 = vector.shape_cast %swap3A_143 : vector<1x16xf32> to vector<16xf32>
      %swap3A_145 = vector.shape_cast %broadcast_in_dim3A_3 : vector<16xf32> to vector<1x16xf32>
      tpu.vector_store %arg10[%swap3A_141, %swap3A_142], %swap3A_145 {strides = array<i32>} : memref<160x32xf32, #tpu.memory_space<vmem>>, vector<1x16xf32>,
      %mul3A_146 = arith.constant 4 : i32
      %mul3A_147 = arith.muli %scan3A_83, %mul3A_146 : i32
      %add3A_148 = arith.constant 3 : i32
      %add3A_149 = arith.addi %mul3A_147, %add3A_148 : i32
      %swap3A_150 = arith.index_cast %add3A_149 : i32 to index
      %swap3A_151 = arith.constant 16 : index
      %swap3A_152 = tpu.vector_load %arg10[%swap3A_150, %swap3A_151] {strides = array<i32>} : memref<160x32xf32, #tpu.memory_space<vmem>>, vector<1x16xf32>,
      %swap3A_153 = vector.shape_cast %swap3A_152 : vector<1x16xf32> to vector<16xf32>
      %swap3A_154 = vector.shape_cast %broadcast_in_dim3A_3 : vector<16xf32> to vector<1x16xf32>
      tpu.vector_store %arg10[%swap3A_150, %swap3A_151], %swap3A_154 {strides = array<i32>} : memref<160x32xf32, #tpu.memory_space<vmem>>, vector<1x16xf32>,
    }
    %scan3A_8 = arith.constant 40 : i32
    %add3A = arith.constant 0 : i32
    %add3A_9 = arith.addi %mul3A_2, %add3A : i32
    %add3A_10 = arith.addi %mul3A_0, %add3A_9 : i32
    "tpu.region"() ({
      %run_scoped3A = tpu.sem_alloc : memref<!tpu.dma_semaphore, #tpu.memory_space<semaphore_mem>>
      %dma_start3A = arith.constant 0 : i32
      %dma_start3A_83 = tpu.memref_slice %arg2[%add3A_10, %dma_start3A] : memref<20480x32xf32, #tpu.memory_space<hbm>> -> memref<160x32xf32, #tpu.memory_space<hbm>>
      %dma_start3A_84 = arith.constant 0 : i32
      %dma_start3A_85 = tpu.memref_slice %arg2[%add3A_10, %dma_start3A_84] : memref<20480x32xf32, #tpu.memory_space<hbm>> -> memref<160x32xf32, #tpu.memory_space<hbm>>
      tpu.enqueue_dma source(%dma_start3A_85 : memref<160x32xf32, #tpu.memory_space<hbm>>) target(%arg9 : memref<160x32xf32, #tpu.memory_space<vmem>>) target_semaphore(%run_scoped3A : memref<!tpu.dma_semaphore, #tpu.memory_space<semaphore_mem>>)
      %dma_wait3A = arith.constant 0 : i32
      %dma_wait3A_86 = tpu.memref_slice %arg2[%add3A_10, %dma_wait3A] : memref<20480x32xf32, #tpu.memory_space<hbm>> -> memref<160x32xf32, #tpu.memory_space<hbm>>
      %dma_wait3A_87 = arith.constant 0 : i32
      %dma_wait3A_88 = tpu.memref_slice %arg2[%add3A_10, %dma_wait3A_87] : memref<20480x32xf32, #tpu.memory_space<hbm>> -> memref<160x32xf32, #tpu.memory_space<hbm>>
      tpu.wait_dma2 semaphore(%run_scoped3A : memref<!tpu.dma_semaphore, #tpu.memory_space<semaphore_mem>>) src(%dma_wait3A_88 : memref<160x32xf32, #tpu.memory_space<hbm>>) dst(%arg9 : memref<160x32xf32, #tpu.memory_space<vmem>>)
      tpu.yield
    }) : () -> ()
    "tpu.region"() ({
      %run_scoped3A = tpu.sem_alloc : memref<!tpu.dma_semaphore, #tpu.memory_space<semaphore_mem>>
      %dma_start3A = arith.constant 0 : i32
      %dma_start3A_83 = tpu.memref_slice %arg13[%add3A_9, %dma_start3A] : memref<10240x32xf32, #tpu.memory_space<vmem_shared>> -> memref<160x32xf32, #tpu.memory_space<vmem_shared>>
      %dma_start3A_84 = arith.constant 0 : i32
      %dma_start3A_85 = tpu.memref_slice %arg13[%add3A_9, %dma_start3A_84] : memref<10240x32xf32, #tpu.memory_space<vmem_shared>> -> memref<160x32xf32, #tpu.memory_space<vmem_shared>>
      tpu.enqueue_dma source(%arg9 : memref<160x32xf32, #tpu.memory_space<vmem>>) target(%dma_start3A_85 : memref<160x32xf32, #tpu.memory_space<vmem_shared>>) target_semaphore(%run_scoped3A : memref<!tpu.dma_semaphore, #tpu.memory_space<semaphore_mem>>)
      %dma_wait3A = arith.constant 0 : i32
      %dma_wait3A_86 = tpu.memref_slice %arg13[%add3A_9, %dma_wait3A] : memref<10240x32xf32, #tpu.memory_space<vmem_shared>> -> memref<160x32xf32, #tpu.memory_space<vmem_shared>>
      %dma_wait3A_87 = arith.constant 0 : i32
      %dma_wait3A_88 = tpu.memref_slice %arg13[%add3A_9, %dma_wait3A_87] : memref<10240x32xf32, #tpu.memory_space<vmem_shared>> -> memref<160x32xf32, #tpu.memory_space<vmem_shared>>
      tpu.wait_dma2 semaphore(%run_scoped3A : memref<!tpu.dma_semaphore, #tpu.memory_space<semaphore_mem>>) src(%arg9 : memref<160x32xf32, #tpu.memory_space<vmem>>) dst(%dma_wait3A_88 : memref<160x32xf32, #tpu.memory_space<vmem_shared>>)
      tpu.yield
    }) : () -> ()
    "tpu.region"() ({
      %run_scoped3A = tpu.sem_alloc : memref<!tpu.dma_semaphore, #tpu.memory_space<semaphore_mem>>
      %dma_start3A = arith.constant 0 : i32
      %dma_start3A_83 = tpu.memref_slice %arg12[%add3A_9, %dma_start3A] : memref<10240x32xf32, #tpu.memory_space<vmem_shared>> -> memref<160x32xf32, #tpu.memory_space<vmem_shared>>
      %dma_start3A_84 = arith.constant 0 : i32
      %dma_start3A_85 = tpu.memref_slice %arg12[%add3A_9, %dma_start3A_84] : memref<10240x32xf32, #tpu.memory_space<vmem_shared>> -> memref<160x32xf32, #tpu.memory_space<vmem_shared>>
      tpu.enqueue_dma source(%arg10 : memref<160x32xf32, #tpu.memory_space<vmem>>) target(%dma_start3A_85 : memref<160x32xf32, #tpu.memory_space<vmem_shared>>) target_semaphore(%run_scoped3A : memref<!tpu.dma_semaphore, #tpu.memory_space<semaphore_mem>>)
      %dma_wait3A = arith.constant 0 : i32
      %dma_wait3A_86 = tpu.memref_slice %arg12[%add3A_9, %dma_wait3A] : memref<10240x32xf32, #tpu.memory_space<vmem_shared>> -> memref<160x32xf32, #tpu.memory_space<vmem_shared>>
      %dma_wait3A_87 = arith.constant 0 : i32
      %dma_wait3A_88 = tpu.memref_slice %arg12[%add3A_9, %dma_wait3A_87] : memref<10240x32xf32, #tpu.memory_space<vmem_shared>> -> memref<160x32xf32, #tpu.memory_space<vmem_shared>>
      tpu.wait_dma2 semaphore(%run_scoped3A : memref<!tpu.dma_semaphore, #tpu.memory_space<semaphore_mem>>) src(%arg10 : memref<160x32xf32, #tpu.memory_space<vmem>>) dst(%dma_wait3A_88 : memref<160x32xf32, #tpu.memory_space<vmem_shared>>)
      tpu.yield
    }) : () -> ()
    %add3A_11 = arith.constant 160 : i32
    %add3A_12 = arith.addi %mul3A_2, %add3A_11 : i32
    %add3A_13 = arith.addi %mul3A_0, %add3A_12 : i32
    "tpu.region"() ({
      %run_scoped3A = tpu.sem_alloc : memref<!tpu.dma_semaphore, #tpu.memory_space<semaphore_mem>>
      %dma_start3A = arith.constant 0 : i32
      %dma_start3A_83 = tpu.memref_slice %arg2[%add3A_13, %dma_start3A] : memref<20480x32xf32, #tpu.memory_space<hbm>> -> memref<160x32xf32, #tpu.memory_space<hbm>>
      %dma_start3A_84 = arith.constant 0 : i32
      %dma_start3A_85 = tpu.memref_slice %arg2[%add3A_13, %dma_start3A_84] : memref<20480x32xf32, #tpu.memory_space<hbm>> -> memref<160x32xf32, #tpu.memory_space<hbm>>
      tpu.enqueue_dma source(%dma_start3A_85 : memref<160x32xf32, #tpu.memory_space<hbm>>) target(%arg9 : memref<160x32xf32, #tpu.memory_space<vmem>>) target_semaphore(%run_scoped3A : memref<!tpu.dma_semaphore, #tpu.memory_space<semaphore_mem>>)
      %dma_wait3A = arith.constant 0 : i32
      %dma_wait3A_86 = tpu.memref_slice %arg2[%add3A_13, %dma_wait3A] : memref<20480x32xf32, #tpu.memory_space<hbm>> -> memref<160x32xf32, #tpu.memory_space<hbm>>
      %dma_wait3A_87 = arith.constant 0 : i32
      %dma_wait3A_88 = tpu.memref_slice %arg2[%add3A_13, %dma_wait3A_87] : memref<20480x32xf32, #tpu.memory_space<hbm>> -> memref<160x32xf32, #tpu.memory_space<hbm>>
      tpu.wait_dma2 semaphore(%run_scoped3A : memref<!tpu.dma_semaphore, #tpu.memory_space<semaphore_mem>>) src(%dma_wait3A_88 : memref<160x32xf32, #tpu.memory_space<hbm>>) dst(%arg9 : memref<160x32xf32, #tpu.memory_space<vmem>>)
      tpu.yield
    }) : () -> ()
    "tpu.region"() ({
      %run_scoped3A = tpu.sem_alloc : memref<!tpu.dma_semaphore, #tpu.memory_space<semaphore_mem>>
      %dma_start3A = arith.constant 0 : i32
      %dma_start3A_83 = tpu.memref_slice %arg13[%add3A_12, %dma_start3A] : memref<10240x32xf32, #tpu.memory_space<vmem_shared>> -> memref<160x32xf32, #tpu.memory_space<vmem_shared>>
      %dma_start3A_84 = arith.constant 0 : i32
      %dma_start3A_85 = tpu.memref_slice %arg13[%add3A_12, %dma_start3A_84] : memref<10240x32xf32, #tpu.memory_space<vmem_shared>> -> memref<160x32xf32, #tpu.memory_space<vmem_shared>>
      tpu.enqueue_dma source(%arg9 : memref<160x32xf32, #tpu.memory_space<vmem>>) target(%dma_start3A_85 : memref<160x32xf32, #tpu.memory_space<vmem_shared>>) target_semaphore(%run_scoped3A : memref<!tpu.dma_semaphore, #tpu.memory_space<semaphore_mem>>)
      %dma_wait3A = arith.constant 0 : i32
      %dma_wait3A_86 = tpu.memref_slice %arg13[%add3A_12, %dma_wait3A] : memref<10240x32xf32, #tpu.memory_space<vmem_shared>> -> memref<160x32xf32, #tpu.memory_space<vmem_shared>>
      %dma_wait3A_87 = arith.constant 0 : i32
      %dma_wait3A_88 = tpu.memref_slice %arg13[%add3A_12, %dma_wait3A_87] : memref<10240x32xf32, #tpu.memory_space<vmem_shared>> -> memref<160x32xf32, #tpu.memory_space<vmem_shared>>
      tpu.wait_dma2 semaphore(%run_scoped3A : memref<!tpu.dma_semaphore, #tpu.memory_space<semaphore_mem>>) src(%arg9 : memref<160x32xf32, #tpu.memory_space<vmem>>) dst(%dma_wait3A_88 : memref<160x32xf32, #tpu.memory_space<vmem_shared>>)
      tpu.yield
    }) : () -> ()
    "tpu.region"() ({
      %run_scoped3A = tpu.sem_alloc : memref<!tpu.dma_semaphore, #tpu.memory_space<semaphore_mem>>
      %dma_start3A = arith.constant 0 : i32
      %dma_start3A_83 = tpu.memref_slice %arg12[%add3A_12, %dma_start3A] : memref<10240x32xf32, #tpu.memory_space<vmem_shared>> -> memref<160x32xf32, #tpu.memory_space<vmem_shared>>
      %dma_start3A_84 = arith.constant 0 : i32
      %dma_start3A_85 = tpu.memref_slice %arg12[%add3A_12, %dma_start3A_84] : memref<10240x32xf32, #tpu.memory_space<vmem_shared>> -> memref<160x32xf32, #tpu.memory_space<vmem_shared>>
      tpu.enqueue_dma source(%arg10 : memref<160x32xf32, #tpu.memory_space<vmem>>) target(%dma_start3A_85 : memref<160x32xf32, #tpu.memory_space<vmem_shared>>) target_semaphore(%run_scoped3A : memref<!tpu.dma_semaphore, #tpu.memory_space<semaphore_mem>>)
      %dma_wait3A = arith.constant 0 : i32
      %dma_wait3A_86 = tpu.memref_slice %arg12[%add3A_12, %dma_wait3A] : memref<10240x32xf32, #tpu.memory_space<vmem_shared>> -> memref<160x32xf32, #tpu.memory_space<vmem_shared>>
      %dma_wait3A_87 = arith.constant 0 : i32
      %dma_wait3A_88 = tpu.memref_slice %arg12[%add3A_12, %dma_wait3A_87] : memref<10240x32xf32, #tpu.memory_space<vmem_shared>> -> memref<160x32xf32, #tpu.memory_space<vmem_shared>>
      tpu.wait_dma2 semaphore(%run_scoped3A : memref<!tpu.dma_semaphore, #tpu.memory_space<semaphore_mem>>) src(%arg10 : memref<160x32xf32, #tpu.memory_space<vmem>>) dst(%dma_wait3A_88 : memref<160x32xf32, #tpu.memory_space<vmem_shared>>)
      tpu.yield
    }) : () -> ()
    %add3A_14 = arith.constant 320 : i32
    %add3A_15 = arith.addi %mul3A_2, %add3A_14 : i32
    %add3A_16 = arith.addi %mul3A_0, %add3A_15 : i32
    "tpu.region"() ({
      %run_scoped3A = tpu.sem_alloc : memref<!tpu.dma_semaphore, #tpu.memory_space<semaphore_mem>>
      %dma_start3A = arith.constant 0 : i32
      %dma_start3A_83 = tpu.memref_slice %arg2[%add3A_16, %dma_start3A] : memref<20480x32xf32, #tpu.memory_space<hbm>> -> memref<160x32xf32, #tpu.memory_space<hbm>>
      %dma_start3A_84 = arith.constant 0 : i32
      %dma_start3A_85 = tpu.memref_slice %arg2[%add3A_16, %dma_start3A_84] : memref<20480x32xf32, #tpu.memory_space<hbm>> -> memref<160x32xf32, #tpu.memory_space<hbm>>
      tpu.enqueue_dma source(%dma_start3A_85 : memref<160x32xf32, #tpu.memory_space<hbm>>) target(%arg9 : memref<160x32xf32, #tpu.memory_space<vmem>>) target_semaphore(%run_scoped3A : memref<!tpu.dma_semaphore, #tpu.memory_space<semaphore_mem>>)
      %dma_wait3A = arith.constant 0 : i32
      %dma_wait3A_86 = tpu.memref_slice %arg2[%add3A_16, %dma_wait3A] : memref<20480x32xf32, #tpu.memory_space<hbm>> -> memref<160x32xf32, #tpu.memory_space<hbm>>
      %dma_wait3A_87 = arith.constant 0 : i32
      %dma_wait3A_88 = tpu.memref_slice %arg2[%add3A_16, %dma_wait3A_87] : memref<20480x32xf32, #tpu.memory_space<hbm>> -> memref<160x32xf32, #tpu.memory_space<hbm>>
      tpu.wait_dma2 semaphore(%run_scoped3A : memref<!tpu.dma_semaphore, #tpu.memory_space<semaphore_mem>>) src(%dma_wait3A_88 : memref<160x32xf32, #tpu.memory_space<hbm>>) dst(%arg9 : memref<160x32xf32, #tpu.memory_space<vmem>>)
      tpu.yield
    }) : () -> ()
    "tpu.region"() ({
      %run_scoped3A = tpu.sem_alloc : memref<!tpu.dma_semaphore, #tpu.memory_space<semaphore_mem>>
      %dma_start3A = arith.constant 0 : i32
      %dma_start3A_83 = tpu.memref_slice %arg13[%add3A_15, %dma_start3A] : memref<10240x32xf32, #tpu.memory_space<vmem_shared>> -> memref<160x32xf32, #tpu.memory_space<vmem_shared>>
      %dma_start3A_84 = arith.constant 0 : i32
      %dma_start3A_85 = tpu.memref_slice %arg13[%add3A_15, %dma_start3A_84] : memref<10240x32xf32, #tpu.memory_space<vmem_shared>> -> memref<160x32xf32, #tpu.memory_space<vmem_shared>>
      tpu.enqueue_dma source(%arg9 : memref<160x32xf32, #tpu.memory_space<vmem>>) target(%dma_start3A_85 : memref<160x32xf32, #tpu.memory_space<vmem_shared>>) target_semaphore(%run_scoped3A : memref<!tpu.dma_semaphore, #tpu.memory_space<semaphore_mem>>)
      %dma_wait3A = arith.constant 0 : i32
      %dma_wait3A_86 = tpu.memref_slice %arg13[%add3A_15, %dma_wait3A] : memref<10240x32xf32, #tpu.memory_space<vmem_shared>> -> memref<160x32xf32, #tpu.memory_space<vmem_shared>>
      %dma_wait3A_87 = arith.constant 0 : i32
      %dma_wait3A_88 = tpu.memref_slice %arg13[%add3A_15, %dma_wait3A_87] : memref<10240x32xf32, #tpu.memory_space<vmem_shared>> -> memref<160x32xf32, #tpu.memory_space<vmem_shared>>
      tpu.wait_dma2 semaphore(%run_scoped3A : memref<!tpu.dma_semaphore, #tpu.memory_space<semaphore_mem>>) src(%arg9 : memref<160x32xf32, #tpu.memory_space<vmem>>) dst(%dma_wait3A_88 : memref<160x32xf32, #tpu.memory_space<vmem_shared>>)
      tpu.yield
    }) : () -> ()
    "tpu.region"() ({
      %run_scoped3A = tpu.sem_alloc : memref<!tpu.dma_semaphore, #tpu.memory_space<semaphore_mem>>
      %dma_start3A = arith.constant 0 : i32
      %dma_start3A_83 = tpu.memref_slice %arg12[%add3A_15, %dma_start3A] : memref<10240x32xf32, #tpu.memory_space<vmem_shared>> -> memref<160x32xf32, #tpu.memory_space<vmem_shared>>
      %dma_start3A_84 = arith.constant 0 : i32
      %dma_start3A_85 = tpu.memref_slice %arg12[%add3A_15, %dma_start3A_84] : memref<10240x32xf32, #tpu.memory_space<vmem_shared>> -> memref<160x32xf32, #tpu.memory_space<vmem_shared>>
      tpu.enqueue_dma source(%arg10 : memref<160x32xf32, #tpu.memory_space<vmem>>) target(%dma_start3A_85 : memref<160x32xf32, #tpu.memory_space<vmem_shared>>) target_semaphore(%run_scoped3A : memref<!tpu.dma_semaphore, #tpu.memory_space<semaphore_mem>>)
      %dma_wait3A = arith.constant 0 : i32
      %dma_wait3A_86 = tpu.memref_slice %arg12[%add3A_15, %dma_wait3A] : memref<10240x32xf32, #tpu.memory_space<vmem_shared>> -> memref<160x32xf32, #tpu.memory_space<vmem_shared>>
      %dma_wait3A_87 = arith.constant 0 : i32
      %dma_wait3A_88 = tpu.memref_slice %arg12[%add3A_15, %dma_wait3A_87] : memref<10240x32xf32, #tpu.memory_space<vmem_shared>> -> memref<160x32xf32, #tpu.memory_space<vmem_shared>>
      tpu.wait_dma2 semaphore(%run_scoped3A : memref<!tpu.dma_semaphore, #tpu.memory_space<semaphore_mem>>) src(%arg10 : memref<160x32xf32, #tpu.memory_space<vmem>>) dst(%dma_wait3A_88 : memref<160x32xf32, #tpu.memory_space<vmem_shared>>)
      tpu.yield
    }) : () -> ()
    %add3A_17 = arith.constant 480 : i32
    %add3A_18 = arith.addi %mul3A_2, %add3A_17 : i32
    %add3A_19 = arith.addi %mul3A_0, %add3A_18 : i32
    "tpu.region"() ({
      %run_scoped3A = tpu.sem_alloc : memref<!tpu.dma_semaphore, #tpu.memory_space<semaphore_mem>>
      %dma_start3A = arith.constant 0 : i32
      %dma_start3A_83 = tpu.memref_slice %arg2[%add3A_19, %dma_start3A] : memref<20480x32xf32, #tpu.memory_space<hbm>> -> memref<160x32xf32, #tpu.memory_space<hbm>>
      %dma_start3A_84 = arith.constant 0 : i32
      %dma_start3A_85 = tpu.memref_slice %arg2[%add3A_19, %dma_start3A_84] : memref<20480x32xf32, #tpu.memory_space<hbm>> -> memref<160x32xf32, #tpu.memory_space<hbm>>
      tpu.enqueue_dma source(%dma_start3A_85 : memref<160x32xf32, #tpu.memory_space<hbm>>) target(%arg9 : memref<160x32xf32, #tpu.memory_space<vmem>>) target_semaphore(%run_scoped3A : memref<!tpu.dma_semaphore, #tpu.memory_space<semaphore_mem>>)
      %dma_wait3A = arith.constant 0 : i32
      %dma_wait3A_86 = tpu.memref_slice %arg2[%add3A_19, %dma_wait3A] : memref<20480x32xf32, #tpu.memory_space<hbm>> -> memref<160x32xf32, #tpu.memory_space<hbm>>
      %dma_wait3A_87 = arith.constant 0 : i32
      %dma_wait3A_88 = tpu.memref_slice %arg2[%add3A_19, %dma_wait3A_87] : memref<20480x32xf32, #tpu.memory_space<hbm>> -> memref<160x32xf32, #tpu.memory_space<hbm>>
      tpu.wait_dma2 semaphore(%run_scoped3A : memref<!tpu.dma_semaphore, #tpu.memory_space<semaphore_mem>>) src(%dma_wait3A_88 : memref<160x32xf32, #tpu.memory_space<hbm>>) dst(%arg9 : memref<160x32xf32, #tpu.memory_space<vmem>>)
      tpu.yield
    }) : () -> ()
    "tpu.region"() ({
      %run_scoped3A = tpu.sem_alloc : memref<!tpu.dma_semaphore, #tpu.memory_space<semaphore_mem>>
      %dma_start3A = arith.constant 0 : i32
      %dma_start3A_83 = tpu.memref_slice %arg13[%add3A_18, %dma_start3A] : memref<10240x32xf32, #tpu.memory_space<vmem_shared>> -> memref<160x32xf32, #tpu.memory_space<vmem_shared>>
      %dma_start3A_84 = arith.constant 0 : i32
      %dma_start3A_85 = tpu.memref_slice %arg13[%add3A_18, %dma_start3A_84] : memref<10240x32xf32, #tpu.memory_space<vmem_shared>> -> memref<160x32xf32, #tpu.memory_space<vmem_shared>>
      tpu.enqueue_dma source(%arg9 : memref<160x32xf32, #tpu.memory_space<vmem>>) target(%dma_start3A_85 : memref<160x32xf32, #tpu.memory_space<vmem_shared>>) target_semaphore(%run_scoped3A : memref<!tpu.dma_semaphore, #tpu.memory_space<semaphore_mem>>)
      %dma_wait3A = arith.constant 0 : i32
      %dma_wait3A_86 = tpu.memref_slice %arg13[%add3A_18, %dma_wait3A] : memref<10240x32xf32, #tpu.memory_space<vmem_shared>> -> memref<160x32xf32, #tpu.memory_space<vmem_shared>>
      %dma_wait3A_87 = arith.constant 0 : i32
      %dma_wait3A_88 = tpu.memref_slice %arg13[%add3A_18, %dma_wait3A_87] : memref<10240x32xf32, #tpu.memory_space<vmem_shared>> -> memref<160x32xf32, #tpu.memory_space<vmem_shared>>
      tpu.wait_dma2 semaphore(%run_scoped3A : memref<!tpu.dma_semaphore, #tpu.memory_space<semaphore_mem>>) src(%arg9 : memref<160x32xf32, #tpu.memory_space<vmem>>) dst(%dma_wait3A_88 : memref<160x32xf32, #tpu.memory_space<vmem_shared>>)
      tpu.yield
    }) : () -> ()
    "tpu.region"() ({
      %run_scoped3A = tpu.sem_alloc : memref<!tpu.dma_semaphore, #tpu.memory_space<semaphore_mem>>
      %dma_start3A = arith.constant 0 : i32
      %dma_start3A_83 = tpu.memref_slice %arg12[%add3A_18, %dma_start3A] : memref<10240x32xf32, #tpu.memory_space<vmem_shared>> -> memref<160x32xf32, #tpu.memory_space<vmem_shared>>
      %dma_start3A_84 = arith.constant 0 : i32
      %dma_start3A_85 = tpu.memref_slice %arg12[%add3A_18, %dma_start3A_84] : memref<10240x32xf32, #tpu.memory_space<vmem_shared>> -> memref<160x32xf32, #tpu.memory_space<vmem_shared>>
      tpu.enqueue_dma source(%arg10 : memref<160x32xf32, #tpu.memory_space<vmem>>) target(%dma_start3A_85 : memref<160x32xf32, #tpu.memory_space<vmem_shared>>) target_semaphore(%run_scoped3A : memref<!tpu.dma_semaphore, #tpu.memory_space<semaphore_mem>>)
      %dma_wait3A = arith.constant 0 : i32
      %dma_wait3A_86 = tpu.memref_slice %arg12[%add3A_18, %dma_wait3A] : memref<10240x32xf32, #tpu.memory_space<vmem_shared>> -> memref<160x32xf32, #tpu.memory_space<vmem_shared>>
      %dma_wait3A_87 = arith.constant 0 : i32
      %dma_wait3A_88 = tpu.memref_slice %arg12[%add3A_18, %dma_wait3A_87] : memref<10240x32xf32, #tpu.memory_space<vmem_shared>> -> memref<160x32xf32, #tpu.memory_space<vmem_shared>>
      tpu.wait_dma2 semaphore(%run_scoped3A : memref<!tpu.dma_semaphore, #tpu.memory_space<semaphore_mem>>) src(%arg10 : memref<160x32xf32, #tpu.memory_space<vmem>>) dst(%dma_wait3A_88 : memref<160x32xf32, #tpu.memory_space<vmem_shared>>)
      tpu.yield
    }) : () -> ()
    %barrier3A = arith.constant 0 : index
    tpu.barrier barrier_id(%barrier3A)
    %broadcast_in_dim3A_20 = arith.constant 1.000000e+00 : f32
    %broadcast_in_dim3A_21 = vector.broadcast %broadcast_in_dim3A_20 : f32 to vector<16xf32>
    %scan3A_22 = arith.constant 0 : i32
    %scan3A_23 = arith.constant 0 : i32
    %scan3A_24 = arith.constant 0 : i32
    %scan3A_25 = arith.constant 32 : i32
    %scan3A_26 = arith.addi %scan3A_24, %scan3A_25 : i32
    %scan3A_27 = arith.constant 1 : i32
    scf.for %scan3A_83 = %scan3A_24 to %scan3A_26 step %scan3A_27  : i32 {
      %mul3A_84 = arith.constant 4 : i32
      %mul3A_85 = arith.muli %scan3A_83, %mul3A_84 : i32
      %add3A_86 = arith.constant 0 : i32
      %add3A_87 = arith.addi %mul3A_85, %add3A_86 : i32
      %swap3A = arith.constant 0 : i32
      %swap3A_88 = arith.constant 0 : i32
      %swap3A_89 = tpu.memref_slice %arg8[%scan3A_23, %swap3A, %swap3A_88] : memref<5x128x32xf32, #tpu.memory_space<vmem>> -> memref<1x128x32xf32, #tpu.memory_space<vmem>>
      %swap3A_90 = tpu.memref_squeeze %swap3A_89 : memref<1x128x32xf32, #tpu.memory_space<vmem>> -> memref<128x32xf32, #tpu.memory_space<vmem>>
      %swap3A_91 = arith.index_cast %add3A_87 : i32 to index
      %swap3A_92 = arith.constant 0 : index
      %swap3A_93 = tpu.vector_load %swap3A_90[%swap3A_91, %swap3A_92] {strides = array<i32>} : memref<128x32xf32, #tpu.memory_space<vmem>>, vector<1x16xf32>,
      %swap3A_94 = vector.shape_cast %swap3A_93 : vector<1x16xf32> to vector<16xf32>
      %swap3A_95 = vector.shape_cast %broadcast_in_dim3A_21 : vector<16xf32> to vector<1x16xf32>
      tpu.vector_store %swap3A_90[%swap3A_91, %swap3A_92], %swap3A_95 {strides = array<i32>} : memref<128x32xf32, #tpu.memory_space<vmem>>, vector<1x16xf32>,
      %mul3A_96 = arith.constant 4 : i32
      %mul3A_97 = arith.muli %scan3A_83, %mul3A_96 : i32
      %add3A_98 = arith.constant 0 : i32
      %add3A_99 = arith.addi %mul3A_97, %add3A_98 : i32
      %swap3A_100 = arith.constant 0 : i32
      %swap3A_101 = arith.constant 0 : i32
      %swap3A_102 = tpu.memref_slice %arg8[%scan3A_23, %swap3A_100, %swap3A_101] : memref<5x128x32xf32, #tpu.memory_space<vmem>> -> memref<1x128x32xf32, #tpu.memory_space<vmem>>
      %swap3A_103 = tpu.memref_squeeze %swap3A_102 : memref<1x128x32xf32, #tpu.memory_space<vmem>> -> memref<128x32xf32, #tpu.memory_space<vmem>>
      %swap3A_104 = arith.index_cast %add3A_99 : i32 to index
      %swap3A_105 = arith.constant 16 : index
      %swap3A_106 = tpu.vector_load %swap3A_103[%swap3A_104, %swap3A_105] {strides = array<i32>} : memref<128x32xf32, #tpu.memory_space<vmem>>, vector<1x16xf32>,
      %swap3A_107 = vector.shape_cast %swap3A_106 : vector<1x16xf32> to vector<16xf32>
      %swap3A_108 = vector.shape_cast %broadcast_in_dim3A_21 : vector<16xf32> to vector<1x16xf32>
      tpu.vector_store %swap3A_103[%swap3A_104, %swap3A_105], %swap3A_108 {strides = array<i32>} : memref<128x32xf32, #tpu.memory_space<vmem>>, vector<1x16xf32>,
      %mul3A_109 = arith.constant 4 : i32
      %mul3A_110 = arith.muli %scan3A_83, %mul3A_109 : i32
      %add3A_111 = arith.constant 1 : i32
      %add3A_112 = arith.addi %mul3A_110, %add3A_111 : i32
      %swap3A_113 = arith.constant 0 : i32
      %swap3A_114 = arith.constant 0 : i32
      %swap3A_115 = tpu.memref_slice %arg8[%scan3A_23, %swap3A_113, %swap3A_114] : memref<5x128x32xf32, #tpu.memory_space<vmem>> -> memref<1x128x32xf32, #tpu.memory_space<vmem>>
      %swap3A_116 = tpu.memref_squeeze %swap3A_115 : memref<1x128x32xf32, #tpu.memory_space<vmem>> -> memref<128x32xf32, #tpu.memory_space<vmem>>
      %swap3A_117 = arith.index_cast %add3A_112 : i32 to index
      %swap3A_118 = arith.constant 0 : index
      %swap3A_119 = tpu.vector_load %swap3A_116[%swap3A_117, %swap3A_118] {strides = array<i32>} : memref<128x32xf32, #tpu.memory_space<vmem>>, vector<1x16xf32>,
      %swap3A_120 = vector.shape_cast %swap3A_119 : vector<1x16xf32> to vector<16xf32>
      %swap3A_121 = vector.shape_cast %broadcast_in_dim3A_21 : vector<16xf32> to vector<1x16xf32>
      tpu.vector_store %swap3A_116[%swap3A_117, %swap3A_118], %swap3A_121 {strides = array<i32>} : memref<128x32xf32, #tpu.memory_space<vmem>>, vector<1x16xf32>,
      %mul3A_122 = arith.constant 4 : i32
      %mul3A_123 = arith.muli %scan3A_83, %mul3A_122 : i32
      %add3A_124 = arith.constant 1 : i32
      %add3A_125 = arith.addi %mul3A_123, %add3A_124 : i32
      %swap3A_126 = arith.constant 0 : i32
      %swap3A_127 = arith.constant 0 : i32
      %swap3A_128 = tpu.memref_slice %arg8[%scan3A_23, %swap3A_126, %swap3A_127] : memref<5x128x32xf32, #tpu.memory_space<vmem>> -> memref<1x128x32xf32, #tpu.memory_space<vmem>>
      %swap3A_129 = tpu.memref_squeeze %swap3A_128 : memref<1x128x32xf32, #tpu.memory_space<vmem>> -> memref<128x32xf32, #tpu.memory_space<vmem>>
      %swap3A_130 = arith.index_cast %add3A_125 : i32 to index
      %swap3A_131 = arith.constant 16 : index
      %swap3A_132 = tpu.vector_load %swap3A_129[%swap3A_130, %swap3A_131] {strides = array<i32>} : memref<128x32xf32, #tpu.memory_space<vmem>>, vector<1x16xf32>,
      %swap3A_133 = vector.shape_cast %swap3A_132 : vector<1x16xf32> to vector<16xf32>
      %swap3A_134 = vector.shape_cast %broadcast_in_dim3A_21 : vector<16xf32> to vector<1x16xf32>
      tpu.vector_store %swap3A_129[%swap3A_130, %swap3A_131], %swap3A_134 {strides = array<i32>} : memref<128x32xf32, #tpu.memory_space<vmem>>, vector<1x16xf32>,
      %mul3A_135 = arith.constant 4 : i32
      %mul3A_136 = arith.muli %scan3A_83, %mul3A_135 : i32
      %add3A_137 = arith.constant 2 : i32
      %add3A_138 = arith.addi %mul3A_136, %add3A_137 : i32
      %swap3A_139 = arith.constant 0 : i32
      %swap3A_140 = arith.constant 0 : i32
      %swap3A_141 = tpu.memref_slice %arg8[%scan3A_23, %swap3A_139, %swap3A_140] : memref<5x128x32xf32, #tpu.memory_space<vmem>> -> memref<1x128x32xf32, #tpu.memory_space<vmem>>
      %swap3A_142 = tpu.memref_squeeze %swap3A_141 : memref<1x128x32xf32, #tpu.memory_space<vmem>> -> memref<128x32xf32, #tpu.memory_space<vmem>>
      %swap3A_143 = arith.index_cast %add3A_138 : i32 to index
      %swap3A_144 = arith.constant 0 : index
      %swap3A_145 = tpu.vector_load %swap3A_142[%swap3A_143, %swap3A_144] {strides = array<i32>} : memref<128x32xf32, #tpu.memory_space<vmem>>, vector<1x16xf32>,
      %swap3A_146 = vector.shape_cast %swap3A_145 : vector<1x16xf32> to vector<16xf32>
      %swap3A_147 = vector.shape_cast %broadcast_in_dim3A_21 : vector<16xf32> to vector<1x16xf32>
      tpu.vector_store %swap3A_142[%swap3A_143, %swap3A_144], %swap3A_147 {strides = array<i32>} : memref<128x32xf32, #tpu.memory_space<vmem>>, vector<1x16xf32>,
      %mul3A_148 = arith.constant 4 : i32
      %mul3A_149 = arith.muli %scan3A_83, %mul3A_148 : i32
      %add3A_150 = arith.constant 2 : i32
      %add3A_151 = arith.addi %mul3A_149, %add3A_150 : i32
      %swap3A_152 = arith.constant 0 : i32
      %swap3A_153 = arith.constant 0 : i32
      %swap3A_154 = tpu.memref_slice %arg8[%scan3A_23, %swap3A_152, %swap3A_153] : memref<5x128x32xf32, #tpu.memory_space<vmem>> -> memref<1x128x32xf32, #tpu.memory_space<vmem>>
      %swap3A_155 = tpu.memref_squeeze %swap3A_154 : memref<1x128x32xf32, #tpu.memory_space<vmem>> -> memref<128x32xf32, #tpu.memory_space<vmem>>
      %swap3A_156 = arith.index_cast %add3A_151 : i32 to index
      %swap3A_157 = arith.constant 16 : index
      %swap3A_158 = tpu.vector_load %swap3A_155[%swap3A_156, %swap3A_157] {strides = array<i32>} : memref<128x32xf32, #tpu.memory_space<vmem>>, vector<1x16xf32>,
      %swap3A_159 = vector.shape_cast %swap3A_158 : vector<1x16xf32> to vector<16xf32>
      %swap3A_160 = vector.shape_cast %broadcast_in_dim3A_21 : vector<16xf32> to vector<1x16xf32>
      tpu.vector_store %swap3A_155[%swap3A_156, %swap3A_157], %swap3A_160 {strides = array<i32>} : memref<128x32xf32, #tpu.memory_space<vmem>>, vector<1x16xf32>,
      %mul3A_161 = arith.constant 4 : i32
      %mul3A_162 = arith.muli %scan3A_83, %mul3A_161 : i32
      %add3A_163 = arith.constant 3 : i32
      %add3A_164 = arith.addi %mul3A_162, %add3A_163 : i32
      %swap3A_165 = arith.constant 0 : i32
      %swap3A_166 = arith.constant 0 : i32
      %swap3A_167 = tpu.memref_slice %arg8[%scan3A_23, %swap3A_165, %swap3A_166] : memref<5x128x32xf32, #tpu.memory_space<vmem>> -> memref<1x128x32xf32, #tpu.memory_space<vmem>>
      %swap3A_168 = tpu.memref_squeeze %swap3A_167 : memref<1x128x32xf32, #tpu.memory_space<vmem>> -> memref<128x32xf32, #tpu.memory_space<vmem>>
      %swap3A_169 = arith.index_cast %add3A_164 : i32 to index
      %swap3A_170 = arith.constant 0 : index
      %swap3A_171 = tpu.vector_load %swap3A_168[%swap3A_169, %swap3A_170] {strides = array<i32>} : memref<128x32xf32, #tpu.memory_space<vmem>>, vector<1x16xf32>,
      %swap3A_172 = vector.shape_cast %swap3A_171 : vector<1x16xf32> to vector<16xf32>
      %swap3A_173 = vector.shape_cast %broadcast_in_dim3A_21 : vector<16xf32> to vector<1x16xf32>
      tpu.vector_store %swap3A_168[%swap3A_169, %swap3A_170], %swap3A_173 {strides = array<i32>} : memref<128x32xf32, #tpu.memory_space<vmem>>, vector<1x16xf32>,
      %mul3A_174 = arith.constant 4 : i32
      %mul3A_175 = arith.muli %scan3A_83, %mul3A_174 : i32
      %add3A_176 = arith.constant 3 : i32
      %add3A_177 = arith.addi %mul3A_175, %add3A_176 : i32
      %swap3A_178 = arith.constant 0 : i32
      %swap3A_179 = arith.constant 0 : i32
      %swap3A_180 = tpu.memref_slice %arg8[%scan3A_23, %swap3A_178, %swap3A_179] : memref<5x128x32xf32, #tpu.memory_space<vmem>> -> memref<1x128x32xf32, #tpu.memory_space<vmem>>
      %swap3A_181 = tpu.memref_squeeze %swap3A_180 : memref<1x128x32xf32, #tpu.memory_space<vmem>> -> memref<128x32xf32, #tpu.memory_space<vmem>>
      %swap3A_182 = arith.index_cast %add3A_177 : i32 to index
      %swap3A_183 = arith.constant 16 : index
      %swap3A_184 = tpu.vector_load %swap3A_181[%swap3A_182, %swap3A_183] {strides = array<i32>} : memref<128x32xf32, #tpu.memory_space<vmem>>, vector<1x16xf32>,
      %swap3A_185 = vector.shape_cast %swap3A_184 : vector<1x16xf32> to vector<16xf32>
      %swap3A_186 = vector.shape_cast %broadcast_in_dim3A_21 : vector<16xf32> to vector<1x16xf32>
      tpu.vector_store %swap3A_181[%swap3A_182, %swap3A_183], %swap3A_186 {strides = array<i32>} : memref<128x32xf32, #tpu.memory_space<vmem>>, vector<1x16xf32>,
    }
    %scan3A_28 = arith.constant 32 : i32
    %scan3A_29 = arith.constant 0 : i32
    %scan3A_30 = arith.constant 0 : i32
    %scan3A_31 = arith.constant 160 : i32
    %scan3A_32 = arith.addi %scan3A_30, %scan3A_31 : i32
    %scan3A_33 = arith.constant 1 : i32
    scf.for %scan3A_83 = %scan3A_30 to %scan3A_32 step %scan3A_33  : i32 {
      %run_scoped3A = arith.constant 0 : i32
      "tpu.region"() ({
        %run_scoped3A_84 = tpu.sem_alloc : memref<!tpu.dma_semaphore, #tpu.memory_space<semaphore_mem>>
        %dma_start3A = arith.constant 0 : i32
        %dma_start3A_85 = arith.constant 0 : i32
        %dma_start3A_86 = tpu.memref_slice %arg8[%run_scoped3A, %dma_start3A, %dma_start3A_85] : memref<5x128x32xf32, #tpu.memory_space<vmem>> -> memref<1x128x32xf32, #tpu.memory_space<vmem>>
        %dma_start3A_87 = tpu.memref_squeeze %dma_start3A_86 : memref<1x128x32xf32, #tpu.memory_space<vmem>> -> memref<128x32xf32, #tpu.memory_space<vmem>>
        %dma_start3A_88 = arith.constant 0 : i32
        %dma_start3A_89 = tpu.memref_slice %arg7[%scan3A_83, %dma_start3A_88] : memref<160x128xi32, #tpu.memory_space<vmem>> -> memref<1x128xi32, #tpu.memory_space<vmem>>
        %dma_start3A_90 = tpu.memref_squeeze %dma_start3A_89 : memref<1x128xi32, #tpu.memory_space<vmem>> -> memref<128xi32, #tpu.memory_space<vmem>>
        %dma_start3A_91 = arith.constant 0 : i32
        %dma_start3A_92 = arith.constant 0 : i32
        %dma_start3A_93 = tpu.memref_slice %arg12[%dma_start3A_91, %dma_start3A_92] : memref<10240x32xf32, #tpu.memory_space<vmem_shared>> -> memref<10240x32xf32, #tpu.memory_space<vmem_shared>>
        tpu.enqueue_indirect_dma source(%dma_start3A_87 : memref<128x32xf32, #tpu.memory_space<vmem>>) target(%dma_start3A_93 : memref<10240x32xf32, #tpu.memory_space<vmem_shared>>) offsets(%dma_start3A_90 : memref<128xi32, #tpu.memory_space<vmem>>) semaphore(%run_scoped3A_84 : memref<!tpu.dma_semaphore, #tpu.memory_space<semaphore_mem>>) {add = true}
        %dma_wait3A = arith.constant 0 : i32
        %dma_wait3A_94 = arith.constant 0 : i32
        %dma_wait3A_95 = tpu.memref_slice %arg8[%run_scoped3A, %dma_wait3A, %dma_wait3A_94] : memref<5x128x32xf32, #tpu.memory_space<vmem>> -> memref<1x128x32xf32, #tpu.memory_space<vmem>>
        %dma_wait3A_96 = tpu.memref_squeeze %dma_wait3A_95 : memref<1x128x32xf32, #tpu.memory_space<vmem>> -> memref<128x32xf32, #tpu.memory_space<vmem>>
        %dma_wait3A_97 = arith.constant 0 : i32
        %dma_wait3A_98 = tpu.memref_slice %arg7[%scan3A_83, %dma_wait3A_97] : memref<160x128xi32, #tpu.memory_space<vmem>> -> memref<1x128xi32, #tpu.memory_space<vmem>>
        %dma_wait3A_99 = tpu.memref_squeeze %dma_wait3A_98 : memref<1x128xi32, #tpu.memory_space<vmem>> -> memref<128xi32, #tpu.memory_space<vmem>>
        %dma_wait3A_100 = arith.constant 0 : i32
        %dma_wait3A_101 = arith.constant 0 : i32
        %dma_wait3A_102 = tpu.memref_slice %arg12[%dma_wait3A_100, %dma_wait3A_101] : memref<10240x32xf32, #tpu.memory_space<vmem_shared>> -> memref<10240x32xf32, #tpu.memory_space<vmem_shared>>
        tpu.wait_indirect_dma semaphore(%run_scoped3A_84 : memref<!tpu.dma_semaphore, #tpu.memory_space<semaphore_mem>>) src(%dma_wait3A_96 : memref<128x32xf32, #tpu.memory_space<vmem>>) dst(%dma_wait3A_102 : memref<10240x32xf32, #tpu.memory_space<vmem_shared>>)
        tpu.yield
      }) : () -> ()
    }
    %scan3A_34 = arith.constant 160 : i32
    %barrier3A_35 = arith.constant 0 : index
    tpu.barrier barrier_id(%barrier3A_35)
    %broadcast_in_dim3A_36 = arith.constant 0.000000e+00 : f32
    %broadcast_in_dim3A_37 = vector.broadcast %broadcast_in_dim3A_36 : f32 to vector<16xf32>
    %scan3A_38 = arith.constant 0 : i32
    %scan3A_39 = arith.constant 0 : i32
    %scan3A_40 = arith.constant 40 : i32
    %scan3A_41 = arith.addi %scan3A_39, %scan3A_40 : i32
    %scan3A_42 = arith.constant 1 : i32
    scf.for %scan3A_83 = %scan3A_39 to %scan3A_41 step %scan3A_42  : i32 {
      %mul3A_84 = arith.constant 4 : i32
      %mul3A_85 = arith.muli %scan3A_83, %mul3A_84 : i32
      %add3A_86 = arith.constant 0 : i32
      %add3A_87 = arith.addi %mul3A_85, %add3A_86 : i32
      %swap3A = arith.index_cast %add3A_87 : i32 to index
      %swap3A_88 = arith.constant 0 : index
      %swap3A_89 = tpu.vector_load %arg10[%swap3A, %swap3A_88] {strides = array<i32>} : memref<160x32xf32, #tpu.memory_space<vmem>>, vector<1x16xf32>,
      %swap3A_90 = vector.shape_cast %swap3A_89 : vector<1x16xf32> to vector<16xf32>
      %swap3A_91 = vector.shape_cast %broadcast_in_dim3A_37 : vector<16xf32> to vector<1x16xf32>
      tpu.vector_store %arg10[%swap3A, %swap3A_88], %swap3A_91 {strides = array<i32>} : memref<160x32xf32, #tpu.memory_space<vmem>>, vector<1x16xf32>,
      %mul3A_92 = arith.constant 4 : i32
      %mul3A_93 = arith.muli %scan3A_83, %mul3A_92 : i32
      %add3A_94 = arith.constant 0 : i32
      %add3A_95 = arith.addi %mul3A_93, %add3A_94 : i32
      %swap3A_96 = arith.index_cast %add3A_95 : i32 to index
      %swap3A_97 = arith.constant 16 : index
      %swap3A_98 = tpu.vector_load %arg10[%swap3A_96, %swap3A_97] {strides = array<i32>} : memref<160x32xf32, #tpu.memory_space<vmem>>, vector<1x16xf32>,
      %swap3A_99 = vector.shape_cast %swap3A_98 : vector<1x16xf32> to vector<16xf32>
      %swap3A_100 = vector.shape_cast %broadcast_in_dim3A_37 : vector<16xf32> to vector<1x16xf32>
      tpu.vector_store %arg10[%swap3A_96, %swap3A_97], %swap3A_100 {strides = array<i32>} : memref<160x32xf32, #tpu.memory_space<vmem>>, vector<1x16xf32>,
      %mul3A_101 = arith.constant 4 : i32
      %mul3A_102 = arith.muli %scan3A_83, %mul3A_101 : i32
      %add3A_103 = arith.constant 1 : i32
      %add3A_104 = arith.addi %mul3A_102, %add3A_103 : i32
      %swap3A_105 = arith.index_cast %add3A_104 : i32 to index
      %swap3A_106 = arith.constant 0 : index
      %swap3A_107 = tpu.vector_load %arg10[%swap3A_105, %swap3A_106] {strides = array<i32>} : memref<160x32xf32, #tpu.memory_space<vmem>>, vector<1x16xf32>,
      %swap3A_108 = vector.shape_cast %swap3A_107 : vector<1x16xf32> to vector<16xf32>
      %swap3A_109 = vector.shape_cast %broadcast_in_dim3A_37 : vector<16xf32> to vector<1x16xf32>
      tpu.vector_store %arg10[%swap3A_105, %swap3A_106], %swap3A_109 {strides = array<i32>} : memref<160x32xf32, #tpu.memory_space<vmem>>, vector<1x16xf32>,
      %mul3A_110 = arith.constant 4 : i32
      %mul3A_111 = arith.muli %scan3A_83, %mul3A_110 : i32
      %add3A_112 = arith.constant 1 : i32
      %add3A_113 = arith.addi %mul3A_111, %add3A_112 : i32
      %swap3A_114 = arith.index_cast %add3A_113 : i32 to index
      %swap3A_115 = arith.constant 16 : index
      %swap3A_116 = tpu.vector_load %arg10[%swap3A_114, %swap3A_115] {strides = array<i32>} : memref<160x32xf32, #tpu.memory_space<vmem>>, vector<1x16xf32>,
      %swap3A_117 = vector.shape_cast %swap3A_116 : vector<1x16xf32> to vector<16xf32>
      %swap3A_118 = vector.shape_cast %broadcast_in_dim3A_37 : vector<16xf32> to vector<1x16xf32>
      tpu.vector_store %arg10[%swap3A_114, %swap3A_115], %swap3A_118 {strides = array<i32>} : memref<160x32xf32, #tpu.memory_space<vmem>>, vector<1x16xf32>,
      %mul3A_119 = arith.constant 4 : i32
      %mul3A_120 = arith.muli %scan3A_83, %mul3A_119 : i32
      %add3A_121 = arith.constant 2 : i32
      %add3A_122 = arith.addi %mul3A_120, %add3A_121 : i32
      %swap3A_123 = arith.index_cast %add3A_122 : i32 to index
      %swap3A_124 = arith.constant 0 : index
      %swap3A_125 = tpu.vector_load %arg10[%swap3A_123, %swap3A_124] {strides = array<i32>} : memref<160x32xf32, #tpu.memory_space<vmem>>, vector<1x16xf32>,
      %swap3A_126 = vector.shape_cast %swap3A_125 : vector<1x16xf32> to vector<16xf32>
      %swap3A_127 = vector.shape_cast %broadcast_in_dim3A_37 : vector<16xf32> to vector<1x16xf32>
      tpu.vector_store %arg10[%swap3A_123, %swap3A_124], %swap3A_127 {strides = array<i32>} : memref<160x32xf32, #tpu.memory_space<vmem>>, vector<1x16xf32>,
      %mul3A_128 = arith.constant 4 : i32
      %mul3A_129 = arith.muli %scan3A_83, %mul3A_128 : i32
      %add3A_130 = arith.constant 2 : i32
      %add3A_131 = arith.addi %mul3A_129, %add3A_130 : i32
      %swap3A_132 = arith.index_cast %add3A_131 : i32 to index
      %swap3A_133 = arith.constant 16 : index
      %swap3A_134 = tpu.vector_load %arg10[%swap3A_132, %swap3A_133] {strides = array<i32>} : memref<160x32xf32, #tpu.memory_space<vmem>>, vector<1x16xf32>,
      %swap3A_135 = vector.shape_cast %swap3A_134 : vector<1x16xf32> to vector<16xf32>
      %swap3A_136 = vector.shape_cast %broadcast_in_dim3A_37 : vector<16xf32> to vector<1x16xf32>
      tpu.vector_store %arg10[%swap3A_132, %swap3A_133], %swap3A_136 {strides = array<i32>} : memref<160x32xf32, #tpu.memory_space<vmem>>, vector<1x16xf32>,
      %mul3A_137 = arith.constant 4 : i32
      %mul3A_138 = arith.muli %scan3A_83, %mul3A_137 : i32
      %add3A_139 = arith.constant 3 : i32
      %add3A_140 = arith.addi %mul3A_138, %add3A_139 : i32
      %swap3A_141 = arith.index_cast %add3A_140 : i32 to index
      %swap3A_142 = arith.constant 0 : index
      %swap3A_143 = tpu.vector_load %arg10[%swap3A_141, %swap3A_142] {strides = array<i32>} : memref<160x32xf32, #tpu.memory_space<vmem>>, vector<1x16xf32>,
      %swap3A_144 = vector.shape_cast %swap3A_143 : vector<1x16xf32> to vector<16xf32>
      %swap3A_145 = vector.shape_cast %broadcast_in_dim3A_37 : vector<16xf32> to vector<1x16xf32>
      tpu.vector_store %arg10[%swap3A_141, %swap3A_142], %swap3A_145 {strides = array<i32>} : memref<160x32xf32, #tpu.memory_space<vmem>>, vector<1x16xf32>,
      %mul3A_146 = arith.constant 4 : i32
      %mul3A_147 = arith.muli %scan3A_83, %mul3A_146 : i32
      %add3A_148 = arith.constant 3 : i32
      %add3A_149 = arith.addi %mul3A_147, %add3A_148 : i32
      %swap3A_150 = arith.index_cast %add3A_149 : i32 to index
      %swap3A_151 = arith.constant 16 : index
      %swap3A_152 = tpu.vector_load %arg10[%swap3A_150, %swap3A_151] {strides = array<i32>} : memref<160x32xf32, #tpu.memory_space<vmem>>, vector<1x16xf32>,
      %swap3A_153 = vector.shape_cast %swap3A_152 : vector<1x16xf32> to vector<16xf32>
      %swap3A_154 = vector.shape_cast %broadcast_in_dim3A_37 : vector<16xf32> to vector<1x16xf32>
      tpu.vector_store %arg10[%swap3A_150, %swap3A_151], %swap3A_154 {strides = array<i32>} : memref<160x32xf32, #tpu.memory_space<vmem>>, vector<1x16xf32>,
    }
    %scan3A_43 = arith.constant 40 : i32
    %add3A_44 = arith.constant 0 : i32
    %add3A_45 = arith.addi %mul3A_2, %add3A_44 : i32
    "tpu.region"() ({
      %run_scoped3A = tpu.sem_alloc : memref<!tpu.dma_semaphore, #tpu.memory_space<semaphore_mem>>
      %dma_start3A = arith.constant 0 : i32
      %dma_start3A_83 = tpu.memref_slice %arg12[%add3A_45, %dma_start3A] : memref<10240x32xf32, #tpu.memory_space<vmem_shared>> -> memref<160x32xf32, #tpu.memory_space<vmem_shared>>
      %dma_start3A_84 = arith.constant 0 : i32
      %dma_start3A_85 = tpu.memref_slice %arg12[%add3A_45, %dma_start3A_84] : memref<10240x32xf32, #tpu.memory_space<vmem_shared>> -> memref<160x32xf32, #tpu.memory_space<vmem_shared>>
      tpu.enqueue_dma source(%dma_start3A_85 : memref<160x32xf32, #tpu.memory_space<vmem_shared>>) target(%arg9 : memref<160x32xf32, #tpu.memory_space<vmem>>) target_semaphore(%run_scoped3A : memref<!tpu.dma_semaphore, #tpu.memory_space<semaphore_mem>>)
      %dma_wait3A = arith.constant 0 : i32
      %dma_wait3A_86 = tpu.memref_slice %arg12[%add3A_45, %dma_wait3A] : memref<10240x32xf32, #tpu.memory_space<vmem_shared>> -> memref<160x32xf32, #tpu.memory_space<vmem_shared>>
      %dma_wait3A_87 = arith.constant 0 : i32
      %dma_wait3A_88 = tpu.memref_slice %arg12[%add3A_45, %dma_wait3A_87] : memref<10240x32xf32, #tpu.memory_space<vmem_shared>> -> memref<160x32xf32, #tpu.memory_space<vmem_shared>>
      tpu.wait_dma2 semaphore(%run_scoped3A : memref<!tpu.dma_semaphore, #tpu.memory_space<semaphore_mem>>) src(%dma_wait3A_88 : memref<160x32xf32, #tpu.memory_space<vmem_shared>>) dst(%arg9 : memref<160x32xf32, #tpu.memory_space<vmem>>)
      tpu.yield
    }) : () -> ()
    "tpu.region"() ({
      %run_scoped3A = tpu.sem_alloc : memref<!tpu.dma_semaphore, #tpu.memory_space<semaphore_mem>>
      %dma_start3A = arith.constant 0 : i32
      %dma_start3A_83 = tpu.memref_slice %arg12[%add3A_45, %dma_start3A] : memref<10240x32xf32, #tpu.memory_space<vmem_shared>> -> memref<160x32xf32, #tpu.memory_space<vmem_shared>>
      %dma_start3A_84 = arith.constant 0 : i32
      %dma_start3A_85 = tpu.memref_slice %arg12[%add3A_45, %dma_start3A_84] : memref<10240x32xf32, #tpu.memory_space<vmem_shared>> -> memref<160x32xf32, #tpu.memory_space<vmem_shared>>
      tpu.enqueue_dma source(%arg10 : memref<160x32xf32, #tpu.memory_space<vmem>>) target(%dma_start3A_85 : memref<160x32xf32, #tpu.memory_space<vmem_shared>>) target_semaphore(%run_scoped3A : memref<!tpu.dma_semaphore, #tpu.memory_space<semaphore_mem>>)
      %dma_wait3A = arith.constant 0 : i32
      %dma_wait3A_86 = tpu.memref_slice %arg12[%add3A_45, %dma_wait3A] : memref<10240x32xf32, #tpu.memory_space<vmem_shared>> -> memref<160x32xf32, #tpu.memory_space<vmem_shared>>
      %dma_wait3A_87 = arith.constant 0 : i32
      %dma_wait3A_88 = tpu.memref_slice %arg12[%add3A_45, %dma_wait3A_87] : memref<10240x32xf32, #tpu.memory_space<vmem_shared>> -> memref<160x32xf32, #tpu.memory_space<vmem_shared>>
      tpu.wait_dma2 semaphore(%run_scoped3A : memref<!tpu.dma_semaphore, #tpu.memory_space<semaphore_mem>>) src(%arg10 : memref<160x32xf32, #tpu.memory_space<vmem>>) dst(%dma_wait3A_88 : memref<160x32xf32, #tpu.memory_space<vmem_shared>>)
      tpu.yield
    }) : () -> ()
    %scan3A_46 = arith.constant 0 : i32
    %scan3A_47 = arith.constant 0 : i32
    %scan3A_48 = arith.constant 160 : i32
    %scan3A_49 = arith.addi %scan3A_47, %scan3A_48 : i32
    %scan3A_50 = arith.constant 1 : i32
    scf.for %scan3A_83 = %scan3A_47 to %scan3A_49 step %scan3A_50  : i32 {
      %get3A = arith.index_cast %scan3A_83 : i32 to index
      %get3A_84 = arith.constant 0 : index
      %get3A_85 = tpu.vector_load %arg9[%get3A, %get3A_84] {strides = array<i32>} : memref<160x32xf32, #tpu.memory_space<vmem>>, vector<1x16xf32>,
      %get3A_86 = vector.shape_cast %get3A_85 : vector<1x16xf32> to vector<16xf32>
      %max3A = arith.constant 1.000000e+00 : f32
      %max3A_87 = vector.broadcast %max3A : f32 to vector<16xf32>
      %max3A_88 = arith.maximumf %get3A_86, %max3A_87 : vector<16xf32>
      %div3A = arith.constant 0.899999976 : f32
      %div3A_89 = vector.broadcast %div3A : f32 to vector<16xf32>
      %div3A_90 = arith.divf %div3A_89, %max3A_88 : vector<16xf32>
      %add3A_91 = arith.constant 0 : i32
      %add3A_92 = arith.addi %add3A_91, %scan3A_83 : i32
      %swap3A = arith.index_cast %add3A_92 : i32 to index
      %swap3A_93 = arith.constant 0 : index
      %swap3A_94 = tpu.vector_load %arg11[%swap3A, %swap3A_93] {strides = array<i32>} : memref<640x16xf32, #tpu.memory_space<vmem>>, vector<1x16xf32>,
      %swap3A_95 = vector.shape_cast %swap3A_94 : vector<1x16xf32> to vector<16xf32>
      %swap3A_96 = vector.shape_cast %div3A_90 : vector<16xf32> to vector<1x16xf32>
      tpu.vector_store %arg11[%swap3A, %swap3A_93], %swap3A_96 {strides = array<i32>} : memref<640x16xf32, #tpu.memory_space<vmem>>, vector<1x16xf32>,
    }
    %scan3A_51 = arith.constant 160 : i32
    %add3A_52 = arith.constant 160 : i32
    %add3A_53 = arith.addi %mul3A_2, %add3A_52 : i32
    "tpu.region"() ({
      %run_scoped3A = tpu.sem_alloc : memref<!tpu.dma_semaphore, #tpu.memory_space<semaphore_mem>>
      %dma_start3A = arith.constant 0 : i32
      %dma_start3A_83 = tpu.memref_slice %arg12[%add3A_53, %dma_start3A] : memref<10240x32xf32, #tpu.memory_space<vmem_shared>> -> memref<160x32xf32, #tpu.memory_space<vmem_shared>>
      %dma_start3A_84 = arith.constant 0 : i32
      %dma_start3A_85 = tpu.memref_slice %arg12[%add3A_53, %dma_start3A_84] : memref<10240x32xf32, #tpu.memory_space<vmem_shared>> -> memref<160x32xf32, #tpu.memory_space<vmem_shared>>
      tpu.enqueue_dma source(%dma_start3A_85 : memref<160x32xf32, #tpu.memory_space<vmem_shared>>) target(%arg9 : memref<160x32xf32, #tpu.memory_space<vmem>>) target_semaphore(%run_scoped3A : memref<!tpu.dma_semaphore, #tpu.memory_space<semaphore_mem>>)
      %dma_wait3A = arith.constant 0 : i32
      %dma_wait3A_86 = tpu.memref_slice %arg12[%add3A_53, %dma_wait3A] : memref<10240x32xf32, #tpu.memory_space<vmem_shared>> -> memref<160x32xf32, #tpu.memory_space<vmem_shared>>
      %dma_wait3A_87 = arith.constant 0 : i32
      %dma_wait3A_88 = tpu.memref_slice %arg12[%add3A_53, %dma_wait3A_87] : memref<10240x32xf32, #tpu.memory_space<vmem_shared>> -> memref<160x32xf32, #tpu.memory_space<vmem_shared>>
      tpu.wait_dma2 semaphore(%run_scoped3A : memref<!tpu.dma_semaphore, #tpu.memory_space<semaphore_mem>>) src(%dma_wait3A_88 : memref<160x32xf32, #tpu.memory_space<vmem_shared>>) dst(%arg9 : memref<160x32xf32, #tpu.memory_space<vmem>>)
      tpu.yield
    }) : () -> ()
    "tpu.region"() ({
      %run_scoped3A = tpu.sem_alloc : memref<!tpu.dma_semaphore, #tpu.memory_space<semaphore_mem>>
      %dma_start3A = arith.constant 0 : i32
      %dma_start3A_83 = tpu.memref_slice %arg12[%add3A_53, %dma_start3A] : memref<10240x32xf32, #tpu.memory_space<vmem_shared>> -> memref<160x32xf32, #tpu.memory_space<vmem_shared>>
      %dma_start3A_84 = arith.constant 0 : i32
      %dma_start3A_85 = tpu.memref_slice %arg12[%add3A_53, %dma_start3A_84] : memref<10240x32xf32, #tpu.memory_space<vmem_shared>> -> memref<160x32xf32, #tpu.memory_space<vmem_shared>>
      tpu.enqueue_dma source(%arg10 : memref<160x32xf32, #tpu.memory_space<vmem>>) target(%dma_start3A_85 : memref<160x32xf32, #tpu.memory_space<vmem_shared>>) target_semaphore(%run_scoped3A : memref<!tpu.dma_semaphore, #tpu.memory_space<semaphore_mem>>)
      %dma_wait3A = arith.constant 0 : i32
      %dma_wait3A_86 = tpu.memref_slice %arg12[%add3A_53, %dma_wait3A] : memref<10240x32xf32, #tpu.memory_space<vmem_shared>> -> memref<160x32xf32, #tpu.memory_space<vmem_shared>>
      %dma_wait3A_87 = arith.constant 0 : i32
      %dma_wait3A_88 = tpu.memref_slice %arg12[%add3A_53, %dma_wait3A_87] : memref<10240x32xf32, #tpu.memory_space<vmem_shared>> -> memref<160x32xf32, #tpu.memory_space<vmem_shared>>
      tpu.wait_dma2 semaphore(%run_scoped3A : memref<!tpu.dma_semaphore, #tpu.memory_space<semaphore_mem>>) src(%arg10 : memref<160x32xf32, #tpu.memory_space<vmem>>) dst(%dma_wait3A_88 : memref<160x32xf32, #tpu.memory_space<vmem_shared>>)
      tpu.yield
    }) : () -> ()
    %scan3A_54 = arith.constant 0 : i32
    %scan3A_55 = arith.constant 0 : i32
    %scan3A_56 = arith.constant 160 : i32
    %scan3A_57 = arith.addi %scan3A_55, %scan3A_56 : i32
    %scan3A_58 = arith.constant 1 : i32
    scf.for %scan3A_83 = %scan3A_55 to %scan3A_57 step %scan3A_58  : i32 {
      %get3A = arith.index_cast %scan3A_83 : i32 to index
      %get3A_84 = arith.constant 0 : index
      %get3A_85 = tpu.vector_load %arg9[%get3A, %get3A_84] {strides = array<i32>} : memref<160x32xf32, #tpu.memory_space<vmem>>, vector<1x16xf32>,
      %get3A_86 = vector.shape_cast %get3A_85 : vector<1x16xf32> to vector<16xf32>
      %max3A = arith.constant 1.000000e+00 : f32
      %max3A_87 = vector.broadcast %max3A : f32 to vector<16xf32>
      %max3A_88 = arith.maximumf %get3A_86, %max3A_87 : vector<16xf32>
      %div3A = arith.constant 0.899999976 : f32
      %div3A_89 = vector.broadcast %div3A : f32 to vector<16xf32>
      %div3A_90 = arith.divf %div3A_89, %max3A_88 : vector<16xf32>
      %add3A_91 = arith.constant 160 : i32
      %add3A_92 = arith.addi %add3A_91, %scan3A_83 : i32
      %swap3A = arith.index_cast %add3A_92 : i32 to index
      %swap3A_93 = arith.constant 0 : index
      %swap3A_94 = tpu.vector_load %arg11[%swap3A, %swap3A_93] {strides = array<i32>} : memref<640x16xf32, #tpu.memory_space<vmem>>, vector<1x16xf32>,
      %swap3A_95 = vector.shape_cast %swap3A_94 : vector<1x16xf32> to vector<16xf32>
      %swap3A_96 = vector.shape_cast %div3A_90 : vector<16xf32> to vector<1x16xf32>
      tpu.vector_store %arg11[%swap3A, %swap3A_93], %swap3A_96 {strides = array<i32>} : memref<640x16xf32, #tpu.memory_space<vmem>>, vector<1x16xf32>,
    }
    %scan3A_59 = arith.constant 160 : i32
    %add3A_60 = arith.constant 320 : i32
    %add3A_61 = arith.addi %mul3A_2, %add3A_60 : i32
    "tpu.region"() ({
      %run_scoped3A = tpu.sem_alloc : memref<!tpu.dma_semaphore, #tpu.memory_space<semaphore_mem>>
      %dma_start3A = arith.constant 0 : i32
      %dma_start3A_83 = tpu.memref_slice %arg12[%add3A_61, %dma_start3A] : memref<10240x32xf32, #tpu.memory_space<vmem_shared>> -> memref<160x32xf32, #tpu.memory_space<vmem_shared>>
      %dma_start3A_84 = arith.constant 0 : i32
      %dma_start3A_85 = tpu.memref_slice %arg12[%add3A_61, %dma_start3A_84] : memref<10240x32xf32, #tpu.memory_space<vmem_shared>> -> memref<160x32xf32, #tpu.memory_space<vmem_shared>>
      tpu.enqueue_dma source(%dma_start3A_85 : memref<160x32xf32, #tpu.memory_space<vmem_shared>>) target(%arg9 : memref<160x32xf32, #tpu.memory_space<vmem>>) target_semaphore(%run_scoped3A : memref<!tpu.dma_semaphore, #tpu.memory_space<semaphore_mem>>)
      %dma_wait3A = arith.constant 0 : i32
      %dma_wait3A_86 = tpu.memref_slice %arg12[%add3A_61, %dma_wait3A] : memref<10240x32xf32, #tpu.memory_space<vmem_shared>> -> memref<160x32xf32, #tpu.memory_space<vmem_shared>>
      %dma_wait3A_87 = arith.constant 0 : i32
      %dma_wait3A_88 = tpu.memref_slice %arg12[%add3A_61, %dma_wait3A_87] : memref<10240x32xf32, #tpu.memory_space<vmem_shared>> -> memref<160x32xf32, #tpu.memory_space<vmem_shared>>
      tpu.wait_dma2 semaphore(%run_scoped3A : memref<!tpu.dma_semaphore, #tpu.memory_space<semaphore_mem>>) src(%dma_wait3A_88 : memref<160x32xf32, #tpu.memory_space<vmem_shared>>) dst(%arg9 : memref<160x32xf32, #tpu.memory_space<vmem>>)
      tpu.yield
    }) : () -> ()
    "tpu.region"() ({
      %run_scoped3A = tpu.sem_alloc : memref<!tpu.dma_semaphore, #tpu.memory_space<semaphore_mem>>
      %dma_start3A = arith.constant 0 : i32
      %dma_start3A_83 = tpu.memref_slice %arg12[%add3A_61, %dma_start3A] : memref<10240x32xf32, #tpu.memory_space<vmem_shared>> -> memref<160x32xf32, #tpu.memory_space<vmem_shared>>
      %dma_start3A_84 = arith.constant 0 : i32
      %dma_start3A_85 = tpu.memref_slice %arg12[%add3A_61, %dma_start3A_84] : memref<10240x32xf32, #tpu.memory_space<vmem_shared>> -> memref<160x32xf32, #tpu.memory_space<vmem_shared>>
      tpu.enqueue_dma source(%arg10 : memref<160x32xf32, #tpu.memory_space<vmem>>) target(%dma_start3A_85 : memref<160x32xf32, #tpu.memory_space<vmem_shared>>) target_semaphore(%run_scoped3A : memref<!tpu.dma_semaphore, #tpu.memory_space<semaphore_mem>>)
      %dma_wait3A = arith.constant 0 : i32
      %dma_wait3A_86 = tpu.memref_slice %arg12[%add3A_61, %dma_wait3A] : memref<10240x32xf32, #tpu.memory_space<vmem_shared>> -> memref<160x32xf32, #tpu.memory_space<vmem_shared>>
      %dma_wait3A_87 = arith.constant 0 : i32
      %dma_wait3A_88 = tpu.memref_slice %arg12[%add3A_61, %dma_wait3A_87] : memref<10240x32xf32, #tpu.memory_space<vmem_shared>> -> memref<160x32xf32, #tpu.memory_space<vmem_shared>>
      tpu.wait_dma2 semaphore(%run_scoped3A : memref<!tpu.dma_semaphore, #tpu.memory_space<semaphore_mem>>) src(%arg10 : memref<160x32xf32, #tpu.memory_space<vmem>>) dst(%dma_wait3A_88 : memref<160x32xf32, #tpu.memory_space<vmem_shared>>)
      tpu.yield
    }) : () -> ()
    %scan3A_62 = arith.constant 0 : i32
    %scan3A_63 = arith.constant 0 : i32
    %scan3A_64 = arith.constant 160 : i32
    %scan3A_65 = arith.addi %scan3A_63, %scan3A_64 : i32
    %scan3A_66 = arith.constant 1 : i32
    scf.for %scan3A_83 = %scan3A_63 to %scan3A_65 step %scan3A_66  : i32 {
      %get3A = arith.index_cast %scan3A_83 : i32 to index
      %get3A_84 = arith.constant 0 : index
      %get3A_85 = tpu.vector_load %arg9[%get3A, %get3A_84] {strides = array<i32>} : memref<160x32xf32, #tpu.memory_space<vmem>>, vector<1x16xf32>,
      %get3A_86 = vector.shape_cast %get3A_85 : vector<1x16xf32> to vector<16xf32>
      %max3A = arith.constant 1.000000e+00 : f32
      %max3A_87 = vector.broadcast %max3A : f32 to vector<16xf32>
      %max3A_88 = arith.maximumf %get3A_86, %max3A_87 : vector<16xf32>
      %div3A = arith.constant 0.899999976 : f32
      %div3A_89 = vector.broadcast %div3A : f32 to vector<16xf32>
      %div3A_90 = arith.divf %div3A_89, %max3A_88 : vector<16xf32>
      %add3A_91 = arith.constant 320 : i32
      %add3A_92 = arith.addi %add3A_91, %scan3A_83 : i32
      %swap3A = arith.index_cast %add3A_92 : i32 to index
      %swap3A_93 = arith.constant 0 : index
      %swap3A_94 = tpu.vector_load %arg11[%swap3A, %swap3A_93] {strides = array<i32>} : memref<640x16xf32, #tpu.memory_space<vmem>>, vector<1x16xf32>,
      %swap3A_95 = vector.shape_cast %swap3A_94 : vector<1x16xf32> to vector<16xf32>
      %swap3A_96 = vector.shape_cast %div3A_90 : vector<16xf32> to vector<1x16xf32>
      tpu.vector_store %arg11[%swap3A, %swap3A_93], %swap3A_96 {strides = array<i32>} : memref<640x16xf32, #tpu.memory_space<vmem>>, vector<1x16xf32>,
    }
    %scan3A_67 = arith.constant 160 : i32
    %add3A_68 = arith.constant 480 : i32
    %add3A_69 = arith.addi %mul3A_2, %add3A_68 : i32
    "tpu.region"() ({
      %run_scoped3A = tpu.sem_alloc : memref<!tpu.dma_semaphore, #tpu.memory_space<semaphore_mem>>
      %dma_start3A = arith.constant 0 : i32
      %dma_start3A_83 = tpu.memref_slice %arg12[%add3A_69, %dma_start3A] : memref<10240x32xf32, #tpu.memory_space<vmem_shared>> -> memref<160x32xf32, #tpu.memory_space<vmem_shared>>
      %dma_start3A_84 = arith.constant 0 : i32
      %dma_start3A_85 = tpu.memref_slice %arg12[%add3A_69, %dma_start3A_84] : memref<10240x32xf32, #tpu.memory_space<vmem_shared>> -> memref<160x32xf32, #tpu.memory_space<vmem_shared>>
      tpu.enqueue_dma source(%dma_start3A_85 : memref<160x32xf32, #tpu.memory_space<vmem_shared>>) target(%arg9 : memref<160x32xf32, #tpu.memory_space<vmem>>) target_semaphore(%run_scoped3A : memref<!tpu.dma_semaphore, #tpu.memory_space<semaphore_mem>>)
      %dma_wait3A = arith.constant 0 : i32
      %dma_wait3A_86 = tpu.memref_slice %arg12[%add3A_69, %dma_wait3A] : memref<10240x32xf32, #tpu.memory_space<vmem_shared>> -> memref<160x32xf32, #tpu.memory_space<vmem_shared>>
      %dma_wait3A_87 = arith.constant 0 : i32
      %dma_wait3A_88 = tpu.memref_slice %arg12[%add3A_69, %dma_wait3A_87] : memref<10240x32xf32, #tpu.memory_space<vmem_shared>> -> memref<160x32xf32, #tpu.memory_space<vmem_shared>>
      tpu.wait_dma2 semaphore(%run_scoped3A : memref<!tpu.dma_semaphore, #tpu.memory_space<semaphore_mem>>) src(%dma_wait3A_88 : memref<160x32xf32, #tpu.memory_space<vmem_shared>>) dst(%arg9 : memref<160x32xf32, #tpu.memory_space<vmem>>)
      tpu.yield
    }) : () -> ()
    "tpu.region"() ({
      %run_scoped3A = tpu.sem_alloc : memref<!tpu.dma_semaphore, #tpu.memory_space<semaphore_mem>>
      %dma_start3A = arith.constant 0 : i32
      %dma_start3A_83 = tpu.memref_slice %arg12[%add3A_69, %dma_start3A] : memref<10240x32xf32, #tpu.memory_space<vmem_shared>> -> memref<160x32xf32, #tpu.memory_space<vmem_shared>>
      %dma_start3A_84 = arith.constant 0 : i32
      %dma_start3A_85 = tpu.memref_slice %arg12[%add3A_69, %dma_start3A_84] : memref<10240x32xf32, #tpu.memory_space<vmem_shared>> -> memref<160x32xf32, #tpu.memory_space<vmem_shared>>
      tpu.enqueue_dma source(%arg10 : memref<160x32xf32, #tpu.memory_space<vmem>>) target(%dma_start3A_85 : memref<160x32xf32, #tpu.memory_space<vmem_shared>>) target_semaphore(%run_scoped3A : memref<!tpu.dma_semaphore, #tpu.memory_space<semaphore_mem>>)
      %dma_wait3A = arith.constant 0 : i32
      %dma_wait3A_86 = tpu.memref_slice %arg12[%add3A_69, %dma_wait3A] : memref<10240x32xf32, #tpu.memory_space<vmem_shared>> -> memref<160x32xf32, #tpu.memory_space<vmem_shared>>
      %dma_wait3A_87 = arith.constant 0 : i32
      %dma_wait3A_88 = tpu.memref_slice %arg12[%add3A_69, %dma_wait3A_87] : memref<10240x32xf32, #tpu.memory_space<vmem_shared>> -> memref<160x32xf32, #tpu.memory_space<vmem_shared>>
      tpu.wait_dma2 semaphore(%run_scoped3A : memref<!tpu.dma_semaphore, #tpu.memory_space<semaphore_mem>>) src(%arg10 : memref<160x32xf32, #tpu.memory_space<vmem>>) dst(%dma_wait3A_88 : memref<160x32xf32, #tpu.memory_space<vmem_shared>>)
      tpu.yield
    }) : () -> ()
    %scan3A_70 = arith.constant 0 : i32
    %scan3A_71 = arith.constant 0 : i32
    %scan3A_72 = arith.constant 160 : i32
    %scan3A_73 = arith.addi %scan3A_71, %scan3A_72 : i32
    %scan3A_74 = arith.constant 1 : i32
    scf.for %scan3A_83 = %scan3A_71 to %scan3A_73 step %scan3A_74  : i32 {
      %get3A = arith.index_cast %scan3A_83 : i32 to index
      %get3A_84 = arith.constant 0 : index
      %get3A_85 = tpu.vector_load %arg9[%get3A, %get3A_84] {strides = array<i32>} : memref<160x32xf32, #tpu.memory_space<vmem>>, vector<1x16xf32>,
      %get3A_86 = vector.shape_cast %get3A_85 : vector<1x16xf32> to vector<16xf32>
      %max3A = arith.constant 1.000000e+00 : f32
      %max3A_87 = vector.broadcast %max3A : f32 to vector<16xf32>
      %max3A_88 = arith.maximumf %get3A_86, %max3A_87 : vector<16xf32>
      %div3A = arith.constant 0.899999976 : f32
      %div3A_89 = vector.broadcast %div3A : f32 to vector<16xf32>
      %div3A_90 = arith.divf %div3A_89, %max3A_88 : vector<16xf32>
      %add3A_91 = arith.constant 480 : i32
      %add3A_92 = arith.addi %add3A_91, %scan3A_83 : i32
      %swap3A = arith.index_cast %add3A_92 : i32 to index
      %swap3A_93 = arith.constant 0 : index
      %swap3A_94 = tpu.vector_load %arg11[%swap3A, %swap3A_93] {strides = array<i32>} : memref<640x16xf32, #tpu.memory_space<vmem>>, vector<1x16xf32>,
      %swap3A_95 = vector.shape_cast %swap3A_94 : vector<1x16xf32> to vector<16xf32>
      %swap3A_96 = vector.shape_cast %div3A_90 : vector<16xf32> to vector<1x16xf32>
      tpu.vector_store %arg11[%swap3A, %swap3A_93], %swap3A_96 {strides = array<i32>} : memref<640x16xf32, #tpu.memory_space<vmem>>, vector<1x16xf32>,
    }
    %scan3A_75 = arith.constant 160 : i32
    %barrier3A_76 = arith.constant 0 : index
    tpu.barrier barrier_id(%barrier3A_76)
    %scan3A_77 = arith.constant 0 : i32
    %scan3A_78 = arith.constant 0 : i32
    %scan3A_79 = arith.constant 10 : i32
    %scan3A_80 = arith.addi %scan3A_78, %scan3A_79 : i32
    %scan3A_81 = arith.constant 1 : i32
    scf.for %scan3A_83 = %scan3A_78 to %scan3A_80 step %scan3A_81  : i32 {
      %dma_start3A = arith.constant 0 : i32
      %dma_start3A_84 = arith.constant 0 : i32
      %dma_start3A_85 = arith.constant 0 : i32
      %dma_start3A_86 = arith.constant 0 : i32
      %dma_start3A_87 = tpu.memref_slice %arg8[%dma_start3A, %dma_start3A_85, %dma_start3A_86] : memref<5x128x32xf32, #tpu.memory_space<vmem>> -> memref<1x128x32xf32, #tpu.memory_space<vmem>>
      %dma_start3A_88 = tpu.memref_squeeze %dma_start3A_87 : memref<1x128x32xf32, #tpu.memory_space<vmem>> -> memref<128x32xf32, #tpu.memory_space<vmem>>
      %dma_start3A_89 = arith.constant 0 : i32
      %dma_start3A_90 = tpu.memref_slice %arg6[%dma_start3A_89] : memref<21120xi32, #tpu.memory_space<vmem>> -> memref<128xi32, #tpu.memory_space<vmem>>
      %dma_start3A_91 = arith.constant 0 : i32
      %dma_start3A_92 = arith.constant 0 : i32
      %dma_start3A_93 = tpu.memref_slice %arg13[%dma_start3A_91, %dma_start3A_92] : memref<10240x32xf32, #tpu.memory_space<vmem_shared>> -> memref<10240x32xf32, #tpu.memory_space<vmem_shared>>
      %dma_start3A_94 = tpu.memref_slice %arg14[%dma_start3A_84] : memref<5x!tpu.dma_semaphore, #tpu.memory_space<semaphore_mem>> -> memref<1x!tpu.dma_semaphore, #tpu.memory_space<semaphore_mem>>
      %dma_start3A_95 = tpu.memref_squeeze %dma_start3A_94 : memref<1x!tpu.dma_semaphore, #tpu.memory_space<semaphore_mem>> -> memref<!tpu.dma_semaphore, #tpu.memory_space<semaphore_mem>>
      tpu.enqueue_indirect_dma source(%dma_start3A_93 : memref<10240x32xf32, #tpu.memory_space<vmem_shared>>) target(%dma_start3A_88 : memref<128x32xf32, #tpu.memory_space<vmem>>) offsets(%dma_start3A_90 : memref<128xi32, #tpu.memory_space<vmem>>) semaphore(%dma_start3A_95 : memref<!tpu.dma_semaphore, #tpu.memory_space<semaphore_mem>>)
      %dma_start3A_96 = arith.constant 1 : i32
      %dma_start3A_97 = arith.constant 1 : i32
      %dma_start3A_98 = arith.constant 0 : i32
      %dma_start3A_99 = arith.constant 0 : i32
      %dma_start3A_100 = tpu.memref_slice %arg8[%dma_start3A_96, %dma_start3A_98, %dma_start3A_99] : memref<5x128x32xf32, #tpu.memory_space<vmem>> -> memref<1x128x32xf32, #tpu.memory_space<vmem>>
      %dma_start3A_101 = tpu.memref_squeeze %dma_start3A_100 : memref<1x128x32xf32, #tpu.memory_space<vmem>> -> memref<128x32xf32, #tpu.memory_space<vmem>>
      %dma_start3A_102 = arith.constant 128 : i32
      %dma_start3A_103 = tpu.memref_slice %arg6[%dma_start3A_102] : memref<21120xi32, #tpu.memory_space<vmem>> -> memref<128xi32, #tpu.memory_space<vmem>>
      %dma_start3A_104 = arith.constant 0 : i32
      %dma_start3A_105 = arith.constant 0 : i32
      %dma_start3A_106 = tpu.memref_slice %arg13[%dma_start3A_104, %dma_start3A_105] : memref<10240x32xf32, #tpu.memory_space<vmem_shared>> -> memref<10240x32xf32, #tpu.memory_space<vmem_shared>>
      %dma_start3A_107 = tpu.memref_slice %arg14[%dma_start3A_97] : memref<5x!tpu.dma_semaphore, #tpu.memory_space<semaphore_mem>> -> memref<1x!tpu.dma_semaphore, #tpu.memory_space<semaphore_mem>>
      %dma_start3A_108 = tpu.memref_squeeze %dma_start3A_107 : memref<1x!tpu.dma_semaphore, #tpu.memory_space<semaphore_mem>> -> memref<!tpu.dma_semaphore, #tpu.memory_space<semaphore_mem>>
      tpu.enqueue_indirect_dma source(%dma_start3A_106 : memref<10240x32xf32, #tpu.memory_space<vmem_shared>>) target(%dma_start3A_101 : memref<128x32xf32, #tpu.memory_space<vmem>>) offsets(%dma_start3A_103 : memref<128xi32, #tpu.memory_space<vmem>>) semaphore(%dma_start3A_108 : memref<!tpu.dma_semaphore, #tpu.memory_space<semaphore_mem>>)
      %dma_start3A_109 = arith.constant 2 : i32
      %dma_start3A_110 = arith.constant 2 : i32
      %dma_start3A_111 = arith.constant 0 : i32
      %dma_start3A_112 = arith.constant 0 : i32
      %dma_start3A_113 = tpu.memref_slice %arg8[%dma_start3A_109, %dma_start3A_111, %dma_start3A_112] : memref<5x128x32xf32, #tpu.memory_space<vmem>> -> memref<1x128x32xf32, #tpu.memory_space<vmem>>
      %dma_start3A_114 = tpu.memref_squeeze %dma_start3A_113 : memref<1x128x32xf32, #tpu.memory_space<vmem>> -> memref<128x32xf32, #tpu.memory_space<vmem>>
      %dma_start3A_115 = arith.constant 256 : i32
      %dma_start3A_116 = tpu.memref_slice %arg6[%dma_start3A_115] : memref<21120xi32, #tpu.memory_space<vmem>> -> memref<128xi32, #tpu.memory_space<vmem>>
      %dma_start3A_117 = arith.constant 0 : i32
      %dma_start3A_118 = arith.constant 0 : i32
      %dma_start3A_119 = tpu.memref_slice %arg13[%dma_start3A_117, %dma_start3A_118] : memref<10240x32xf32, #tpu.memory_space<vmem_shared>> -> memref<10240x32xf32, #tpu.memory_space<vmem_shared>>
      %dma_start3A_120 = tpu.memref_slice %arg14[%dma_start3A_110] : memref<5x!tpu.dma_semaphore, #tpu.memory_space<semaphore_mem>> -> memref<1x!tpu.dma_semaphore, #tpu.memory_space<semaphore_mem>>
      %dma_start3A_121 = tpu.memref_squeeze %dma_start3A_120 : memref<1x!tpu.dma_semaphore, #tpu.memory_space<semaphore_mem>> -> memref<!tpu.dma_semaphore, #tpu.memory_space<semaphore_mem>>
      tpu.enqueue_indirect_dma source(%dma_start3A_119 : memref<10240x32xf32, #tpu.memory_space<vmem_shared>>) target(%dma_start3A_114 : memref<128x32xf32, #tpu.memory_space<vmem>>) offsets(%dma_start3A_116 : memref<128xi32, #tpu.memory_space<vmem>>) semaphore(%dma_start3A_121 : memref<!tpu.dma_semaphore, #tpu.memory_space<semaphore_mem>>)
      %dma_start3A_122 = arith.constant 3 : i32
      %dma_start3A_123 = arith.constant 3 : i32
      %dma_start3A_124 = arith.constant 0 : i32
      %dma_start3A_125 = arith.constant 0 : i32
      %dma_start3A_126 = tpu.memref_slice %arg8[%dma_start3A_122, %dma_start3A_124, %dma_start3A_125] : memref<5x128x32xf32, #tpu.memory_space<vmem>> -> memref<1x128x32xf32, #tpu.memory_space<vmem>>
      %dma_start3A_127 = tpu.memref_squeeze %dma_start3A_126 : memref<1x128x32xf32, #tpu.memory_space<vmem>> -> memref<128x32xf32, #tpu.memory_space<vmem>>
      %dma_start3A_128 = arith.constant 384 : i32
      %dma_start3A_129 = tpu.memref_slice %arg6[%dma_start3A_128] : memref<21120xi32, #tpu.memory_space<vmem>> -> memref<128xi32, #tpu.memory_space<vmem>>
      %dma_start3A_130 = arith.constant 0 : i32
      %dma_start3A_131 = arith.constant 0 : i32
      %dma_start3A_132 = tpu.memref_slice %arg13[%dma_start3A_130, %dma_start3A_131] : memref<10240x32xf32, #tpu.memory_space<vmem_shared>> -> memref<10240x32xf32, #tpu.memory_space<vmem_shared>>
      %dma_start3A_133 = tpu.memref_slice %arg14[%dma_start3A_123] : memref<5x!tpu.dma_semaphore, #tpu.memory_space<semaphore_mem>> -> memref<1x!tpu.dma_semaphore, #tpu.memory_space<semaphore_mem>>
      %dma_start3A_134 = tpu.memref_squeeze %dma_start3A_133 : memref<1x!tpu.dma_semaphore, #tpu.memory_space<semaphore_mem>> -> memref<!tpu.dma_semaphore, #tpu.memory_space<semaphore_mem>>
      tpu.enqueue_indirect_dma source(%dma_start3A_132 : memref<10240x32xf32, #tpu.memory_space<vmem_shared>>) target(%dma_start3A_127 : memref<128x32xf32, #tpu.memory_space<vmem>>) offsets(%dma_start3A_129 : memref<128xi32, #tpu.memory_space<vmem>>) semaphore(%dma_start3A_134 : memref<!tpu.dma_semaphore, #tpu.memory_space<semaphore_mem>>)
      %dma_start3A_135 = arith.constant 4 : i32
      %dma_start3A_136 = arith.constant 4 : i32
      %dma_start3A_137 = arith.constant 0 : i32
      %dma_start3A_138 = arith.constant 0 : i32
      %dma_start3A_139 = tpu.memref_slice %arg8[%dma_start3A_135, %dma_start3A_137, %dma_start3A_138] : memref<5x128x32xf32, #tpu.memory_space<vmem>> -> memref<1x128x32xf32, #tpu.memory_space<vmem>>
      %dma_start3A_140 = tpu.memref_squeeze %dma_start3A_139 : memref<1x128x32xf32, #tpu.memory_space<vmem>> -> memref<128x32xf32, #tpu.memory_space<vmem>>
      %dma_start3A_141 = arith.constant 512 : i32
      %dma_start3A_142 = tpu.memref_slice %arg6[%dma_start3A_141] : memref<21120xi32, #tpu.memory_space<vmem>> -> memref<128xi32, #tpu.memory_space<vmem>>
      %dma_start3A_143 = arith.constant 0 : i32
      %dma_start3A_144 = arith.constant 0 : i32
      %dma_start3A_145 = tpu.memref_slice %arg13[%dma_start3A_143, %dma_start3A_144] : memref<10240x32xf32, #tpu.memory_space<vmem_shared>> -> memref<10240x32xf32, #tpu.memory_space<vmem_shared>>
      %dma_start3A_146 = tpu.memref_slice %arg14[%dma_start3A_136] : memref<5x!tpu.dma_semaphore, #tpu.memory_space<semaphore_mem>> -> memref<1x!tpu.dma_semaphore, #tpu.memory_space<semaphore_mem>>
      %dma_start3A_147 = tpu.memref_squeeze %dma_start3A_146 : memref<1x!tpu.dma_semaphore, #tpu.memory_space<semaphore_mem>> -> memref<!tpu.dma_semaphore, #tpu.memory_space<semaphore_mem>>
      tpu.enqueue_indirect_dma source(%dma_start3A_145 : memref<10240x32xf32, #tpu.memory_space<vmem_shared>>) target(%dma_start3A_140 : memref<128x32xf32, #tpu.memory_space<vmem>>) offsets(%dma_start3A_142 : memref<128xi32, #tpu.memory_space<vmem>>) semaphore(%dma_start3A_147 : memref<!tpu.dma_semaphore, #tpu.memory_space<semaphore_mem>>)
      %scan3A_148 = arith.constant 0 : i32
      %scan3A_149 = arith.constant 0 : i32
      %scan3A_150 = arith.constant 32 : i32
      %scan3A_151 = arith.addi %scan3A_149, %scan3A_150 : i32
      %scan3A_152 = arith.constant 1 : i32
      scf.for %scan3A_305 = %scan3A_149 to %scan3A_151 step %scan3A_152  : i32 {
        %mul3A_306 = arith.constant 5 : i32
        %mul3A_307 = arith.muli %scan3A_305, %mul3A_306 : i32
        %mul3A_308 = arith.constant 128 : i32
        %mul3A_309 = arith.muli %mul3A_307, %mul3A_308 : i32
        %dma_wait3A_310 = arith.constant 0 : i32
        %dma_wait3A_311 = arith.constant 0 : i32
        %dma_wait3A_312 = arith.constant 0 : i32
        %dma_wait3A_313 = arith.constant 0 : i32
        %dma_wait3A_314 = tpu.memref_slice %arg8[%dma_wait3A_310, %dma_wait3A_312, %dma_wait3A_313] : memref<5x128x32xf32, #tpu.memory_space<vmem>> -> memref<1x128x32xf32, #tpu.memory_space<vmem>>
        %dma_wait3A_315 = tpu.memref_squeeze %dma_wait3A_314 : memref<1x128x32xf32, #tpu.memory_space<vmem>> -> memref<128x32xf32, #tpu.memory_space<vmem>>
        %dma_wait3A_316 = tpu.memref_slice %arg6[%mul3A_309] : memref<21120xi32, #tpu.memory_space<vmem>> -> memref<128xi32, #tpu.memory_space<vmem>>
        %dma_wait3A_317 = arith.constant 0 : i32
        %dma_wait3A_318 = arith.constant 0 : i32
        %dma_wait3A_319 = tpu.memref_slice %arg13[%dma_wait3A_317, %dma_wait3A_318] : memref<10240x32xf32, #tpu.memory_space<vmem_shared>> -> memref<10240x32xf32, #tpu.memory_space<vmem_shared>>
        %dma_wait3A_320 = tpu.memref_slice %arg14[%dma_wait3A_311] : memref<5x!tpu.dma_semaphore, #tpu.memory_space<semaphore_mem>> -> memref<1x!tpu.dma_semaphore, #tpu.memory_space<semaphore_mem>>
        %dma_wait3A_321 = tpu.memref_squeeze %dma_wait3A_320 : memref<1x!tpu.dma_semaphore, #tpu.memory_space<semaphore_mem>> -> memref<!tpu.dma_semaphore, #tpu.memory_space<semaphore_mem>>
        tpu.wait_indirect_dma semaphore(%dma_wait3A_321 : memref<!tpu.dma_semaphore, #tpu.memory_space<semaphore_mem>>) src(%dma_wait3A_319 : memref<10240x32xf32, #tpu.memory_space<vmem_shared>>) dst(%dma_wait3A_315 : memref<128x32xf32, #tpu.memory_space<vmem>>)
        %dma_start3A_322 = arith.constant 0 : i32
        %dma_start3A_323 = arith.constant 0 : i32
        %dma_start3A_324 = arith.constant 0 : i32
        %dma_start3A_325 = arith.constant 0 : i32
        %dma_start3A_326 = tpu.memref_slice %arg8[%dma_start3A_322, %dma_start3A_324, %dma_start3A_325] : memref<5x128x32xf32, #tpu.memory_space<vmem>> -> memref<1x128x32xf32, #tpu.memory_space<vmem>>
        %dma_start3A_327 = tpu.memref_squeeze %dma_start3A_326 : memref<1x128x32xf32, #tpu.memory_space<vmem>> -> memref<128x32xf32, #tpu.memory_space<vmem>>
        %dma_start3A_328 = arith.constant 0 : i32
        %dma_start3A_329 = tpu.memref_slice %arg7[%mul3A_307, %dma_start3A_328] : memref<160x128xi32, #tpu.memory_space<vmem>> -> memref<1x128xi32, #tpu.memory_space<vmem>>
        %dma_start3A_330 = tpu.memref_squeeze %dma_start3A_329 : memref<1x128xi32, #tpu.memory_space<vmem>> -> memref<128xi32, #tpu.memory_space<vmem>>
        %dma_start3A_331 = arith.constant 0 : i32
        %dma_start3A_332 = arith.constant 0 : i32
        %dma_start3A_333 = tpu.memref_slice %arg12[%dma_start3A_331, %dma_start3A_332] : memref<10240x32xf32, #tpu.memory_space<vmem_shared>> -> memref<10240x32xf32, #tpu.memory_space<vmem_shared>>
        %dma_start3A_334 = tpu.memref_slice %arg15[%dma_start3A_323] : memref<5x!tpu.dma_semaphore, #tpu.memory_space<semaphore_mem>> -> memref<1x!tpu.dma_semaphore, #tpu.memory_space<semaphore_mem>>
        %dma_start3A_335 = tpu.memref_squeeze %dma_start3A_334 : memref<1x!tpu.dma_semaphore, #tpu.memory_space<semaphore_mem>> -> memref<!tpu.dma_semaphore, #tpu.memory_space<semaphore_mem>>
        tpu.enqueue_indirect_dma source(%dma_start3A_327 : memref<128x32xf32, #tpu.memory_space<vmem>>) target(%dma_start3A_333 : memref<10240x32xf32, #tpu.memory_space<vmem_shared>>) offsets(%dma_start3A_330 : memref<128xi32, #tpu.memory_space<vmem>>) semaphore(%dma_start3A_335 : memref<!tpu.dma_semaphore, #tpu.memory_space<semaphore_mem>>) {add = true}
        %add3A_336 = arith.constant 1 : i32
        %add3A_337 = arith.addi %mul3A_307, %add3A_336 : i32
        %mul3A_338 = arith.constant 128 : i32
        %mul3A_339 = arith.muli %add3A_337, %mul3A_338 : i32
        %dma_wait3A_340 = arith.constant 1 : i32
        %dma_wait3A_341 = arith.constant 1 : i32
        %dma_wait3A_342 = arith.constant 0 : i32
        %dma_wait3A_343 = arith.constant 0 : i32
        %dma_wait3A_344 = tpu.memref_slice %arg8[%dma_wait3A_340, %dma_wait3A_342, %dma_wait3A_343] : memref<5x128x32xf32, #tpu.memory_space<vmem>> -> memref<1x128x32xf32, #tpu.memory_space<vmem>>
        %dma_wait3A_345 = tpu.memref_squeeze %dma_wait3A_344 : memref<1x128x32xf32, #tpu.memory_space<vmem>> -> memref<128x32xf32, #tpu.memory_space<vmem>>
        %dma_wait3A_346 = tpu.memref_slice %arg6[%mul3A_339] : memref<21120xi32, #tpu.memory_space<vmem>> -> memref<128xi32, #tpu.memory_space<vmem>>
        %dma_wait3A_347 = arith.constant 0 : i32
        %dma_wait3A_348 = arith.constant 0 : i32
        %dma_wait3A_349 = tpu.memref_slice %arg13[%dma_wait3A_347, %dma_wait3A_348] : memref<10240x32xf32, #tpu.memory_space<vmem_shared>> -> memref<10240x32xf32, #tpu.memory_space<vmem_shared>>
        %dma_wait3A_350 = tpu.memref_slice %arg14[%dma_wait3A_341] : memref<5x!tpu.dma_semaphore, #tpu.memory_space<semaphore_mem>> -> memref<1x!tpu.dma_semaphore, #tpu.memory_space<semaphore_mem>>
        %dma_wait3A_351 = tpu.memref_squeeze %dma_wait3A_350 : memref<1x!tpu.dma_semaphore, #tpu.memory_space<semaphore_mem>> -> memref<!tpu.dma_semaphore, #tpu.memory_space<semaphore_mem>>
        tpu.wait_indirect_dma semaphore(%dma_wait3A_351 : memref<!tpu.dma_semaphore, #tpu.memory_space<semaphore_mem>>) src(%dma_wait3A_349 : memref<10240x32xf32, #tpu.memory_space<vmem_shared>>) dst(%dma_wait3A_345 : memref<128x32xf32, #tpu.memory_space<vmem>>)
        %add3A_352 = arith.constant 1 : i32
        %add3A_353 = arith.addi %mul3A_307, %add3A_352 : i32
        %dma_start3A_354 = arith.constant 1 : i32
        %dma_start3A_355 = arith.constant 1 : i32
        %dma_start3A_356 = arith.constant 0 : i32
        %dma_start3A_357 = arith.constant 0 : i32
        %dma_start3A_358 = tpu.memref_slice %arg8[%dma_start3A_354, %dma_start3A_356, %dma_start3A_357] : memref<5x128x32xf32, #tpu.memory_space<vmem>> -> memref<1x128x32xf32, #tpu.memory_space<vmem>>
        %dma_start3A_359 = tpu.memref_squeeze %dma_start3A_358 : memref<1x128x32xf32, #tpu.memory_space<vmem>> -> memref<128x32xf32, #tpu.memory_space<vmem>>
        %dma_start3A_360 = arith.constant 0 : i32
        %dma_start3A_361 = tpu.memref_slice %arg7[%add3A_353, %dma_start3A_360] : memref<160x128xi32, #tpu.memory_space<vmem>> -> memref<1x128xi32, #tpu.memory_space<vmem>>
        %dma_start3A_362 = tpu.memref_squeeze %dma_start3A_361 : memref<1x128xi32, #tpu.memory_space<vmem>> -> memref<128xi32, #tpu.memory_space<vmem>>
        %dma_start3A_363 = arith.constant 0 : i32
        %dma_start3A_364 = arith.constant 0 : i32
        %dma_start3A_365 = tpu.memref_slice %arg12[%dma_start3A_363, %dma_start3A_364] : memref<10240x32xf32, #tpu.memory_space<vmem_shared>> -> memref<10240x32xf32, #tpu.memory_space<vmem_shared>>
        %dma_start3A_366 = tpu.memref_slice %arg15[%dma_start3A_355] : memref<5x!tpu.dma_semaphore, #tpu.memory_space<semaphore_mem>> -> memref<1x!tpu.dma_semaphore, #tpu.memory_space<semaphore_mem>>
        %dma_start3A_367 = tpu.memref_squeeze %dma_start3A_366 : memref<1x!tpu.dma_semaphore, #tpu.memory_space<semaphore_mem>> -> memref<!tpu.dma_semaphore, #tpu.memory_space<semaphore_mem>>
        tpu.enqueue_indirect_dma source(%dma_start3A_359 : memref<128x32xf32, #tpu.memory_space<vmem>>) target(%dma_start3A_365 : memref<10240x32xf32, #tpu.memory_space<vmem_shared>>) offsets(%dma_start3A_362 : memref<128xi32, #tpu.memory_space<vmem>>) semaphore(%dma_start3A_367 : memref<!tpu.dma_semaphore, #tpu.memory_space<semaphore_mem>>) {add = true}
        %add3A_368 = arith.constant 0 : i32
        %add3A_369 = arith.addi %mul3A_307, %add3A_368 : i32
        %dma_wait3A_370 = arith.constant 0 : i32
        %dma_wait3A_371 = arith.constant 0 : i32
        %dma_wait3A_372 = arith.constant 0 : i32
        %dma_wait3A_373 = arith.constant 0 : i32
        %dma_wait3A_374 = tpu.memref_slice %arg8[%dma_wait3A_370, %dma_wait3A_372, %dma_wait3A_373] : memref<5x128x32xf32, #tpu.memory_space<vmem>> -> memref<1x128x32xf32, #tpu.memory_space<vmem>>
        %dma_wait3A_375 = tpu.memref_squeeze %dma_wait3A_374 : memref<1x128x32xf32, #tpu.memory_space<vmem>> -> memref<128x32xf32, #tpu.memory_space<vmem>>
        %dma_wait3A_376 = arith.constant 0 : i32
        %dma_wait3A_377 = tpu.memref_slice %arg7[%add3A_369, %dma_wait3A_376] : memref<160x128xi32, #tpu.memory_space<vmem>> -> memref<1x128xi32, #tpu.memory_space<vmem>>
        %dma_wait3A_378 = tpu.memref_squeeze %dma_wait3A_377 : memref<1x128xi32, #tpu.memory_space<vmem>> -> memref<128xi32, #tpu.memory_space<vmem>>
        %dma_wait3A_379 = arith.constant 0 : i32
        %dma_wait3A_380 = arith.constant 0 : i32
        %dma_wait3A_381 = tpu.memref_slice %arg12[%dma_wait3A_379, %dma_wait3A_380] : memref<10240x32xf32, #tpu.memory_space<vmem_shared>> -> memref<10240x32xf32, #tpu.memory_space<vmem_shared>>
        %dma_wait3A_382 = tpu.memref_slice %arg15[%dma_wait3A_371] : memref<5x!tpu.dma_semaphore, #tpu.memory_space<semaphore_mem>> -> memref<1x!tpu.dma_semaphore, #tpu.memory_space<semaphore_mem>>
        %dma_wait3A_383 = tpu.memref_squeeze %dma_wait3A_382 : memref<1x!tpu.dma_semaphore, #tpu.memory_space<semaphore_mem>> -> memref<!tpu.dma_semaphore, #tpu.memory_space<semaphore_mem>>
        tpu.wait_indirect_dma semaphore(%dma_wait3A_383 : memref<!tpu.dma_semaphore, #tpu.memory_space<semaphore_mem>>) src(%dma_wait3A_375 : memref<128x32xf32, #tpu.memory_space<vmem>>) dst(%dma_wait3A_381 : memref<10240x32xf32, #tpu.memory_space<vmem_shared>>)
        %add3A_384 = arith.constant 5 : i32
        %add3A_385 = arith.addi %mul3A_307, %add3A_384 : i32
        %add3A_386 = arith.constant 0 : i32
        %add3A_387 = arith.addi %add3A_385, %add3A_386 : i32
        %mul3A_388 = arith.constant 128 : i32
        %mul3A_389 = arith.muli %add3A_387, %mul3A_388 : i32
        %dma_start3A_390 = arith.constant 0 : i32
        %dma_start3A_391 = arith.constant 0 : i32
        %dma_start3A_392 = arith.constant 0 : i32
        %dma_start3A_393 = arith.constant 0 : i32
        %dma_start3A_394 = tpu.memref_slice %arg8[%dma_start3A_390, %dma_start3A_392, %dma_start3A_393] : memref<5x128x32xf32, #tpu.memory_space<vmem>> -> memref<1x128x32xf32, #tpu.memory_space<vmem>>
        %dma_start3A_395 = tpu.memref_squeeze %dma_start3A_394 : memref<1x128x32xf32, #tpu.memory_space<vmem>> -> memref<128x32xf32, #tpu.memory_space<vmem>>
        %dma_start3A_396 = tpu.memref_slice %arg6[%mul3A_389] : memref<21120xi32, #tpu.memory_space<vmem>> -> memref<128xi32, #tpu.memory_space<vmem>>
        %dma_start3A_397 = arith.constant 0 : i32
        %dma_start3A_398 = arith.constant 0 : i32
        %dma_start3A_399 = tpu.memref_slice %arg13[%dma_start3A_397, %dma_start3A_398] : memref<10240x32xf32, #tpu.memory_space<vmem_shared>> -> memref<10240x32xf32, #tpu.memory_space<vmem_shared>>
        %dma_start3A_400 = tpu.memref_slice %arg14[%dma_start3A_391] : memref<5x!tpu.dma_semaphore, #tpu.memory_space<semaphore_mem>> -> memref<1x!tpu.dma_semaphore, #tpu.memory_space<semaphore_mem>>
        %dma_start3A_401 = tpu.memref_squeeze %dma_start3A_400 : memref<1x!tpu.dma_semaphore, #tpu.memory_space<semaphore_mem>> -> memref<!tpu.dma_semaphore, #tpu.memory_space<semaphore_mem>>
        tpu.enqueue_indirect_dma source(%dma_start3A_399 : memref<10240x32xf32, #tpu.memory_space<vmem_shared>>) target(%dma_start3A_395 : memref<128x32xf32, #tpu.memory_space<vmem>>) offsets(%dma_start3A_396 : memref<128xi32, #tpu.memory_space<vmem>>) semaphore(%dma_start3A_401 : memref<!tpu.dma_semaphore, #tpu.memory_space<semaphore_mem>>)
        %add3A_402 = arith.constant 2 : i32
        %add3A_403 = arith.addi %mul3A_307, %add3A_402 : i32
        %add3A_404 = arith.constant 0 : i32
        %add3A_405 = arith.addi %add3A_403, %add3A_404 : i32
        %mul3A_406 = arith.constant 128 : i32
        %mul3A_407 = arith.muli %add3A_405, %mul3A_406 : i32
        %dma_wait3A_408 = arith.constant 2 : i32
        %dma_wait3A_409 = arith.constant 2 : i32
        %dma_wait3A_410 = arith.constant 0 : i32
        %dma_wait3A_411 = arith.constant 0 : i32
        %dma_wait3A_412 = tpu.memref_slice %arg8[%dma_wait3A_408, %dma_wait3A_410, %dma_wait3A_411] : memref<5x128x32xf32, #tpu.memory_space<vmem>> -> memref<1x128x32xf32, #tpu.memory_space<vmem>>
        %dma_wait3A_413 = tpu.memref_squeeze %dma_wait3A_412 : memref<1x128x32xf32, #tpu.memory_space<vmem>> -> memref<128x32xf32, #tpu.memory_space<vmem>>
        %dma_wait3A_414 = tpu.memref_slice %arg6[%mul3A_407] : memref<21120xi32, #tpu.memory_space<vmem>> -> memref<128xi32, #tpu.memory_space<vmem>>
        %dma_wait3A_415 = arith.constant 0 : i32
        %dma_wait3A_416 = arith.constant 0 : i32
        %dma_wait3A_417 = tpu.memref_slice %arg13[%dma_wait3A_415, %dma_wait3A_416] : memref<10240x32xf32, #tpu.memory_space<vmem_shared>> -> memref<10240x32xf32, #tpu.memory_space<vmem_shared>>
        %dma_wait3A_418 = tpu.memref_slice %arg14[%dma_wait3A_409] : memref<5x!tpu.dma_semaphore, #tpu.memory_space<semaphore_mem>> -> memref<1x!tpu.dma_semaphore, #tpu.memory_space<semaphore_mem>>
        %dma_wait3A_419 = tpu.memref_squeeze %dma_wait3A_418 : memref<1x!tpu.dma_semaphore, #tpu.memory_space<semaphore_mem>> -> memref<!tpu.dma_semaphore, #tpu.memory_space<semaphore_mem>>
        tpu.wait_indirect_dma semaphore(%dma_wait3A_419 : memref<!tpu.dma_semaphore, #tpu.memory_space<semaphore_mem>>) src(%dma_wait3A_417 : memref<10240x32xf32, #tpu.memory_space<vmem_shared>>) dst(%dma_wait3A_413 : memref<128x32xf32, #tpu.memory_space<vmem>>)
        %add3A_420 = arith.constant 2 : i32
        %add3A_421 = arith.addi %mul3A_307, %add3A_420 : i32
        %add3A_422 = arith.constant 0 : i32
        %add3A_423 = arith.addi %add3A_421, %add3A_422 : i32
        %dma_start3A_424 = arith.constant 2 : i32
        %dma_start3A_425 = arith.constant 2 : i32
        %dma_start3A_426 = arith.constant 0 : i32
        %dma_start3A_427 = arith.constant 0 : i32
        %dma_start3A_428 = tpu.memref_slice %arg8[%dma_start3A_424, %dma_start3A_426, %dma_start3A_427] : memref<5x128x32xf32, #tpu.memory_space<vmem>> -> memref<1x128x32xf32, #tpu.memory_space<vmem>>
        %dma_start3A_429 = tpu.memref_squeeze %dma_start3A_428 : memref<1x128x32xf32, #tpu.memory_space<vmem>> -> memref<128x32xf32, #tpu.memory_space<vmem>>
        %dma_start3A_430 = arith.constant 0 : i32
        %dma_start3A_431 = tpu.memref_slice %arg7[%add3A_423, %dma_start3A_430] : memref<160x128xi32, #tpu.memory_space<vmem>> -> memref<1x128xi32, #tpu.memory_space<vmem>>
        %dma_start3A_432 = tpu.memref_squeeze %dma_start3A_431 : memref<1x128xi32, #tpu.memory_space<vmem>> -> memref<128xi32, #tpu.memory_space<vmem>>
        %dma_start3A_433 = arith.constant 0 : i32
        %dma_start3A_434 = arith.constant 0 : i32
        %dma_start3A_435 = tpu.memref_slice %arg12[%dma_start3A_433, %dma_start3A_434] : memref<10240x32xf32, #tpu.memory_space<vmem_shared>> -> memref<10240x32xf32, #tpu.memory_space<vmem_shared>>
        %dma_start3A_436 = tpu.memref_slice %arg15[%dma_start3A_425] : memref<5x!tpu.dma_semaphore, #tpu.memory_space<semaphore_mem>> -> memref<1x!tpu.dma_semaphore, #tpu.memory_space<semaphore_mem>>
        %dma_start3A_437 = tpu.memref_squeeze %dma_start3A_436 : memref<1x!tpu.dma_semaphore, #tpu.memory_space<semaphore_mem>> -> memref<!tpu.dma_semaphore, #tpu.memory_space<semaphore_mem>>
        tpu.enqueue_indirect_dma source(%dma_start3A_429 : memref<128x32xf32, #tpu.memory_space<vmem>>) target(%dma_start3A_435 : memref<10240x32xf32, #tpu.memory_space<vmem_shared>>) offsets(%dma_start3A_432 : memref<128xi32, #tpu.memory_space<vmem>>) semaphore(%dma_start3A_437 : memref<!tpu.dma_semaphore, #tpu.memory_space<semaphore_mem>>) {add = true}
        %add3A_438 = arith.constant 1 : i32
        %add3A_439 = arith.addi %mul3A_307, %add3A_438 : i32
        %dma_wait3A_440 = arith.constant 1 : i32
        %dma_wait3A_441 = arith.constant 1 : i32
        %dma_wait3A_442 = arith.constant 0 : i32
        %dma_wait3A_443 = arith.constant 0 : i32
        %dma_wait3A_444 = tpu.memref_slice %arg8[%dma_wait3A_440, %dma_wait3A_442, %dma_wait3A_443] : memref<5x128x32xf32, #tpu.memory_space<vmem>> -> memref<1x128x32xf32, #tpu.memory_space<vmem>>
        %dma_wait3A_445 = tpu.memref_squeeze %dma_wait3A_444 : memref<1x128x32xf32, #tpu.memory_space<vmem>> -> memref<128x32xf32, #tpu.memory_space<vmem>>
        %dma_wait3A_446 = arith.constant 0 : i32
        %dma_wait3A_447 = tpu.memref_slice %arg7[%add3A_439, %dma_wait3A_446] : memref<160x128xi32, #tpu.memory_space<vmem>> -> memref<1x128xi32, #tpu.memory_space<vmem>>
        %dma_wait3A_448 = tpu.memref_squeeze %dma_wait3A_447 : memref<1x128xi32, #tpu.memory_space<vmem>> -> memref<128xi32, #tpu.memory_space<vmem>>
        %dma_wait3A_449 = arith.constant 0 : i32
        %dma_wait3A_450 = arith.constant 0 : i32
        %dma_wait3A_451 = tpu.memref_slice %arg12[%dma_wait3A_449, %dma_wait3A_450] : memref<10240x32xf32, #tpu.memory_space<vmem_shared>> -> memref<10240x32xf32, #tpu.memory_space<vmem_shared>>
        %dma_wait3A_452 = tpu.memref_slice %arg15[%dma_wait3A_441] : memref<5x!tpu.dma_semaphore, #tpu.memory_space<semaphore_mem>> -> memref<1x!tpu.dma_semaphore, #tpu.memory_space<semaphore_mem>>
        %dma_wait3A_453 = tpu.memref_squeeze %dma_wait3A_452 : memref<1x!tpu.dma_semaphore, #tpu.memory_space<semaphore_mem>> -> memref<!tpu.dma_semaphore, #tpu.memory_space<semaphore_mem>>
        tpu.wait_indirect_dma semaphore(%dma_wait3A_453 : memref<!tpu.dma_semaphore, #tpu.memory_space<semaphore_mem>>) src(%dma_wait3A_445 : memref<128x32xf32, #tpu.memory_space<vmem>>) dst(%dma_wait3A_451 : memref<10240x32xf32, #tpu.memory_space<vmem_shared>>)
        %add3A_454 = arith.constant 5 : i32
        %add3A_455 = arith.addi %mul3A_307, %add3A_454 : i32
        %add3A_456 = arith.constant 1 : i32
        %add3A_457 = arith.addi %add3A_455, %add3A_456 : i32
        %mul3A_458 = arith.constant 128 : i32
        %mul3A_459 = arith.muli %add3A_457, %mul3A_458 : i32
        %dma_start3A_460 = arith.constant 1 : i32
        %dma_start3A_461 = arith.constant 1 : i32
        %dma_start3A_462 = arith.constant 0 : i32
        %dma_start3A_463 = arith.constant 0 : i32
        %dma_start3A_464 = tpu.memref_slice %arg8[%dma_start3A_460, %dma_start3A_462, %dma_start3A_463] : memref<5x128x32xf32, #tpu.memory_space<vmem>> -> memref<1x128x32xf32, #tpu.memory_space<vmem>>
        %dma_start3A_465 = tpu.memref_squeeze %dma_start3A_464 : memref<1x128x32xf32, #tpu.memory_space<vmem>> -> memref<128x32xf32, #tpu.memory_space<vmem>>
        %dma_start3A_466 = tpu.memref_slice %arg6[%mul3A_459] : memref<21120xi32, #tpu.memory_space<vmem>> -> memref<128xi32, #tpu.memory_space<vmem>>
        %dma_start3A_467 = arith.constant 0 : i32
        %dma_start3A_468 = arith.constant 0 : i32
        %dma_start3A_469 = tpu.memref_slice %arg13[%dma_start3A_467, %dma_start3A_468] : memref<10240x32xf32, #tpu.memory_space<vmem_shared>> -> memref<10240x32xf32, #tpu.memory_space<vmem_shared>>
        %dma_start3A_470 = tpu.memref_slice %arg14[%dma_start3A_461] : memref<5x!tpu.dma_semaphore, #tpu.memory_space<semaphore_mem>> -> memref<1x!tpu.dma_semaphore, #tpu.memory_space<semaphore_mem>>
        %dma_start3A_471 = tpu.memref_squeeze %dma_start3A_470 : memref<1x!tpu.dma_semaphore, #tpu.memory_space<semaphore_mem>> -> memref<!tpu.dma_semaphore, #tpu.memory_space<semaphore_mem>>
        tpu.enqueue_indirect_dma source(%dma_start3A_469 : memref<10240x32xf32, #tpu.memory_space<vmem_shared>>) target(%dma_start3A_465 : memref<128x32xf32, #tpu.memory_space<vmem>>) offsets(%dma_start3A_466 : memref<128xi32, #tpu.memory_space<vmem>>) semaphore(%dma_start3A_471 : memref<!tpu.dma_semaphore, #tpu.memory_space<semaphore_mem>>)
        %add3A_472 = arith.constant 2 : i32
        %add3A_473 = arith.addi %mul3A_307, %add3A_472 : i32
        %add3A_474 = arith.constant 1 : i32
        %add3A_475 = arith.addi %add3A_473, %add3A_474 : i32
        %mul3A_476 = arith.constant 128 : i32
        %mul3A_477 = arith.muli %add3A_475, %mul3A_476 : i32
        %dma_wait3A_478 = arith.constant 3 : i32
        %dma_wait3A_479 = arith.constant 3 : i32
        %dma_wait3A_480 = arith.constant 0 : i32
        %dma_wait3A_481 = arith.constant 0 : i32
        %dma_wait3A_482 = tpu.memref_slice %arg8[%dma_wait3A_478, %dma_wait3A_480, %dma_wait3A_481] : memref<5x128x32xf32, #tpu.memory_space<vmem>> -> memref<1x128x32xf32, #tpu.memory_space<vmem>>
        %dma_wait3A_483 = tpu.memref_squeeze %dma_wait3A_482 : memref<1x128x32xf32, #tpu.memory_space<vmem>> -> memref<128x32xf32, #tpu.memory_space<vmem>>
        %dma_wait3A_484 = tpu.memref_slice %arg6[%mul3A_477] : memref<21120xi32, #tpu.memory_space<vmem>> -> memref<128xi32, #tpu.memory_space<vmem>>
        %dma_wait3A_485 = arith.constant 0 : i32
        %dma_wait3A_486 = arith.constant 0 : i32
        %dma_wait3A_487 = tpu.memref_slice %arg13[%dma_wait3A_485, %dma_wait3A_486] : memref<10240x32xf32, #tpu.memory_space<vmem_shared>> -> memref<10240x32xf32, #tpu.memory_space<vmem_shared>>
        %dma_wait3A_488 = tpu.memref_slice %arg14[%dma_wait3A_479] : memref<5x!tpu.dma_semaphore, #tpu.memory_space<semaphore_mem>> -> memref<1x!tpu.dma_semaphore, #tpu.memory_space<semaphore_mem>>
        %dma_wait3A_489 = tpu.memref_squeeze %dma_wait3A_488 : memref<1x!tpu.dma_semaphore, #tpu.memory_space<semaphore_mem>> -> memref<!tpu.dma_semaphore, #tpu.memory_space<semaphore_mem>>
        tpu.wait_indirect_dma semaphore(%dma_wait3A_489 : memref<!tpu.dma_semaphore, #tpu.memory_space<semaphore_mem>>) src(%dma_wait3A_487 : memref<10240x32xf32, #tpu.memory_space<vmem_shared>>) dst(%dma_wait3A_483 : memref<128x32xf32, #tpu.memory_space<vmem>>)
        %add3A_490 = arith.constant 2 : i32
        %add3A_491 = arith.addi %mul3A_307, %add3A_490 : i32
        %add3A_492 = arith.constant 1 : i32
        %add3A_493 = arith.addi %add3A_491, %add3A_492 : i32
        %dma_start3A_494 = arith.constant 3 : i32
        %dma_start3A_495 = arith.constant 3 : i32
        %dma_start3A_496 = arith.constant 0 : i32
        %dma_start3A_497 = arith.constant 0 : i32
        %dma_start3A_498 = tpu.memref_slice %arg8[%dma_start3A_494, %dma_start3A_496, %dma_start3A_497] : memref<5x128x32xf32, #tpu.memory_space<vmem>> -> memref<1x128x32xf32, #tpu.memory_space<vmem>>
        %dma_start3A_499 = tpu.memref_squeeze %dma_start3A_498 : memref<1x128x32xf32, #tpu.memory_space<vmem>> -> memref<128x32xf32, #tpu.memory_space<vmem>>
        %dma_start3A_500 = arith.constant 0 : i32
        %dma_start3A_501 = tpu.memref_slice %arg7[%add3A_493, %dma_start3A_500] : memref<160x128xi32, #tpu.memory_space<vmem>> -> memref<1x128xi32, #tpu.memory_space<vmem>>
        %dma_start3A_502 = tpu.memref_squeeze %dma_start3A_501 : memref<1x128xi32, #tpu.memory_space<vmem>> -> memref<128xi32, #tpu.memory_space<vmem>>
        %dma_start3A_503 = arith.constant 0 : i32
        %dma_start3A_504 = arith.constant 0 : i32
        %dma_start3A_505 = tpu.memref_slice %arg12[%dma_start3A_503, %dma_start3A_504] : memref<10240x32xf32, #tpu.memory_space<vmem_shared>> -> memref<10240x32xf32, #tpu.memory_space<vmem_shared>>
        %dma_start3A_506 = tpu.memref_slice %arg15[%dma_start3A_495] : memref<5x!tpu.dma_semaphore, #tpu.memory_space<semaphore_mem>> -> memref<1x!tpu.dma_semaphore, #tpu.memory_space<semaphore_mem>>
        %dma_start3A_507 = tpu.memref_squeeze %dma_start3A_506 : memref<1x!tpu.dma_semaphore, #tpu.memory_space<semaphore_mem>> -> memref<!tpu.dma_semaphore, #tpu.memory_space<semaphore_mem>>
        tpu.enqueue_indirect_dma source(%dma_start3A_499 : memref<128x32xf32, #tpu.memory_space<vmem>>) target(%dma_start3A_505 : memref<10240x32xf32, #tpu.memory_space<vmem_shared>>) offsets(%dma_start3A_502 : memref<128xi32, #tpu.memory_space<vmem>>) semaphore(%dma_start3A_507 : memref<!tpu.dma_semaphore, #tpu.memory_space<semaphore_mem>>) {add = true}
        %add3A_508 = arith.constant 2 : i32
        %add3A_509 = arith.addi %mul3A_307, %add3A_508 : i32
        %dma_wait3A_510 = arith.constant 2 : i32
        %dma_wait3A_511 = arith.constant 2 : i32
        %dma_wait3A_512 = arith.constant 0 : i32
        %dma_wait3A_513 = arith.constant 0 : i32
        %dma_wait3A_514 = tpu.memref_slice %arg8[%dma_wait3A_510, %dma_wait3A_512, %dma_wait3A_513] : memref<5x128x32xf32, #tpu.memory_space<vmem>> -> memref<1x128x32xf32, #tpu.memory_space<vmem>>
        %dma_wait3A_515 = tpu.memref_squeeze %dma_wait3A_514 : memref<1x128x32xf32, #tpu.memory_space<vmem>> -> memref<128x32xf32, #tpu.memory_space<vmem>>
        %dma_wait3A_516 = arith.constant 0 : i32
        %dma_wait3A_517 = tpu.memref_slice %arg7[%add3A_509, %dma_wait3A_516] : memref<160x128xi32, #tpu.memory_space<vmem>> -> memref<1x128xi32, #tpu.memory_space<vmem>>
        %dma_wait3A_518 = tpu.memref_squeeze %dma_wait3A_517 : memref<1x128xi32, #tpu.memory_space<vmem>> -> memref<128xi32, #tpu.memory_space<vmem>>
        %dma_wait3A_519 = arith.constant 0 : i32
        %dma_wait3A_520 = arith.constant 0 : i32
        %dma_wait3A_521 = tpu.memref_slice %arg12[%dma_wait3A_519, %dma_wait3A_520] : memref<10240x32xf32, #tpu.memory_space<vmem_shared>> -> memref<10240x32xf32, #tpu.memory_space<vmem_shared>>
        %dma_wait3A_522 = tpu.memref_slice %arg15[%dma_wait3A_511] : memref<5x!tpu.dma_semaphore, #tpu.memory_space<semaphore_mem>> -> memref<1x!tpu.dma_semaphore, #tpu.memory_space<semaphore_mem>>
        %dma_wait3A_523 = tpu.memref_squeeze %dma_wait3A_522 : memref<1x!tpu.dma_semaphore, #tpu.memory_space<semaphore_mem>> -> memref<!tpu.dma_semaphore, #tpu.memory_space<semaphore_mem>>
        tpu.wait_indirect_dma semaphore(%dma_wait3A_523 : memref<!tpu.dma_semaphore, #tpu.memory_space<semaphore_mem>>) src(%dma_wait3A_515 : memref<128x32xf32, #tpu.memory_space<vmem>>) dst(%dma_wait3A_521 : memref<10240x32xf32, #tpu.memory_space<vmem_shared>>)
        %add3A_524 = arith.constant 5 : i32
        %add3A_525 = arith.addi %mul3A_307, %add3A_524 : i32
        %add3A_526 = arith.constant 2 : i32
        %add3A_527 = arith.addi %add3A_525, %add3A_526 : i32
        %mul3A_528 = arith.constant 128 : i32
        %mul3A_529 = arith.muli %add3A_527, %mul3A_528 : i32
        %dma_start3A_530 = arith.constant 2 : i32
        %dma_start3A_531 = arith.constant 2 : i32
        %dma_start3A_532 = arith.constant 0 : i32
        %dma_start3A_533 = arith.constant 0 : i32
        %dma_start3A_534 = tpu.memref_slice %arg8[%dma_start3A_530, %dma_start3A_532, %dma_start3A_533] : memref<5x128x32xf32, #tpu.memory_space<vmem>> -> memref<1x128x32xf32, #tpu.memory_space<vmem>>
        %dma_start3A_535 = tpu.memref_squeeze %dma_start3A_534 : memref<1x128x32xf32, #tpu.memory_space<vmem>> -> memref<128x32xf32, #tpu.memory_space<vmem>>
        %dma_start3A_536 = tpu.memref_slice %arg6[%mul3A_529] : memref<21120xi32, #tpu.memory_space<vmem>> -> memref<128xi32, #tpu.memory_space<vmem>>
        %dma_start3A_537 = arith.constant 0 : i32
        %dma_start3A_538 = arith.constant 0 : i32
        %dma_start3A_539 = tpu.memref_slice %arg13[%dma_start3A_537, %dma_start3A_538] : memref<10240x32xf32, #tpu.memory_space<vmem_shared>> -> memref<10240x32xf32, #tpu.memory_space<vmem_shared>>
        %dma_start3A_540 = tpu.memref_slice %arg14[%dma_start3A_531] : memref<5x!tpu.dma_semaphore, #tpu.memory_space<semaphore_mem>> -> memref<1x!tpu.dma_semaphore, #tpu.memory_space<semaphore_mem>>
        %dma_start3A_541 = tpu.memref_squeeze %dma_start3A_540 : memref<1x!tpu.dma_semaphore, #tpu.memory_space<semaphore_mem>> -> memref<!tpu.dma_semaphore, #tpu.memory_space<semaphore_mem>>
        tpu.enqueue_indirect_dma source(%dma_start3A_539 : memref<10240x32xf32, #tpu.memory_space<vmem_shared>>) target(%dma_start3A_535 : memref<128x32xf32, #tpu.memory_space<vmem>>) offsets(%dma_start3A_536 : memref<128xi32, #tpu.memory_space<vmem>>) semaphore(%dma_start3A_541 : memref<!tpu.dma_semaphore, #tpu.memory_space<semaphore_mem>>)
        %add3A_542 = arith.constant 2 : i32
        %add3A_543 = arith.addi %mul3A_307, %add3A_542 : i32
        %add3A_544 = arith.constant 2 : i32
        %add3A_545 = arith.addi %add3A_543, %add3A_544 : i32
        %mul3A_546 = arith.constant 128 : i32
        %mul3A_547 = arith.muli %add3A_545, %mul3A_546 : i32
        %dma_wait3A_548 = arith.constant 4 : i32
        %dma_wait3A_549 = arith.constant 4 : i32
        %dma_wait3A_550 = arith.constant 0 : i32
        %dma_wait3A_551 = arith.constant 0 : i32
        %dma_wait3A_552 = tpu.memref_slice %arg8[%dma_wait3A_548, %dma_wait3A_550, %dma_wait3A_551] : memref<5x128x32xf32, #tpu.memory_space<vmem>> -> memref<1x128x32xf32, #tpu.memory_space<vmem>>
        %dma_wait3A_553 = tpu.memref_squeeze %dma_wait3A_552 : memref<1x128x32xf32, #tpu.memory_space<vmem>> -> memref<128x32xf32, #tpu.memory_space<vmem>>
        %dma_wait3A_554 = tpu.memref_slice %arg6[%mul3A_547] : memref<21120xi32, #tpu.memory_space<vmem>> -> memref<128xi32, #tpu.memory_space<vmem>>
        %dma_wait3A_555 = arith.constant 0 : i32
        %dma_wait3A_556 = arith.constant 0 : i32
        %dma_wait3A_557 = tpu.memref_slice %arg13[%dma_wait3A_555, %dma_wait3A_556] : memref<10240x32xf32, #tpu.memory_space<vmem_shared>> -> memref<10240x32xf32, #tpu.memory_space<vmem_shared>>
        %dma_wait3A_558 = tpu.memref_slice %arg14[%dma_wait3A_549] : memref<5x!tpu.dma_semaphore, #tpu.memory_space<semaphore_mem>> -> memref<1x!tpu.dma_semaphore, #tpu.memory_space<semaphore_mem>>
        %dma_wait3A_559 = tpu.memref_squeeze %dma_wait3A_558 : memref<1x!tpu.dma_semaphore, #tpu.memory_space<semaphore_mem>> -> memref<!tpu.dma_semaphore, #tpu.memory_space<semaphore_mem>>
        tpu.wait_indirect_dma semaphore(%dma_wait3A_559 : memref<!tpu.dma_semaphore, #tpu.memory_space<semaphore_mem>>) src(%dma_wait3A_557 : memref<10240x32xf32, #tpu.memory_space<vmem_shared>>) dst(%dma_wait3A_553 : memref<128x32xf32, #tpu.memory_space<vmem>>)
        %add3A_560 = arith.constant 2 : i32
        %add3A_561 = arith.addi %mul3A_307, %add3A_560 : i32
        %add3A_562 = arith.constant 2 : i32
        %add3A_563 = arith.addi %add3A_561, %add3A_562 : i32
        %dma_start3A_564 = arith.constant 4 : i32
        %dma_start3A_565 = arith.constant 4 : i32
        %dma_start3A_566 = arith.constant 0 : i32
        %dma_start3A_567 = arith.constant 0 : i32
        %dma_start3A_568 = tpu.memref_slice %arg8[%dma_start3A_564, %dma_start3A_566, %dma_start3A_567] : memref<5x128x32xf32, #tpu.memory_space<vmem>> -> memref<1x128x32xf32, #tpu.memory_space<vmem>>
        %dma_start3A_569 = tpu.memref_squeeze %dma_start3A_568 : memref<1x128x32xf32, #tpu.memory_space<vmem>> -> memref<128x32xf32, #tpu.memory_space<vmem>>
        %dma_start3A_570 = arith.constant 0 : i32
        %dma_start3A_571 = tpu.memref_slice %arg7[%add3A_563, %dma_start3A_570] : memref<160x128xi32, #tpu.memory_space<vmem>> -> memref<1x128xi32, #tpu.memory_space<vmem>>
        %dma_start3A_572 = tpu.memref_squeeze %dma_start3A_571 : memref<1x128xi32, #tpu.memory_space<vmem>> -> memref<128xi32, #tpu.memory_space<vmem>>
        %dma_start3A_573 = arith.constant 0 : i32
        %dma_start3A_574 = arith.constant 0 : i32
        %dma_start3A_575 = tpu.memref_slice %arg12[%dma_start3A_573, %dma_start3A_574] : memref<10240x32xf32, #tpu.memory_space<vmem_shared>> -> memref<10240x32xf32, #tpu.memory_space<vmem_shared>>
        %dma_start3A_576 = tpu.memref_slice %arg15[%dma_start3A_565] : memref<5x!tpu.dma_semaphore, #tpu.memory_space<semaphore_mem>> -> memref<1x!tpu.dma_semaphore, #tpu.memory_space<semaphore_mem>>
        %dma_start3A_577 = tpu.memref_squeeze %dma_start3A_576 : memref<1x!tpu.dma_semaphore, #tpu.memory_space<semaphore_mem>> -> memref<!tpu.dma_semaphore, #tpu.memory_space<semaphore_mem>>
        tpu.enqueue_indirect_dma source(%dma_start3A_569 : memref<128x32xf32, #tpu.memory_space<vmem>>) target(%dma_start3A_575 : memref<10240x32xf32, #tpu.memory_space<vmem_shared>>) offsets(%dma_start3A_572 : memref<128xi32, #tpu.memory_space<vmem>>) semaphore(%dma_start3A_577 : memref<!tpu.dma_semaphore, #tpu.memory_space<semaphore_mem>>) {add = true}
        %add3A_578 = arith.constant 5 : i32
        %add3A_579 = arith.addi %mul3A_307, %add3A_578 : i32
        %sub3A = arith.constant 2 : i32
        %sub3A_580 = arith.subi %add3A_579, %sub3A : i32
        %dma_wait3A_581 = arith.constant 3 : i32
        %dma_wait3A_582 = arith.constant 3 : i32
        %dma_wait3A_583 = arith.constant 0 : i32
        %dma_wait3A_584 = arith.constant 0 : i32
        %dma_wait3A_585 = tpu.memref_slice %arg8[%dma_wait3A_581, %dma_wait3A_583, %dma_wait3A_584] : memref<5x128x32xf32, #tpu.memory_space<vmem>> -> memref<1x128x32xf32, #tpu.memory_space<vmem>>
        %dma_wait3A_586 = tpu.memref_squeeze %dma_wait3A_585 : memref<1x128x32xf32, #tpu.memory_space<vmem>> -> memref<128x32xf32, #tpu.memory_space<vmem>>
        %dma_wait3A_587 = arith.constant 0 : i32
        %dma_wait3A_588 = tpu.memref_slice %arg7[%sub3A_580, %dma_wait3A_587] : memref<160x128xi32, #tpu.memory_space<vmem>> -> memref<1x128xi32, #tpu.memory_space<vmem>>
        %dma_wait3A_589 = tpu.memref_squeeze %dma_wait3A_588 : memref<1x128xi32, #tpu.memory_space<vmem>> -> memref<128xi32, #tpu.memory_space<vmem>>
        %dma_wait3A_590 = arith.constant 0 : i32
        %dma_wait3A_591 = arith.constant 0 : i32
        %dma_wait3A_592 = tpu.memref_slice %arg12[%dma_wait3A_590, %dma_wait3A_591] : memref<10240x32xf32, #tpu.memory_space<vmem_shared>> -> memref<10240x32xf32, #tpu.memory_space<vmem_shared>>
        %dma_wait3A_593 = tpu.memref_slice %arg15[%dma_wait3A_582] : memref<5x!tpu.dma_semaphore, #tpu.memory_space<semaphore_mem>> -> memref<1x!tpu.dma_semaphore, #tpu.memory_space<semaphore_mem>>
        %dma_wait3A_594 = tpu.memref_squeeze %dma_wait3A_593 : memref<1x!tpu.dma_semaphore, #tpu.memory_space<semaphore_mem>> -> memref<!tpu.dma_semaphore, #tpu.memory_space<semaphore_mem>>
        tpu.wait_indirect_dma semaphore(%dma_wait3A_594 : memref<!tpu.dma_semaphore, #tpu.memory_space<semaphore_mem>>) src(%dma_wait3A_586 : memref<128x32xf32, #tpu.memory_space<vmem>>) dst(%dma_wait3A_592 : memref<10240x32xf32, #tpu.memory_space<vmem_shared>>)
        %add3A_595 = arith.constant 10 : i32
        %add3A_596 = arith.addi %mul3A_307, %add3A_595 : i32
        %sub3A_597 = arith.constant 2 : i32
        %sub3A_598 = arith.subi %add3A_596, %sub3A_597 : i32
        %mul3A_599 = arith.constant 128 : i32
        %mul3A_600 = arith.muli %sub3A_598, %mul3A_599 : i32
        %dma_start3A_601 = arith.constant 3 : i32
        %dma_start3A_602 = arith.constant 3 : i32
        %dma_start3A_603 = arith.constant 0 : i32
        %dma_start3A_604 = arith.constant 0 : i32
        %dma_start3A_605 = tpu.memref_slice %arg8[%dma_start3A_601, %dma_start3A_603, %dma_start3A_604] : memref<5x128x32xf32, #tpu.memory_space<vmem>> -> memref<1x128x32xf32, #tpu.memory_space<vmem>>
        %dma_start3A_606 = tpu.memref_squeeze %dma_start3A_605 : memref<1x128x32xf32, #tpu.memory_space<vmem>> -> memref<128x32xf32, #tpu.memory_space<vmem>>
        %dma_start3A_607 = tpu.memref_slice %arg6[%mul3A_600] : memref<21120xi32, #tpu.memory_space<vmem>> -> memref<128xi32, #tpu.memory_space<vmem>>
        %dma_start3A_608 = arith.constant 0 : i32
        %dma_start3A_609 = arith.constant 0 : i32
        %dma_start3A_610 = tpu.memref_slice %arg13[%dma_start3A_608, %dma_start3A_609] : memref<10240x32xf32, #tpu.memory_space<vmem_shared>> -> memref<10240x32xf32, #tpu.memory_space<vmem_shared>>
        %dma_start3A_611 = tpu.memref_slice %arg14[%dma_start3A_602] : memref<5x!tpu.dma_semaphore, #tpu.memory_space<semaphore_mem>> -> memref<1x!tpu.dma_semaphore, #tpu.memory_space<semaphore_mem>>
        %dma_start3A_612 = tpu.memref_squeeze %dma_start3A_611 : memref<1x!tpu.dma_semaphore, #tpu.memory_space<semaphore_mem>> -> memref<!tpu.dma_semaphore, #tpu.memory_space<semaphore_mem>>
        tpu.enqueue_indirect_dma source(%dma_start3A_610 : memref<10240x32xf32, #tpu.memory_space<vmem_shared>>) target(%dma_start3A_606 : memref<128x32xf32, #tpu.memory_space<vmem>>) offsets(%dma_start3A_607 : memref<128xi32, #tpu.memory_space<vmem>>) semaphore(%dma_start3A_612 : memref<!tpu.dma_semaphore, #tpu.memory_space<semaphore_mem>>)
        %add3A_613 = arith.constant 5 : i32
        %add3A_614 = arith.addi %mul3A_307, %add3A_613 : i32
        %sub3A_615 = arith.constant 1 : i32
        %sub3A_616 = arith.subi %add3A_614, %sub3A_615 : i32
        %dma_wait3A_617 = arith.constant 4 : i32
        %dma_wait3A_618 = arith.constant 4 : i32
        %dma_wait3A_619 = arith.constant 0 : i32
        %dma_wait3A_620 = arith.constant 0 : i32
        %dma_wait3A_621 = tpu.memref_slice %arg8[%dma_wait3A_617, %dma_wait3A_619, %dma_wait3A_620] : memref<5x128x32xf32, #tpu.memory_space<vmem>> -> memref<1x128x32xf32, #tpu.memory_space<vmem>>
        %dma_wait3A_622 = tpu.memref_squeeze %dma_wait3A_621 : memref<1x128x32xf32, #tpu.memory_space<vmem>> -> memref<128x32xf32, #tpu.memory_space<vmem>>
        %dma_wait3A_623 = arith.constant 0 : i32
        %dma_wait3A_624 = tpu.memref_slice %arg7[%sub3A_616, %dma_wait3A_623] : memref<160x128xi32, #tpu.memory_space<vmem>> -> memref<1x128xi32, #tpu.memory_space<vmem>>
        %dma_wait3A_625 = tpu.memref_squeeze %dma_wait3A_624 : memref<1x128xi32, #tpu.memory_space<vmem>> -> memref<128xi32, #tpu.memory_space<vmem>>
        %dma_wait3A_626 = arith.constant 0 : i32
        %dma_wait3A_627 = arith.constant 0 : i32
        %dma_wait3A_628 = tpu.memref_slice %arg12[%dma_wait3A_626, %dma_wait3A_627] : memref<10240x32xf32, #tpu.memory_space<vmem_shared>> -> memref<10240x32xf32, #tpu.memory_space<vmem_shared>>
        %dma_wait3A_629 = tpu.memref_slice %arg15[%dma_wait3A_618] : memref<5x!tpu.dma_semaphore, #tpu.memory_space<semaphore_mem>> -> memref<1x!tpu.dma_semaphore, #tpu.memory_space<semaphore_mem>>
        %dma_wait3A_630 = tpu.memref_squeeze %dma_wait3A_629 : memref<1x!tpu.dma_semaphore, #tpu.memory_space<semaphore_mem>> -> memref<!tpu.dma_semaphore, #tpu.memory_space<semaphore_mem>>
        tpu.wait_indirect_dma semaphore(%dma_wait3A_630 : memref<!tpu.dma_semaphore, #tpu.memory_space<semaphore_mem>>) src(%dma_wait3A_622 : memref<128x32xf32, #tpu.memory_space<vmem>>) dst(%dma_wait3A_628 : memref<10240x32xf32, #tpu.memory_space<vmem_shared>>)
        %add3A_631 = arith.constant 10 : i32
        %add3A_632 = arith.addi %mul3A_307, %add3A_631 : i32
        %sub3A_633 = arith.constant 1 : i32
        %sub3A_634 = arith.subi %add3A_632, %sub3A_633 : i32
        %mul3A_635 = arith.constant 128 : i32
        %mul3A_636 = arith.muli %sub3A_634, %mul3A_635 : i32
        %dma_start3A_637 = arith.constant 4 : i32
        %dma_start3A_638 = arith.constant 4 : i32
        %dma_start3A_639 = arith.constant 0 : i32
        %dma_start3A_640 = arith.constant 0 : i32
        %dma_start3A_641 = tpu.memref_slice %arg8[%dma_start3A_637, %dma_start3A_639, %dma_start3A_640] : memref<5x128x32xf32, #tpu.memory_space<vmem>> -> memref<1x128x32xf32, #tpu.memory_space<vmem>>
        %dma_start3A_642 = tpu.memref_squeeze %dma_start3A_641 : memref<1x128x32xf32, #tpu.memory_space<vmem>> -> memref<128x32xf32, #tpu.memory_space<vmem>>
        %dma_start3A_643 = tpu.memref_slice %arg6[%mul3A_636] : memref<21120xi32, #tpu.memory_space<vmem>> -> memref<128xi32, #tpu.memory_space<vmem>>
        %dma_start3A_644 = arith.constant 0 : i32
        %dma_start3A_645 = arith.constant 0 : i32
        %dma_start3A_646 = tpu.memref_slice %arg13[%dma_start3A_644, %dma_start3A_645] : memref<10240x32xf32, #tpu.memory_space<vmem_shared>> -> memref<10240x32xf32, #tpu.memory_space<vmem_shared>>
        %dma_start3A_647 = tpu.memref_slice %arg14[%dma_start3A_638] : memref<5x!tpu.dma_semaphore, #tpu.memory_space<semaphore_mem>> -> memref<1x!tpu.dma_semaphore, #tpu.memory_space<semaphore_mem>>
        %dma_start3A_648 = tpu.memref_squeeze %dma_start3A_647 : memref<1x!tpu.dma_semaphore, #tpu.memory_space<semaphore_mem>> -> memref<!tpu.dma_semaphore, #tpu.memory_space<semaphore_mem>>
        tpu.enqueue_indirect_dma source(%dma_start3A_646 : memref<10240x32xf32, #tpu.memory_space<vmem_shared>>) target(%dma_start3A_642 : memref<128x32xf32, #tpu.memory_space<vmem>>) offsets(%dma_start3A_643 : memref<128xi32, #tpu.memory_space<vmem>>) semaphore(%dma_start3A_648 : memref<!tpu.dma_semaphore, #tpu.memory_space<semaphore_mem>>)
      }
      %scan3A_153 = arith.constant 32 : i32
      %dma_wait3A = arith.constant 0 : i32
      %dma_wait3A_154 = arith.constant 0 : i32
      %dma_wait3A_155 = arith.constant 0 : i32
      %dma_wait3A_156 = arith.constant 0 : i32
      %dma_wait3A_157 = tpu.memref_slice %arg8[%dma_wait3A, %dma_wait3A_155, %dma_wait3A_156] : memref<5x128x32xf32, #tpu.memory_space<vmem>> -> memref<1x128x32xf32, #tpu.memory_space<vmem>>
      %dma_wait3A_158 = tpu.memref_squeeze %dma_wait3A_157 : memref<1x128x32xf32, #tpu.memory_space<vmem>> -> memref<128x32xf32, #tpu.memory_space<vmem>>
      %dma_wait3A_159 = arith.constant 20480 : i32
      %dma_wait3A_160 = tpu.memref_slice %arg6[%dma_wait3A_159] : memref<21120xi32, #tpu.memory_space<vmem>> -> memref<128xi32, #tpu.memory_space<vmem>>
      %dma_wait3A_161 = arith.constant 0 : i32
      %dma_wait3A_162 = arith.constant 0 : i32
      %dma_wait3A_163 = tpu.memref_slice %arg13[%dma_wait3A_161, %dma_wait3A_162] : memref<10240x32xf32, #tpu.memory_space<vmem_shared>> -> memref<10240x32xf32, #tpu.memory_space<vmem_shared>>
      %dma_wait3A_164 = tpu.memref_slice %arg14[%dma_wait3A_154] : memref<5x!tpu.dma_semaphore, #tpu.memory_space<semaphore_mem>> -> memref<1x!tpu.dma_semaphore, #tpu.memory_space<semaphore_mem>>
      %dma_wait3A_165 = tpu.memref_squeeze %dma_wait3A_164 : memref<1x!tpu.dma_semaphore, #tpu.memory_space<semaphore_mem>> -> memref<!tpu.dma_semaphore, #tpu.memory_space<semaphore_mem>>
      tpu.wait_indirect_dma semaphore(%dma_wait3A_165 : memref<!tpu.dma_semaphore, #tpu.memory_space<semaphore_mem>>) src(%dma_wait3A_163 : memref<10240x32xf32, #tpu.memory_space<vmem_shared>>) dst(%dma_wait3A_158 : memref<128x32xf32, #tpu.memory_space<vmem>>)
      %dma_wait3A_166 = arith.constant 1 : i32
      %dma_wait3A_167 = arith.constant 1 : i32
      %dma_wait3A_168 = arith.constant 0 : i32
      %dma_wait3A_169 = arith.constant 0 : i32
      %dma_wait3A_170 = tpu.memref_slice %arg8[%dma_wait3A_166, %dma_wait3A_168, %dma_wait3A_169] : memref<5x128x32xf32, #tpu.memory_space<vmem>> -> memref<1x128x32xf32, #tpu.memory_space<vmem>>
      %dma_wait3A_171 = tpu.memref_squeeze %dma_wait3A_170 : memref<1x128x32xf32, #tpu.memory_space<vmem>> -> memref<128x32xf32, #tpu.memory_space<vmem>>
      %dma_wait3A_172 = arith.constant 20608 : i32
      %dma_wait3A_173 = tpu.memref_slice %arg6[%dma_wait3A_172] : memref<21120xi32, #tpu.memory_space<vmem>> -> memref<128xi32, #tpu.memory_space<vmem>>
      %dma_wait3A_174 = arith.constant 0 : i32
      %dma_wait3A_175 = arith.constant 0 : i32
      %dma_wait3A_176 = tpu.memref_slice %arg13[%dma_wait3A_174, %dma_wait3A_175] : memref<10240x32xf32, #tpu.memory_space<vmem_shared>> -> memref<10240x32xf32, #tpu.memory_space<vmem_shared>>
      %dma_wait3A_177 = tpu.memref_slice %arg14[%dma_wait3A_167] : memref<5x!tpu.dma_semaphore, #tpu.memory_space<semaphore_mem>> -> memref<1x!tpu.dma_semaphore, #tpu.memory_space<semaphore_mem>>
      %dma_wait3A_178 = tpu.memref_squeeze %dma_wait3A_177 : memref<1x!tpu.dma_semaphore, #tpu.memory_space<semaphore_mem>> -> memref<!tpu.dma_semaphore, #tpu.memory_space<semaphore_mem>>
      tpu.wait_indirect_dma semaphore(%dma_wait3A_178 : memref<!tpu.dma_semaphore, #tpu.memory_space<semaphore_mem>>) src(%dma_wait3A_176 : memref<10240x32xf32, #tpu.memory_space<vmem_shared>>) dst(%dma_wait3A_171 : memref<128x32xf32, #tpu.memory_space<vmem>>)
      %dma_wait3A_179 = arith.constant 2 : i32
      %dma_wait3A_180 = arith.constant 2 : i32
      %dma_wait3A_181 = arith.constant 0 : i32
      %dma_wait3A_182 = arith.constant 0 : i32
      %dma_wait3A_183 = tpu.memref_slice %arg8[%dma_wait3A_179, %dma_wait3A_181, %dma_wait3A_182] : memref<5x128x32xf32, #tpu.memory_space<vmem>> -> memref<1x128x32xf32, #tpu.memory_space<vmem>>
      %dma_wait3A_184 = tpu.memref_squeeze %dma_wait3A_183 : memref<1x128x32xf32, #tpu.memory_space<vmem>> -> memref<128x32xf32, #tpu.memory_space<vmem>>
      %dma_wait3A_185 = arith.constant 20736 : i32
      %dma_wait3A_186 = tpu.memref_slice %arg6[%dma_wait3A_185] : memref<21120xi32, #tpu.memory_space<vmem>> -> memref<128xi32, #tpu.memory_space<vmem>>
      %dma_wait3A_187 = arith.constant 0 : i32
      %dma_wait3A_188 = arith.constant 0 : i32
      %dma_wait3A_189 = tpu.memref_slice %arg13[%dma_wait3A_187, %dma_wait3A_188] : memref<10240x32xf32, #tpu.memory_space<vmem_shared>> -> memref<10240x32xf32, #tpu.memory_space<vmem_shared>>
      %dma_wait3A_190 = tpu.memref_slice %arg14[%dma_wait3A_180] : memref<5x!tpu.dma_semaphore, #tpu.memory_space<semaphore_mem>> -> memref<1x!tpu.dma_semaphore, #tpu.memory_space<semaphore_mem>>
      %dma_wait3A_191 = tpu.memref_squeeze %dma_wait3A_190 : memref<1x!tpu.dma_semaphore, #tpu.memory_space<semaphore_mem>> -> memref<!tpu.dma_semaphore, #tpu.memory_space<semaphore_mem>>
      tpu.wait_indirect_dma semaphore(%dma_wait3A_191 : memref<!tpu.dma_semaphore, #tpu.memory_space<semaphore_mem>>) src(%dma_wait3A_189 : memref<10240x32xf32, #tpu.memory_space<vmem_shared>>) dst(%dma_wait3A_184 : memref<128x32xf32, #tpu.memory_space<vmem>>)
      %dma_wait3A_192 = arith.constant 3 : i32
      %dma_wait3A_193 = arith.constant 3 : i32
      %dma_wait3A_194 = arith.constant 0 : i32
      %dma_wait3A_195 = arith.constant 0 : i32
      %dma_wait3A_196 = tpu.memref_slice %arg8[%dma_wait3A_192, %dma_wait3A_194, %dma_wait3A_195] : memref<5x128x32xf32, #tpu.memory_space<vmem>> -> memref<1x128x32xf32, #tpu.memory_space<vmem>>
      %dma_wait3A_197 = tpu.memref_squeeze %dma_wait3A_196 : memref<1x128x32xf32, #tpu.memory_space<vmem>> -> memref<128x32xf32, #tpu.memory_space<vmem>>
      %dma_wait3A_198 = arith.constant 20864 : i32
      %dma_wait3A_199 = tpu.memref_slice %arg6[%dma_wait3A_198] : memref<21120xi32, #tpu.memory_space<vmem>> -> memref<128xi32, #tpu.memory_space<vmem>>
      %dma_wait3A_200 = arith.constant 0 : i32
      %dma_wait3A_201 = arith.constant 0 : i32
      %dma_wait3A_202 = tpu.memref_slice %arg13[%dma_wait3A_200, %dma_wait3A_201] : memref<10240x32xf32, #tpu.memory_space<vmem_shared>> -> memref<10240x32xf32, #tpu.memory_space<vmem_shared>>
      %dma_wait3A_203 = tpu.memref_slice %arg14[%dma_wait3A_193] : memref<5x!tpu.dma_semaphore, #tpu.memory_space<semaphore_mem>> -> memref<1x!tpu.dma_semaphore, #tpu.memory_space<semaphore_mem>>
      %dma_wait3A_204 = tpu.memref_squeeze %dma_wait3A_203 : memref<1x!tpu.dma_semaphore, #tpu.memory_space<semaphore_mem>> -> memref<!tpu.dma_semaphore, #tpu.memory_space<semaphore_mem>>
      tpu.wait_indirect_dma semaphore(%dma_wait3A_204 : memref<!tpu.dma_semaphore, #tpu.memory_space<semaphore_mem>>) src(%dma_wait3A_202 : memref<10240x32xf32, #tpu.memory_space<vmem_shared>>) dst(%dma_wait3A_197 : memref<128x32xf32, #tpu.memory_space<vmem>>)
      %dma_wait3A_205 = arith.constant 4 : i32
      %dma_wait3A_206 = arith.constant 4 : i32
      %dma_wait3A_207 = arith.constant 0 : i32
      %dma_wait3A_208 = arith.constant 0 : i32
      %dma_wait3A_209 = tpu.memref_slice %arg8[%dma_wait3A_205, %dma_wait3A_207, %dma_wait3A_208] : memref<5x128x32xf32, #tpu.memory_space<vmem>> -> memref<1x128x32xf32, #tpu.memory_space<vmem>>
      %dma_wait3A_210 = tpu.memref_squeeze %dma_wait3A_209 : memref<1x128x32xf32, #tpu.memory_space<vmem>> -> memref<128x32xf32, #tpu.memory_space<vmem>>
      %dma_wait3A_211 = arith.constant 20992 : i32
      %dma_wait3A_212 = tpu.memref_slice %arg6[%dma_wait3A_211] : memref<21120xi32, #tpu.memory_space<vmem>> -> memref<128xi32, #tpu.memory_space<vmem>>
      %dma_wait3A_213 = arith.constant 0 : i32
      %dma_wait3A_214 = arith.constant 0 : i32
      %dma_wait3A_215 = tpu.memref_slice %arg13[%dma_wait3A_213, %dma_wait3A_214] : memref<10240x32xf32, #tpu.memory_space<vmem_shared>> -> memref<10240x32xf32, #tpu.memory_space<vmem_shared>>
      %dma_wait3A_216 = tpu.memref_slice %arg14[%dma_wait3A_206] : memref<5x!tpu.dma_semaphore, #tpu.memory_space<semaphore_mem>> -> memref<1x!tpu.dma_semaphore, #tpu.memory_space<semaphore_mem>>
      %dma_wait3A_217 = tpu.memref_squeeze %dma_wait3A_216 : memref<1x!tpu.dma_semaphore, #tpu.memory_space<semaphore_mem>> -> memref<!tpu.dma_semaphore, #tpu.memory_space<semaphore_mem>>
      tpu.wait_indirect_dma semaphore(%dma_wait3A_217 : memref<!tpu.dma_semaphore, #tpu.memory_space<semaphore_mem>>) src(%dma_wait3A_215 : memref<10240x32xf32, #tpu.memory_space<vmem_shared>>) dst(%dma_wait3A_210 : memref<128x32xf32, #tpu.memory_space<vmem>>)
      %barrier3A_218 = arith.constant 0 : index
      tpu.barrier barrier_id(%barrier3A_218)
      %add3A_219 = arith.constant 0 : i32
      %add3A_220 = arith.addi %mul3A_2, %add3A_219 : i32
      "tpu.region"() ({
        %run_scoped3A = tpu.sem_alloc : memref<!tpu.dma_semaphore, #tpu.memory_space<semaphore_mem>>
        %dma_start3A_305 = arith.constant 0 : i32
        %dma_start3A_306 = tpu.memref_slice %arg12[%add3A_220, %dma_start3A_305] : memref<10240x32xf32, #tpu.memory_space<vmem_shared>> -> memref<160x32xf32, #tpu.memory_space<vmem_shared>>
        %dma_start3A_307 = arith.constant 0 : i32
        %dma_start3A_308 = tpu.memref_slice %arg12[%add3A_220, %dma_start3A_307] : memref<10240x32xf32, #tpu.memory_space<vmem_shared>> -> memref<160x32xf32, #tpu.memory_space<vmem_shared>>
        tpu.enqueue_dma source(%dma_start3A_308 : memref<160x32xf32, #tpu.memory_space<vmem_shared>>) target(%arg9 : memref<160x32xf32, #tpu.memory_space<vmem>>) target_semaphore(%run_scoped3A : memref<!tpu.dma_semaphore, #tpu.memory_space<semaphore_mem>>)
        %dma_wait3A_309 = arith.constant 0 : i32
        %dma_wait3A_310 = tpu.memref_slice %arg12[%add3A_220, %dma_wait3A_309] : memref<10240x32xf32, #tpu.memory_space<vmem_shared>> -> memref<160x32xf32, #tpu.memory_space<vmem_shared>>
        %dma_wait3A_311 = arith.constant 0 : i32
        %dma_wait3A_312 = tpu.memref_slice %arg12[%add3A_220, %dma_wait3A_311] : memref<10240x32xf32, #tpu.memory_space<vmem_shared>> -> memref<160x32xf32, #tpu.memory_space<vmem_shared>>
        tpu.wait_dma2 semaphore(%run_scoped3A : memref<!tpu.dma_semaphore, #tpu.memory_space<semaphore_mem>>) src(%dma_wait3A_312 : memref<160x32xf32, #tpu.memory_space<vmem_shared>>) dst(%arg9 : memref<160x32xf32, #tpu.memory_space<vmem>>)
        tpu.yield
      }) : () -> ()
      %broadcast_in_dim3A_221 = arith.constant 0.000000e+00 : f32
      %broadcast_in_dim3A_222 = vector.broadcast %broadcast_in_dim3A_221 : f32 to vector<16xf32>
      %scan3A_223 = arith.constant 0 : i32
      %scan3A_224 = arith.constant 0 : i32
      %scan3A_225 = arith.constant 40 : i32
      %scan3A_226 = arith.addi %scan3A_224, %scan3A_225 : i32
      %scan3A_227 = arith.constant 1 : i32
      scf.for %scan3A_305 = %scan3A_224 to %scan3A_226 step %scan3A_227  : i32 {
        %mul3A_306 = arith.constant 4 : i32
        %mul3A_307 = arith.muli %scan3A_305, %mul3A_306 : i32
        %add3A_308 = arith.constant 0 : i32
        %add3A_309 = arith.addi %mul3A_307, %add3A_308 : i32
        %swap3A = arith.index_cast %add3A_309 : i32 to index
        %swap3A_310 = arith.constant 0 : index
        %swap3A_311 = tpu.vector_load %arg10[%swap3A, %swap3A_310] {strides = array<i32>} : memref<160x32xf32, #tpu.memory_space<vmem>>, vector<1x16xf32>,
        %swap3A_312 = vector.shape_cast %swap3A_311 : vector<1x16xf32> to vector<16xf32>
        %swap3A_313 = vector.shape_cast %broadcast_in_dim3A_222 : vector<16xf32> to vector<1x16xf32>
        tpu.vector_store %arg10[%swap3A, %swap3A_310], %swap3A_313 {strides = array<i32>} : memref<160x32xf32, #tpu.memory_space<vmem>>, vector<1x16xf32>,
        %mul3A_314 = arith.constant 4 : i32
        %mul3A_315 = arith.muli %scan3A_305, %mul3A_314 : i32
        %add3A_316 = arith.constant 0 : i32
        %add3A_317 = arith.addi %mul3A_315, %add3A_316 : i32
        %swap3A_318 = arith.index_cast %add3A_317 : i32 to index
        %swap3A_319 = arith.constant 16 : index
        %swap3A_320 = tpu.vector_load %arg10[%swap3A_318, %swap3A_319] {strides = array<i32>} : memref<160x32xf32, #tpu.memory_space<vmem>>, vector<1x16xf32>,
        %swap3A_321 = vector.shape_cast %swap3A_320 : vector<1x16xf32> to vector<16xf32>
        %swap3A_322 = vector.shape_cast %broadcast_in_dim3A_222 : vector<16xf32> to vector<1x16xf32>
        tpu.vector_store %arg10[%swap3A_318, %swap3A_319], %swap3A_322 {strides = array<i32>} : memref<160x32xf32, #tpu.memory_space<vmem>>, vector<1x16xf32>,
        %mul3A_323 = arith.constant 4 : i32
        %mul3A_324 = arith.muli %scan3A_305, %mul3A_323 : i32
        %add3A_325 = arith.constant 1 : i32
        %add3A_326 = arith.addi %mul3A_324, %add3A_325 : i32
        %swap3A_327 = arith.index_cast %add3A_326 : i32 to index
        %swap3A_328 = arith.constant 0 : index
        %swap3A_329 = tpu.vector_load %arg10[%swap3A_327, %swap3A_328] {strides = array<i32>} : memref<160x32xf32, #tpu.memory_space<vmem>>, vector<1x16xf32>,
        %swap3A_330 = vector.shape_cast %swap3A_329 : vector<1x16xf32> to vector<16xf32>
        %swap3A_331 = vector.shape_cast %broadcast_in_dim3A_222 : vector<16xf32> to vector<1x16xf32>
        tpu.vector_store %arg10[%swap3A_327, %swap3A_328], %swap3A_331 {strides = array<i32>} : memref<160x32xf32, #tpu.memory_space<vmem>>, vector<1x16xf32>,
        %mul3A_332 = arith.constant 4 : i32
        %mul3A_333 = arith.muli %scan3A_305, %mul3A_332 : i32
        %add3A_334 = arith.constant 1 : i32
        %add3A_335 = arith.addi %mul3A_333, %add3A_334 : i32
        %swap3A_336 = arith.index_cast %add3A_335 : i32 to index
        %swap3A_337 = arith.constant 16 : index
        %swap3A_338 = tpu.vector_load %arg10[%swap3A_336, %swap3A_337] {strides = array<i32>} : memref<160x32xf32, #tpu.memory_space<vmem>>, vector<1x16xf32>,
        %swap3A_339 = vector.shape_cast %swap3A_338 : vector<1x16xf32> to vector<16xf32>
        %swap3A_340 = vector.shape_cast %broadcast_in_dim3A_222 : vector<16xf32> to vector<1x16xf32>
        tpu.vector_store %arg10[%swap3A_336, %swap3A_337], %swap3A_340 {strides = array<i32>} : memref<160x32xf32, #tpu.memory_space<vmem>>, vector<1x16xf32>,
        %mul3A_341 = arith.constant 4 : i32
        %mul3A_342 = arith.muli %scan3A_305, %mul3A_341 : i32
        %add3A_343 = arith.constant 2 : i32
        %add3A_344 = arith.addi %mul3A_342, %add3A_343 : i32
        %swap3A_345 = arith.index_cast %add3A_344 : i32 to index
        %swap3A_346 = arith.constant 0 : index
        %swap3A_347 = tpu.vector_load %arg10[%swap3A_345, %swap3A_346] {strides = array<i32>} : memref<160x32xf32, #tpu.memory_space<vmem>>, vector<1x16xf32>,
        %swap3A_348 = vector.shape_cast %swap3A_347 : vector<1x16xf32> to vector<16xf32>
        %swap3A_349 = vector.shape_cast %broadcast_in_dim3A_222 : vector<16xf32> to vector<1x16xf32>
        tpu.vector_store %arg10[%swap3A_345, %swap3A_346], %swap3A_349 {strides = array<i32>} : memref<160x32xf32, #tpu.memory_space<vmem>>, vector<1x16xf32>,
        %mul3A_350 = arith.constant 4 : i32
        %mul3A_351 = arith.muli %scan3A_305, %mul3A_350 : i32
        %add3A_352 = arith.constant 2 : i32
        %add3A_353 = arith.addi %mul3A_351, %add3A_352 : i32
        %swap3A_354 = arith.index_cast %add3A_353 : i32 to index
        %swap3A_355 = arith.constant 16 : index
        %swap3A_356 = tpu.vector_load %arg10[%swap3A_354, %swap3A_355] {strides = array<i32>} : memref<160x32xf32, #tpu.memory_space<vmem>>, vector<1x16xf32>,
        %swap3A_357 = vector.shape_cast %swap3A_356 : vector<1x16xf32> to vector<16xf32>
        %swap3A_358 = vector.shape_cast %broadcast_in_dim3A_222 : vector<16xf32> to vector<1x16xf32>
        tpu.vector_store %arg10[%swap3A_354, %swap3A_355], %swap3A_358 {strides = array<i32>} : memref<160x32xf32, #tpu.memory_space<vmem>>, vector<1x16xf32>,
        %mul3A_359 = arith.constant 4 : i32
        %mul3A_360 = arith.muli %scan3A_305, %mul3A_359 : i32
        %add3A_361 = arith.constant 3 : i32
        %add3A_362 = arith.addi %mul3A_360, %add3A_361 : i32
        %swap3A_363 = arith.index_cast %add3A_362 : i32 to index
        %swap3A_364 = arith.constant 0 : index
        %swap3A_365 = tpu.vector_load %arg10[%swap3A_363, %swap3A_364] {strides = array<i32>} : memref<160x32xf32, #tpu.memory_space<vmem>>, vector<1x16xf32>,
        %swap3A_366 = vector.shape_cast %swap3A_365 : vector<1x16xf32> to vector<16xf32>
        %swap3A_367 = vector.shape_cast %broadcast_in_dim3A_222 : vector<16xf32> to vector<1x16xf32>
        tpu.vector_store %arg10[%swap3A_363, %swap3A_364], %swap3A_367 {strides = array<i32>} : memref<160x32xf32, #tpu.memory_space<vmem>>, vector<1x16xf32>,
        %mul3A_368 = arith.constant 4 : i32
        %mul3A_369 = arith.muli %scan3A_305, %mul3A_368 : i32
        %add3A_370 = arith.constant 3 : i32
        %add3A_371 = arith.addi %mul3A_369, %add3A_370 : i32
        %swap3A_372 = arith.index_cast %add3A_371 : i32 to index
        %swap3A_373 = arith.constant 16 : index
        %swap3A_374 = tpu.vector_load %arg10[%swap3A_372, %swap3A_373] {strides = array<i32>} : memref<160x32xf32, #tpu.memory_space<vmem>>, vector<1x16xf32>,
        %swap3A_375 = vector.shape_cast %swap3A_374 : vector<1x16xf32> to vector<16xf32>
        %swap3A_376 = vector.shape_cast %broadcast_in_dim3A_222 : vector<16xf32> to vector<1x16xf32>
        tpu.vector_store %arg10[%swap3A_372, %swap3A_373], %swap3A_376 {strides = array<i32>} : memref<160x32xf32, #tpu.memory_space<vmem>>, vector<1x16xf32>,
      }
      %scan3A_228 = arith.constant 40 : i32
      "tpu.region"() ({
        %run_scoped3A = tpu.sem_alloc : memref<!tpu.dma_semaphore, #tpu.memory_space<semaphore_mem>>
        %dma_start3A_305 = arith.constant 0 : i32
        %dma_start3A_306 = tpu.memref_slice %arg12[%add3A_220, %dma_start3A_305] : memref<10240x32xf32, #tpu.memory_space<vmem_shared>> -> memref<160x32xf32, #tpu.memory_space<vmem_shared>>
        %dma_start3A_307 = arith.constant 0 : i32
        %dma_start3A_308 = tpu.memref_slice %arg12[%add3A_220, %dma_start3A_307] : memref<10240x32xf32, #tpu.memory_space<vmem_shared>> -> memref<160x32xf32, #tpu.memory_space<vmem_shared>>
        tpu.enqueue_dma source(%arg10 : memref<160x32xf32, #tpu.memory_space<vmem>>) target(%dma_start3A_308 : memref<160x32xf32, #tpu.memory_space<vmem_shared>>) target_semaphore(%run_scoped3A : memref<!tpu.dma_semaphore, #tpu.memory_space<semaphore_mem>>)
        %dma_wait3A_309 = arith.constant 0 : i32
        %dma_wait3A_310 = tpu.memref_slice %arg12[%add3A_220, %dma_wait3A_309] : memref<10240x32xf32, #tpu.memory_space<vmem_shared>> -> memref<160x32xf32, #tpu.memory_space<vmem_shared>>
        %dma_wait3A_311 = arith.constant 0 : i32
        %dma_wait3A_312 = tpu.memref_slice %arg12[%add3A_220, %dma_wait3A_311] : memref<10240x32xf32, #tpu.memory_space<vmem_shared>> -> memref<160x32xf32, #tpu.memory_space<vmem_shared>>
        tpu.wait_dma2 semaphore(%run_scoped3A : memref<!tpu.dma_semaphore, #tpu.memory_space<semaphore_mem>>) src(%arg10 : memref<160x32xf32, #tpu.memory_space<vmem>>) dst(%dma_wait3A_312 : memref<160x32xf32, #tpu.memory_space<vmem_shared>>)
        tpu.yield
      }) : () -> ()
      %add3A_229 = arith.addi %mul3A_0, %add3A_220 : i32
      "tpu.region"() ({
        %run_scoped3A = tpu.sem_alloc : memref<!tpu.dma_semaphore, #tpu.memory_space<semaphore_mem>>
        %dma_start3A_305 = arith.constant 0 : i32
        %dma_start3A_306 = tpu.memref_slice %arg2[%add3A_229, %dma_start3A_305] : memref<20480x32xf32, #tpu.memory_space<hbm>> -> memref<160x32xf32, #tpu.memory_space<hbm>>
        %dma_start3A_307 = arith.constant 0 : i32
        %dma_start3A_308 = tpu.memref_slice %arg2[%add3A_229, %dma_start3A_307] : memref<20480x32xf32, #tpu.memory_space<hbm>> -> memref<160x32xf32, #tpu.memory_space<hbm>>
        tpu.enqueue_dma source(%dma_start3A_308 : memref<160x32xf32, #tpu.memory_space<hbm>>) target(%arg10 : memref<160x32xf32, #tpu.memory_space<vmem>>) target_semaphore(%run_scoped3A : memref<!tpu.dma_semaphore, #tpu.memory_space<semaphore_mem>>)
        %dma_wait3A_309 = arith.constant 0 : i32
        %dma_wait3A_310 = tpu.memref_slice %arg2[%add3A_229, %dma_wait3A_309] : memref<20480x32xf32, #tpu.memory_space<hbm>> -> memref<160x32xf32, #tpu.memory_space<hbm>>
        %dma_wait3A_311 = arith.constant 0 : i32
        %dma_wait3A_312 = tpu.memref_slice %arg2[%add3A_229, %dma_wait3A_311] : memref<20480x32xf32, #tpu.memory_space<hbm>> -> memref<160x32xf32, #tpu.memory_space<hbm>>
        tpu.wait_dma2 semaphore(%run_scoped3A : memref<!tpu.dma_semaphore, #tpu.memory_space<semaphore_mem>>) src(%dma_wait3A_312 : memref<160x32xf32, #tpu.memory_space<hbm>>) dst(%arg10 : memref<160x32xf32, #tpu.memory_space<vmem>>)
        tpu.yield
      }) : () -> ()
      %scan3A_230 = arith.constant 0 : i32
      %scan3A_231 = arith.constant 0 : i32
      %scan3A_232 = arith.constant 160 : i32
      %scan3A_233 = arith.addi %scan3A_231, %scan3A_232 : i32
      %scan3A_234 = arith.constant 1 : i32
      scf.for %scan3A_305 = %scan3A_231 to %scan3A_233 step %scan3A_234  : i32 {
        %add3A_306 = arith.constant 0 : i32
        %add3A_307 = arith.addi %add3A_306, %scan3A_305 : i32
        %get3A = arith.index_cast %add3A_307 : i32 to index
        %get3A_308 = arith.constant 0 : index
        %get3A_309 = tpu.vector_load %arg11[%get3A, %get3A_308] {strides = array<i32>} : memref<640x16xf32, #tpu.memory_space<vmem>>, vector<1x16xf32>,
        %get3A_310 = vector.shape_cast %get3A_309 : vector<1x16xf32> to vector<16xf32>
        %get3A_311 = arith.index_cast %scan3A_305 : i32 to index
        %get3A_312 = arith.constant 0 : index
        %get3A_313 = tpu.vector_load %arg9[%get3A_311, %get3A_312] {strides = array<i32>} : memref<160x32xf32, #tpu.memory_space<vmem>>, vector<1x16xf32>,
        %get3A_314 = vector.shape_cast %get3A_313 : vector<1x16xf32> to vector<16xf32>
        %get3A_315 = arith.index_cast %scan3A_305 : i32 to index
        %get3A_316 = arith.constant 0 : index
        %get3A_317 = tpu.vector_load %arg10[%get3A_315, %get3A_316] {strides = array<i32>} : memref<160x32xf32, #tpu.memory_space<vmem>>, vector<1x16xf32>,
        %get3A_318 = vector.shape_cast %get3A_317 : vector<1x16xf32> to vector<16xf32>
        %mul3A_319 = arith.mulf %get3A_314, %get3A_310 : vector<16xf32>
        %mul3A_320 = arith.constant 1.000000e-01 : f32
        %mul3A_321 = vector.broadcast %mul3A_320 : f32 to vector<16xf32>
        %mul3A_322 = arith.mulf %get3A_318, %mul3A_321 : vector<16xf32>
        %add3A_323 = arith.addf %mul3A_319, %mul3A_322 : vector<16xf32>
        %swap3A = arith.index_cast %scan3A_305 : i32 to index
        %swap3A_324 = arith.constant 0 : index
        %swap3A_325 = tpu.vector_load %arg9[%swap3A, %swap3A_324] {strides = array<i32>} : memref<160x32xf32, #tpu.memory_space<vmem>>, vector<1x16xf32>,
        %swap3A_326 = vector.shape_cast %swap3A_325 : vector<1x16xf32> to vector<16xf32>
        %swap3A_327 = vector.shape_cast %add3A_323 : vector<16xf32> to vector<1x16xf32>
        tpu.vector_store %arg9[%swap3A, %swap3A_324], %swap3A_327 {strides = array<i32>} : memref<160x32xf32, #tpu.memory_space<vmem>>, vector<1x16xf32>,
        %get3A_328 = arith.index_cast %scan3A_305 : i32 to index
        %get3A_329 = arith.constant 16 : index
        %get3A_330 = tpu.vector_load %arg9[%get3A_328, %get3A_329] {strides = array<i32>} : memref<160x32xf32, #tpu.memory_space<vmem>>, vector<1x16xf32>,
        %get3A_331 = vector.shape_cast %get3A_330 : vector<1x16xf32> to vector<16xf32>
        %get3A_332 = arith.index_cast %scan3A_305 : i32 to index
        %get3A_333 = arith.constant 16 : index
        %get3A_334 = tpu.vector_load %arg10[%get3A_332, %get3A_333] {strides = array<i32>} : memref<160x32xf32, #tpu.memory_space<vmem>>, vector<1x16xf32>,
        %get3A_335 = vector.shape_cast %get3A_334 : vector<1x16xf32> to vector<16xf32>
        %mul3A_336 = arith.mulf %get3A_331, %get3A_310 : vector<16xf32>
        %mul3A_337 = arith.constant 1.000000e-01 : f32
        %mul3A_338 = vector.broadcast %mul3A_337 : f32 to vector<16xf32>
        %mul3A_339 = arith.mulf %get3A_335, %mul3A_338 : vector<16xf32>
        %add3A_340 = arith.addf %mul3A_336, %mul3A_339 : vector<16xf32>
        %swap3A_341 = arith.index_cast %scan3A_305 : i32 to index
        %swap3A_342 = arith.constant 16 : index
        %swap3A_343 = tpu.vector_load %arg9[%swap3A_341, %swap3A_342] {strides = array<i32>} : memref<160x32xf32, #tpu.memory_space<vmem>>, vector<1x16xf32>,
        %swap3A_344 = vector.shape_cast %swap3A_343 : vector<1x16xf32> to vector<16xf32>
        %swap3A_345 = vector.shape_cast %add3A_340 : vector<16xf32> to vector<1x16xf32>
        tpu.vector_store %arg9[%swap3A_341, %swap3A_342], %swap3A_345 {strides = array<i32>} : memref<160x32xf32, #tpu.memory_space<vmem>>, vector<1x16xf32>,
      }
      %scan3A_235 = arith.constant 160 : i32
      "tpu.region"() ({
        %run_scoped3A = tpu.sem_alloc : memref<!tpu.dma_semaphore, #tpu.memory_space<semaphore_mem>>
        %dma_start3A_305 = arith.constant 0 : i32
        %dma_start3A_306 = tpu.memref_slice %arg13[%add3A_220, %dma_start3A_305] : memref<10240x32xf32, #tpu.memory_space<vmem_shared>> -> memref<160x32xf32, #tpu.memory_space<vmem_shared>>
        %dma_start3A_307 = arith.constant 0 : i32
        %dma_start3A_308 = tpu.memref_slice %arg13[%add3A_220, %dma_start3A_307] : memref<10240x32xf32, #tpu.memory_space<vmem_shared>> -> memref<160x32xf32, #tpu.memory_space<vmem_shared>>
        tpu.enqueue_dma source(%arg9 : memref<160x32xf32, #tpu.memory_space<vmem>>) target(%dma_start3A_308 : memref<160x32xf32, #tpu.memory_space<vmem_shared>>) target_semaphore(%run_scoped3A : memref<!tpu.dma_semaphore, #tpu.memory_space<semaphore_mem>>)
        %dma_wait3A_309 = arith.constant 0 : i32
        %dma_wait3A_310 = tpu.memref_slice %arg13[%add3A_220, %dma_wait3A_309] : memref<10240x32xf32, #tpu.memory_space<vmem_shared>> -> memref<160x32xf32, #tpu.memory_space<vmem_shared>>
        %dma_wait3A_311 = arith.constant 0 : i32
        %dma_wait3A_312 = tpu.memref_slice %arg13[%add3A_220, %dma_wait3A_311] : memref<10240x32xf32, #tpu.memory_space<vmem_shared>> -> memref<160x32xf32, #tpu.memory_space<vmem_shared>>
        tpu.wait_dma2 semaphore(%run_scoped3A : memref<!tpu.dma_semaphore, #tpu.memory_space<semaphore_mem>>) src(%arg9 : memref<160x32xf32, #tpu.memory_space<vmem>>) dst(%dma_wait3A_312 : memref<160x32xf32, #tpu.memory_space<vmem_shared>>)
        tpu.yield
      }) : () -> ()
      %eq3A = arith.constant 9 : i32
      %eq3A_236 = arith.cmpi eq, %scan3A_83, %eq3A : i32
      %convert_element_type3A = arith.extui %eq3A_236 : i1 to i32
      %cond3A = arith.constant 0 : i32
      %cond3A_237 = arith.cmpi ne, %convert_element_type3A, %cond3A : i32
      scf.if %cond3A_237 {
        %add3A_305 = arith.addi %mul3A_0, %add3A_220 : i32
        "tpu.region"() ({
          %run_scoped3A = tpu.sem_alloc : memref<!tpu.dma_semaphore, #tpu.memory_space<semaphore_mem>>
          %dma_start3A_306 = arith.constant 0 : i32
          %dma_start3A_307 = tpu.memref_slice %arg5[%add3A_305, %dma_start3A_306] : memref<20480x32xf32, #tpu.memory_space<hbm>> -> memref<160x32xf32, #tpu.memory_space<hbm>>
          %dma_start3A_308 = arith.constant 0 : i32
          %dma_start3A_309 = tpu.memref_slice %arg5[%add3A_305, %dma_start3A_308] : memref<20480x32xf32, #tpu.memory_space<hbm>> -> memref<160x32xf32, #tpu.memory_space<hbm>>
          tpu.enqueue_dma source(%arg9 : memref<160x32xf32, #tpu.memory_space<vmem>>) target(%dma_start3A_309 : memref<160x32xf32, #tpu.memory_space<hbm>>) target_semaphore(%run_scoped3A : memref<!tpu.dma_semaphore, #tpu.memory_space<semaphore_mem>>)
          %dma_wait3A_310 = arith.constant 0 : i32
          %dma_wait3A_311 = tpu.memref_slice %arg5[%add3A_305, %dma_wait3A_310] : memref<20480x32xf32, #tpu.memory_space<hbm>> -> memref<160x32xf32, #tpu.memory_space<hbm>>
          %dma_wait3A_312 = arith.constant 0 : i32
          %dma_wait3A_313 = tpu.memref_slice %arg5[%add3A_305, %dma_wait3A_312] : memref<20480x32xf32, #tpu.memory_space<hbm>> -> memref<160x32xf32, #tpu.memory_space<hbm>>
          tpu.wait_dma2 semaphore(%run_scoped3A : memref<!tpu.dma_semaphore, #tpu.memory_space<semaphore_mem>>) src(%arg9 : memref<160x32xf32, #tpu.memory_space<vmem>>) dst(%dma_wait3A_313 : memref<160x32xf32, #tpu.memory_space<hbm>>)
          tpu.yield
        }) : () -> ()
      } else {
      }
      %add3A_238 = arith.constant 160 : i32
      %add3A_239 = arith.addi %mul3A_2, %add3A_238 : i32
      "tpu.region"() ({
        %run_scoped3A = tpu.sem_alloc : memref<!tpu.dma_semaphore, #tpu.memory_space<semaphore_mem>>
        %dma_start3A_305 = arith.constant 0 : i32
        %dma_start3A_306 = tpu.memref_slice %arg12[%add3A_239, %dma_start3A_305] : memref<10240x32xf32, #tpu.memory_space<vmem_shared>> -> memref<160x32xf32, #tpu.memory_space<vmem_shared>>
        %dma_start3A_307 = arith.constant 0 : i32
        %dma_start3A_308 = tpu.memref_slice %arg12[%add3A_239, %dma_start3A_307] : memref<10240x32xf32, #tpu.memory_space<vmem_shared>> -> memref<160x32xf32, #tpu.memory_space<vmem_shared>>
        tpu.enqueue_dma source(%dma_start3A_308 : memref<160x32xf32, #tpu.memory_space<vmem_shared>>) target(%arg9 : memref<160x32xf32, #tpu.memory_space<vmem>>) target_semaphore(%run_scoped3A : memref<!tpu.dma_semaphore, #tpu.memory_space<semaphore_mem>>)
        %dma_wait3A_309 = arith.constant 0 : i32
        %dma_wait3A_310 = tpu.memref_slice %arg12[%add3A_239, %dma_wait3A_309] : memref<10240x32xf32, #tpu.memory_space<vmem_shared>> -> memref<160x32xf32, #tpu.memory_space<vmem_shared>>
        %dma_wait3A_311 = arith.constant 0 : i32
        %dma_wait3A_312 = tpu.memref_slice %arg12[%add3A_239, %dma_wait3A_311] : memref<10240x32xf32, #tpu.memory_space<vmem_shared>> -> memref<160x32xf32, #tpu.memory_space<vmem_shared>>
        tpu.wait_dma2 semaphore(%run_scoped3A : memref<!tpu.dma_semaphore, #tpu.memory_space<semaphore_mem>>) src(%dma_wait3A_312 : memref<160x32xf32, #tpu.memory_space<vmem_shared>>) dst(%arg9 : memref<160x32xf32, #tpu.memory_space<vmem>>)
        tpu.yield
      }) : () -> ()
      %broadcast_in_dim3A_240 = arith.constant 0.000000e+00 : f32
      %broadcast_in_dim3A_241 = vector.broadcast %broadcast_in_dim3A_240 : f32 to vector<16xf32>
      %scan3A_242 = arith.constant 0 : i32
      %scan3A_243 = arith.constant 0 : i32
      %scan3A_244 = arith.constant 40 : i32
      %scan3A_245 = arith.addi %scan3A_243, %scan3A_244 : i32
      %scan3A_246 = arith.constant 1 : i32
      scf.for %scan3A_305 = %scan3A_243 to %scan3A_245 step %scan3A_246  : i32 {
        %mul3A_306 = arith.constant 4 : i32
        %mul3A_307 = arith.muli %scan3A_305, %mul3A_306 : i32
        %add3A_308 = arith.constant 0 : i32
        %add3A_309 = arith.addi %mul3A_307, %add3A_308 : i32
        %swap3A = arith.index_cast %add3A_309 : i32 to index
        %swap3A_310 = arith.constant 0 : index
        %swap3A_311 = tpu.vector_load %arg10[%swap3A, %swap3A_310] {strides = array<i32>} : memref<160x32xf32, #tpu.memory_space<vmem>>, vector<1x16xf32>,
        %swap3A_312 = vector.shape_cast %swap3A_311 : vector<1x16xf32> to vector<16xf32>
        %swap3A_313 = vector.shape_cast %broadcast_in_dim3A_241 : vector<16xf32> to vector<1x16xf32>
        tpu.vector_store %arg10[%swap3A, %swap3A_310], %swap3A_313 {strides = array<i32>} : memref<160x32xf32, #tpu.memory_space<vmem>>, vector<1x16xf32>,
        %mul3A_314 = arith.constant 4 : i32
        %mul3A_315 = arith.muli %scan3A_305, %mul3A_314 : i32
        %add3A_316 = arith.constant 0 : i32
        %add3A_317 = arith.addi %mul3A_315, %add3A_316 : i32
        %swap3A_318 = arith.index_cast %add3A_317 : i32 to index
        %swap3A_319 = arith.constant 16 : index
        %swap3A_320 = tpu.vector_load %arg10[%swap3A_318, %swap3A_319] {strides = array<i32>} : memref<160x32xf32, #tpu.memory_space<vmem>>, vector<1x16xf32>,
        %swap3A_321 = vector.shape_cast %swap3A_320 : vector<1x16xf32> to vector<16xf32>
        %swap3A_322 = vector.shape_cast %broadcast_in_dim3A_241 : vector<16xf32> to vector<1x16xf32>
        tpu.vector_store %arg10[%swap3A_318, %swap3A_319], %swap3A_322 {strides = array<i32>} : memref<160x32xf32, #tpu.memory_space<vmem>>, vector<1x16xf32>,
        %mul3A_323 = arith.constant 4 : i32
        %mul3A_324 = arith.muli %scan3A_305, %mul3A_323 : i32
        %add3A_325 = arith.constant 1 : i32
        %add3A_326 = arith.addi %mul3A_324, %add3A_325 : i32
        %swap3A_327 = arith.index_cast %add3A_326 : i32 to index
        %swap3A_328 = arith.constant 0 : index
        %swap3A_329 = tpu.vector_load %arg10[%swap3A_327, %swap3A_328] {strides = array<i32>} : memref<160x32xf32, #tpu.memory_space<vmem>>, vector<1x16xf32>,
        %swap3A_330 = vector.shape_cast %swap3A_329 : vector<1x16xf32> to vector<16xf32>
        %swap3A_331 = vector.shape_cast %broadcast_in_dim3A_241 : vector<16xf32> to vector<1x16xf32>
        tpu.vector_store %arg10[%swap3A_327, %swap3A_328], %swap3A_331 {strides = array<i32>} : memref<160x32xf32, #tpu.memory_space<vmem>>, vector<1x16xf32>,
        %mul3A_332 = arith.constant 4 : i32
        %mul3A_333 = arith.muli %scan3A_305, %mul3A_332 : i32
        %add3A_334 = arith.constant 1 : i32
        %add3A_335 = arith.addi %mul3A_333, %add3A_334 : i32
        %swap3A_336 = arith.index_cast %add3A_335 : i32 to index
        %swap3A_337 = arith.constant 16 : index
        %swap3A_338 = tpu.vector_load %arg10[%swap3A_336, %swap3A_337] {strides = array<i32>} : memref<160x32xf32, #tpu.memory_space<vmem>>, vector<1x16xf32>,
        %swap3A_339 = vector.shape_cast %swap3A_338 : vector<1x16xf32> to vector<16xf32>
        %swap3A_340 = vector.shape_cast %broadcast_in_dim3A_241 : vector<16xf32> to vector<1x16xf32>
        tpu.vector_store %arg10[%swap3A_336, %swap3A_337], %swap3A_340 {strides = array<i32>} : memref<160x32xf32, #tpu.memory_space<vmem>>, vector<1x16xf32>,
        %mul3A_341 = arith.constant 4 : i32
        %mul3A_342 = arith.muli %scan3A_305, %mul3A_341 : i32
        %add3A_343 = arith.constant 2 : i32
        %add3A_344 = arith.addi %mul3A_342, %add3A_343 : i32
        %swap3A_345 = arith.index_cast %add3A_344 : i32 to index
        %swap3A_346 = arith.constant 0 : index
        %swap3A_347 = tpu.vector_load %arg10[%swap3A_345, %swap3A_346] {strides = array<i32>} : memref<160x32xf32, #tpu.memory_space<vmem>>, vector<1x16xf32>,
        %swap3A_348 = vector.shape_cast %swap3A_347 : vector<1x16xf32> to vector<16xf32>
        %swap3A_349 = vector.shape_cast %broadcast_in_dim3A_241 : vector<16xf32> to vector<1x16xf32>
        tpu.vector_store %arg10[%swap3A_345, %swap3A_346], %swap3A_349 {strides = array<i32>} : memref<160x32xf32, #tpu.memory_space<vmem>>, vector<1x16xf32>,
        %mul3A_350 = arith.constant 4 : i32
        %mul3A_351 = arith.muli %scan3A_305, %mul3A_350 : i32
        %add3A_352 = arith.constant 2 : i32
        %add3A_353 = arith.addi %mul3A_351, %add3A_352 : i32
        %swap3A_354 = arith.index_cast %add3A_353 : i32 to index
        %swap3A_355 = arith.constant 16 : index
        %swap3A_356 = tpu.vector_load %arg10[%swap3A_354, %swap3A_355] {strides = array<i32>} : memref<160x32xf32, #tpu.memory_space<vmem>>, vector<1x16xf32>,
        %swap3A_357 = vector.shape_cast %swap3A_356 : vector<1x16xf32> to vector<16xf32>
        %swap3A_358 = vector.shape_cast %broadcast_in_dim3A_241 : vector<16xf32> to vector<1x16xf32>
        tpu.vector_store %arg10[%swap3A_354, %swap3A_355], %swap3A_358 {strides = array<i32>} : memref<160x32xf32, #tpu.memory_space<vmem>>, vector<1x16xf32>,
        %mul3A_359 = arith.constant 4 : i32
        %mul3A_360 = arith.muli %scan3A_305, %mul3A_359 : i32
        %add3A_361 = arith.constant 3 : i32
        %add3A_362 = arith.addi %mul3A_360, %add3A_361 : i32
        %swap3A_363 = arith.index_cast %add3A_362 : i32 to index
        %swap3A_364 = arith.constant 0 : index
        %swap3A_365 = tpu.vector_load %arg10[%swap3A_363, %swap3A_364] {strides = array<i32>} : memref<160x32xf32, #tpu.memory_space<vmem>>, vector<1x16xf32>,
        %swap3A_366 = vector.shape_cast %swap3A_365 : vector<1x16xf32> to vector<16xf32>
        %swap3A_367 = vector.shape_cast %broadcast_in_dim3A_241 : vector<16xf32> to vector<1x16xf32>
        tpu.vector_store %arg10[%swap3A_363, %swap3A_364], %swap3A_367 {strides = array<i32>} : memref<160x32xf32, #tpu.memory_space<vmem>>, vector<1x16xf32>,
        %mul3A_368 = arith.constant 4 : i32
        %mul3A_369 = arith.muli %scan3A_305, %mul3A_368 : i32
        %add3A_370 = arith.constant 3 : i32
        %add3A_371 = arith.addi %mul3A_369, %add3A_370 : i32
        %swap3A_372 = arith.index_cast %add3A_371 : i32 to index
        %swap3A_373 = arith.constant 16 : index
        %swap3A_374 = tpu.vector_load %arg10[%swap3A_372, %swap3A_373] {strides = array<i32>} : memref<160x32xf32, #tpu.memory_space<vmem>>, vector<1x16xf32>,
        %swap3A_375 = vector.shape_cast %swap3A_374 : vector<1x16xf32> to vector<16xf32>
        %swap3A_376 = vector.shape_cast %broadcast_in_dim3A_241 : vector<16xf32> to vector<1x16xf32>
        tpu.vector_store %arg10[%swap3A_372, %swap3A_373], %swap3A_376 {strides = array<i32>} : memref<160x32xf32, #tpu.memory_space<vmem>>, vector<1x16xf32>,
      }
      %scan3A_247 = arith.constant 40 : i32
      "tpu.region"() ({
        %run_scoped3A = tpu.sem_alloc : memref<!tpu.dma_semaphore, #tpu.memory_space<semaphore_mem>>
        %dma_start3A_305 = arith.constant 0 : i32
        %dma_start3A_306 = tpu.memref_slice %arg12[%add3A_239, %dma_start3A_305] : memref<10240x32xf32, #tpu.memory_space<vmem_shared>> -> memref<160x32xf32, #tpu.memory_space<vmem_shared>>
        %dma_start3A_307 = arith.constant 0 : i32
        %dma_start3A_308 = tpu.memref_slice %arg12[%add3A_239, %dma_start3A_307] : memref<10240x32xf32, #tpu.memory_space<vmem_shared>> -> memref<160x32xf32, #tpu.memory_space<vmem_shared>>
        tpu.enqueue_dma source(%arg10 : memref<160x32xf32, #tpu.memory_space<vmem>>) target(%dma_start3A_308 : memref<160x32xf32, #tpu.memory_space<vmem_shared>>) target_semaphore(%run_scoped3A : memref<!tpu.dma_semaphore, #tpu.memory_space<semaphore_mem>>)
        %dma_wait3A_309 = arith.constant 0 : i32
        %dma_wait3A_310 = tpu.memref_slice %arg12[%add3A_239, %dma_wait3A_309] : memref<10240x32xf32, #tpu.memory_space<vmem_shared>> -> memref<160x32xf32, #tpu.memory_space<vmem_shared>>
        %dma_wait3A_311 = arith.constant 0 : i32
        %dma_wait3A_312 = tpu.memref_slice %arg12[%add3A_239, %dma_wait3A_311] : memref<10240x32xf32, #tpu.memory_space<vmem_shared>> -> memref<160x32xf32, #tpu.memory_space<vmem_shared>>
        tpu.wait_dma2 semaphore(%run_scoped3A : memref<!tpu.dma_semaphore, #tpu.memory_space<semaphore_mem>>) src(%arg10 : memref<160x32xf32, #tpu.memory_space<vmem>>) dst(%dma_wait3A_312 : memref<160x32xf32, #tpu.memory_space<vmem_shared>>)
        tpu.yield
      }) : () -> ()
      %add3A_248 = arith.addi %mul3A_0, %add3A_239 : i32
      "tpu.region"() ({
        %run_scoped3A = tpu.sem_alloc : memref<!tpu.dma_semaphore, #tpu.memory_space<semaphore_mem>>
        %dma_start3A_305 = arith.constant 0 : i32
        %dma_start3A_306 = tpu.memref_slice %arg2[%add3A_248, %dma_start3A_305] : memref<20480x32xf32, #tpu.memory_space<hbm>> -> memref<160x32xf32, #tpu.memory_space<hbm>>
        %dma_start3A_307 = arith.constant 0 : i32
        %dma_start3A_308 = tpu.memref_slice %arg2[%add3A_248, %dma_start3A_307] : memref<20480x32xf32, #tpu.memory_space<hbm>> -> memref<160x32xf32, #tpu.memory_space<hbm>>
        tpu.enqueue_dma source(%dma_start3A_308 : memref<160x32xf32, #tpu.memory_space<hbm>>) target(%arg10 : memref<160x32xf32, #tpu.memory_space<vmem>>) target_semaphore(%run_scoped3A : memref<!tpu.dma_semaphore, #tpu.memory_space<semaphore_mem>>)
        %dma_wait3A_309 = arith.constant 0 : i32
        %dma_wait3A_310 = tpu.memref_slice %arg2[%add3A_248, %dma_wait3A_309] : memref<20480x32xf32, #tpu.memory_space<hbm>> -> memref<160x32xf32, #tpu.memory_space<hbm>>
        %dma_wait3A_311 = arith.constant 0 : i32
        %dma_wait3A_312 = tpu.memref_slice %arg2[%add3A_248, %dma_wait3A_311] : memref<20480x32xf32, #tpu.memory_space<hbm>> -> memref<160x32xf32, #tpu.memory_space<hbm>>
        tpu.wait_dma2 semaphore(%run_scoped3A : memref<!tpu.dma_semaphore, #tpu.memory_space<semaphore_mem>>) src(%dma_wait3A_312 : memref<160x32xf32, #tpu.memory_space<hbm>>) dst(%arg10 : memref<160x32xf32, #tpu.memory_space<vmem>>)
        tpu.yield
      }) : () -> ()
      %scan3A_249 = arith.constant 0 : i32
      %scan3A_250 = arith.constant 0 : i32
      %scan3A_251 = arith.constant 160 : i32
      %scan3A_252 = arith.addi %scan3A_250, %scan3A_251 : i32
      %scan3A_253 = arith.constant 1 : i32
      scf.for %scan3A_305 = %scan3A_250 to %scan3A_252 step %scan3A_253  : i32 {
        %add3A_306 = arith.constant 160 : i32
        %add3A_307 = arith.addi %add3A_306, %scan3A_305 : i32
        %get3A = arith.index_cast %add3A_307 : i32 to index
        %get3A_308 = arith.constant 0 : index
        %get3A_309 = tpu.vector_load %arg11[%get3A, %get3A_308] {strides = array<i32>} : memref<640x16xf32, #tpu.memory_space<vmem>>, vector<1x16xf32>,
        %get3A_310 = vector.shape_cast %get3A_309 : vector<1x16xf32> to vector<16xf32>
        %get3A_311 = arith.index_cast %scan3A_305 : i32 to index
        %get3A_312 = arith.constant 0 : index
        %get3A_313 = tpu.vector_load %arg9[%get3A_311, %get3A_312] {strides = array<i32>} : memref<160x32xf32, #tpu.memory_space<vmem>>, vector<1x16xf32>,
        %get3A_314 = vector.shape_cast %get3A_313 : vector<1x16xf32> to vector<16xf32>
        %get3A_315 = arith.index_cast %scan3A_305 : i32 to index
        %get3A_316 = arith.constant 0 : index
        %get3A_317 = tpu.vector_load %arg10[%get3A_315, %get3A_316] {strides = array<i32>} : memref<160x32xf32, #tpu.memory_space<vmem>>, vector<1x16xf32>,
        %get3A_318 = vector.shape_cast %get3A_317 : vector<1x16xf32> to vector<16xf32>
        %mul3A_319 = arith.mulf %get3A_314, %get3A_310 : vector<16xf32>
        %mul3A_320 = arith.constant 1.000000e-01 : f32
        %mul3A_321 = vector.broadcast %mul3A_320 : f32 to vector<16xf32>
        %mul3A_322 = arith.mulf %get3A_318, %mul3A_321 : vector<16xf32>
        %add3A_323 = arith.addf %mul3A_319, %mul3A_322 : vector<16xf32>
        %swap3A = arith.index_cast %scan3A_305 : i32 to index
        %swap3A_324 = arith.constant 0 : index
        %swap3A_325 = tpu.vector_load %arg9[%swap3A, %swap3A_324] {strides = array<i32>} : memref<160x32xf32, #tpu.memory_space<vmem>>, vector<1x16xf32>,
        %swap3A_326 = vector.shape_cast %swap3A_325 : vector<1x16xf32> to vector<16xf32>
        %swap3A_327 = vector.shape_cast %add3A_323 : vector<16xf32> to vector<1x16xf32>
        tpu.vector_store %arg9[%swap3A, %swap3A_324], %swap3A_327 {strides = array<i32>} : memref<160x32xf32, #tpu.memory_space<vmem>>, vector<1x16xf32>,
        %get3A_328 = arith.index_cast %scan3A_305 : i32 to index
        %get3A_329 = arith.constant 16 : index
        %get3A_330 = tpu.vector_load %arg9[%get3A_328, %get3A_329] {strides = array<i32>} : memref<160x32xf32, #tpu.memory_space<vmem>>, vector<1x16xf32>,
        %get3A_331 = vector.shape_cast %get3A_330 : vector<1x16xf32> to vector<16xf32>
        %get3A_332 = arith.index_cast %scan3A_305 : i32 to index
        %get3A_333 = arith.constant 16 : index
        %get3A_334 = tpu.vector_load %arg10[%get3A_332, %get3A_333] {strides = array<i32>} : memref<160x32xf32, #tpu.memory_space<vmem>>, vector<1x16xf32>,
        %get3A_335 = vector.shape_cast %get3A_334 : vector<1x16xf32> to vector<16xf32>
        %mul3A_336 = arith.mulf %get3A_331, %get3A_310 : vector<16xf32>
        %mul3A_337 = arith.constant 1.000000e-01 : f32
        %mul3A_338 = vector.broadcast %mul3A_337 : f32 to vector<16xf32>
        %mul3A_339 = arith.mulf %get3A_335, %mul3A_338 : vector<16xf32>
        %add3A_340 = arith.addf %mul3A_336, %mul3A_339 : vector<16xf32>
        %swap3A_341 = arith.index_cast %scan3A_305 : i32 to index
        %swap3A_342 = arith.constant 16 : index
        %swap3A_343 = tpu.vector_load %arg9[%swap3A_341, %swap3A_342] {strides = array<i32>} : memref<160x32xf32, #tpu.memory_space<vmem>>, vector<1x16xf32>,
        %swap3A_344 = vector.shape_cast %swap3A_343 : vector<1x16xf32> to vector<16xf32>
        %swap3A_345 = vector.shape_cast %add3A_340 : vector<16xf32> to vector<1x16xf32>
        tpu.vector_store %arg9[%swap3A_341, %swap3A_342], %swap3A_345 {strides = array<i32>} : memref<160x32xf32, #tpu.memory_space<vmem>>, vector<1x16xf32>,
      }
      %scan3A_254 = arith.constant 160 : i32
      "tpu.region"() ({
        %run_scoped3A = tpu.sem_alloc : memref<!tpu.dma_semaphore, #tpu.memory_space<semaphore_mem>>
        %dma_start3A_305 = arith.constant 0 : i32
        %dma_start3A_306 = tpu.memref_slice %arg13[%add3A_239, %dma_start3A_305] : memref<10240x32xf32, #tpu.memory_space<vmem_shared>> -> memref<160x32xf32, #tpu.memory_space<vmem_shared>>
        %dma_start3A_307 = arith.constant 0 : i32
        %dma_start3A_308 = tpu.memref_slice %arg13[%add3A_239, %dma_start3A_307] : memref<10240x32xf32, #tpu.memory_space<vmem_shared>> -> memref<160x32xf32, #tpu.memory_space<vmem_shared>>
        tpu.enqueue_dma source(%arg9 : memref<160x32xf32, #tpu.memory_space<vmem>>) target(%dma_start3A_308 : memref<160x32xf32, #tpu.memory_space<vmem_shared>>) target_semaphore(%run_scoped3A : memref<!tpu.dma_semaphore, #tpu.memory_space<semaphore_mem>>)
        %dma_wait3A_309 = arith.constant 0 : i32
        %dma_wait3A_310 = tpu.memref_slice %arg13[%add3A_239, %dma_wait3A_309] : memref<10240x32xf32, #tpu.memory_space<vmem_shared>> -> memref<160x32xf32, #tpu.memory_space<vmem_shared>>
        %dma_wait3A_311 = arith.constant 0 : i32
        %dma_wait3A_312 = tpu.memref_slice %arg13[%add3A_239, %dma_wait3A_311] : memref<10240x32xf32, #tpu.memory_space<vmem_shared>> -> memref<160x32xf32, #tpu.memory_space<vmem_shared>>
        tpu.wait_dma2 semaphore(%run_scoped3A : memref<!tpu.dma_semaphore, #tpu.memory_space<semaphore_mem>>) src(%arg9 : memref<160x32xf32, #tpu.memory_space<vmem>>) dst(%dma_wait3A_312 : memref<160x32xf32, #tpu.memory_space<vmem_shared>>)
        tpu.yield
      }) : () -> ()
      %eq3A_255 = arith.constant 9 : i32
      %eq3A_256 = arith.cmpi eq, %scan3A_83, %eq3A_255 : i32
      %convert_element_type3A_257 = arith.extui %eq3A_256 : i1 to i32
      %cond3A_258 = arith.constant 0 : i32
      %cond3A_259 = arith.cmpi ne, %convert_element_type3A_257, %cond3A_258 : i32
      scf.if %cond3A_259 {
        %add3A_305 = arith.addi %mul3A_0, %add3A_239 : i32
        "tpu.region"() ({
          %run_scoped3A = tpu.sem_alloc : memref<!tpu.dma_semaphore, #tpu.memory_space<semaphore_mem>>
          %dma_start3A_306 = arith.constant 0 : i32
          %dma_start3A_307 = tpu.memref_slice %arg5[%add3A_305, %dma_start3A_306] : memref<20480x32xf32, #tpu.memory_space<hbm>> -> memref<160x32xf32, #tpu.memory_space<hbm>>
          %dma_start3A_308 = arith.constant 0 : i32
          %dma_start3A_309 = tpu.memref_slice %arg5[%add3A_305, %dma_start3A_308] : memref<20480x32xf32, #tpu.memory_space<hbm>> -> memref<160x32xf32, #tpu.memory_space<hbm>>
          tpu.enqueue_dma source(%arg9 : memref<160x32xf32, #tpu.memory_space<vmem>>) target(%dma_start3A_309 : memref<160x32xf32, #tpu.memory_space<hbm>>) target_semaphore(%run_scoped3A : memref<!tpu.dma_semaphore, #tpu.memory_space<semaphore_mem>>)
          %dma_wait3A_310 = arith.constant 0 : i32
          %dma_wait3A_311 = tpu.memref_slice %arg5[%add3A_305, %dma_wait3A_310] : memref<20480x32xf32, #tpu.memory_space<hbm>> -> memref<160x32xf32, #tpu.memory_space<hbm>>
          %dma_wait3A_312 = arith.constant 0 : i32
          %dma_wait3A_313 = tpu.memref_slice %arg5[%add3A_305, %dma_wait3A_312] : memref<20480x32xf32, #tpu.memory_space<hbm>> -> memref<160x32xf32, #tpu.memory_space<hbm>>
          tpu.wait_dma2 semaphore(%run_scoped3A : memref<!tpu.dma_semaphore, #tpu.memory_space<semaphore_mem>>) src(%arg9 : memref<160x32xf32, #tpu.memory_space<vmem>>) dst(%dma_wait3A_313 : memref<160x32xf32, #tpu.memory_space<hbm>>)
          tpu.yield
        }) : () -> ()
      } else {
      }
      %add3A_260 = arith.constant 320 : i32
      %add3A_261 = arith.addi %mul3A_2, %add3A_260 : i32
      "tpu.region"() ({
        %run_scoped3A = tpu.sem_alloc : memref<!tpu.dma_semaphore, #tpu.memory_space<semaphore_mem>>
        %dma_start3A_305 = arith.constant 0 : i32
        %dma_start3A_306 = tpu.memref_slice %arg12[%add3A_261, %dma_start3A_305] : memref<10240x32xf32, #tpu.memory_space<vmem_shared>> -> memref<160x32xf32, #tpu.memory_space<vmem_shared>>
        %dma_start3A_307 = arith.constant 0 : i32
        %dma_start3A_308 = tpu.memref_slice %arg12[%add3A_261, %dma_start3A_307] : memref<10240x32xf32, #tpu.memory_space<vmem_shared>> -> memref<160x32xf32, #tpu.memory_space<vmem_shared>>
        tpu.enqueue_dma source(%dma_start3A_308 : memref<160x32xf32, #tpu.memory_space<vmem_shared>>) target(%arg9 : memref<160x32xf32, #tpu.memory_space<vmem>>) target_semaphore(%run_scoped3A : memref<!tpu.dma_semaphore, #tpu.memory_space<semaphore_mem>>)
        %dma_wait3A_309 = arith.constant 0 : i32
        %dma_wait3A_310 = tpu.memref_slice %arg12[%add3A_261, %dma_wait3A_309] : memref<10240x32xf32, #tpu.memory_space<vmem_shared>> -> memref<160x32xf32, #tpu.memory_space<vmem_shared>>
        %dma_wait3A_311 = arith.constant 0 : i32
        %dma_wait3A_312 = tpu.memref_slice %arg12[%add3A_261, %dma_wait3A_311] : memref<10240x32xf32, #tpu.memory_space<vmem_shared>> -> memref<160x32xf32, #tpu.memory_space<vmem_shared>>
        tpu.wait_dma2 semaphore(%run_scoped3A : memref<!tpu.dma_semaphore, #tpu.memory_space<semaphore_mem>>) src(%dma_wait3A_312 : memref<160x32xf32, #tpu.memory_space<vmem_shared>>) dst(%arg9 : memref<160x32xf32, #tpu.memory_space<vmem>>)
        tpu.yield
      }) : () -> ()
      %broadcast_in_dim3A_262 = arith.constant 0.000000e+00 : f32
      %broadcast_in_dim3A_263 = vector.broadcast %broadcast_in_dim3A_262 : f32 to vector<16xf32>
      %scan3A_264 = arith.constant 0 : i32
      %scan3A_265 = arith.constant 0 : i32
      %scan3A_266 = arith.constant 40 : i32
      %scan3A_267 = arith.addi %scan3A_265, %scan3A_266 : i32
      %scan3A_268 = arith.constant 1 : i32
      scf.for %scan3A_305 = %scan3A_265 to %scan3A_267 step %scan3A_268  : i32 {
        %mul3A_306 = arith.constant 4 : i32
        %mul3A_307 = arith.muli %scan3A_305, %mul3A_306 : i32
        %add3A_308 = arith.constant 0 : i32
        %add3A_309 = arith.addi %mul3A_307, %add3A_308 : i32
        %swap3A = arith.index_cast %add3A_309 : i32 to index
        %swap3A_310 = arith.constant 0 : index
        %swap3A_311 = tpu.vector_load %arg10[%swap3A, %swap3A_310] {strides = array<i32>} : memref<160x32xf32, #tpu.memory_space<vmem>>, vector<1x16xf32>,
        %swap3A_312 = vector.shape_cast %swap3A_311 : vector<1x16xf32> to vector<16xf32>
        %swap3A_313 = vector.shape_cast %broadcast_in_dim3A_263 : vector<16xf32> to vector<1x16xf32>
        tpu.vector_store %arg10[%swap3A, %swap3A_310], %swap3A_313 {strides = array<i32>} : memref<160x32xf32, #tpu.memory_space<vmem>>, vector<1x16xf32>,
        %mul3A_314 = arith.constant 4 : i32
        %mul3A_315 = arith.muli %scan3A_305, %mul3A_314 : i32
        %add3A_316 = arith.constant 0 : i32
        %add3A_317 = arith.addi %mul3A_315, %add3A_316 : i32
        %swap3A_318 = arith.index_cast %add3A_317 : i32 to index
        %swap3A_319 = arith.constant 16 : index
        %swap3A_320 = tpu.vector_load %arg10[%swap3A_318, %swap3A_319] {strides = array<i32>} : memref<160x32xf32, #tpu.memory_space<vmem>>, vector<1x16xf32>,
        %swap3A_321 = vector.shape_cast %swap3A_320 : vector<1x16xf32> to vector<16xf32>
        %swap3A_322 = vector.shape_cast %broadcast_in_dim3A_263 : vector<16xf32> to vector<1x16xf32>
        tpu.vector_store %arg10[%swap3A_318, %swap3A_319], %swap3A_322 {strides = array<i32>} : memref<160x32xf32, #tpu.memory_space<vmem>>, vector<1x16xf32>,
        %mul3A_323 = arith.constant 4 : i32
        %mul3A_324 = arith.muli %scan3A_305, %mul3A_323 : i32
        %add3A_325 = arith.constant 1 : i32
        %add3A_326 = arith.addi %mul3A_324, %add3A_325 : i32
        %swap3A_327 = arith.index_cast %add3A_326 : i32 to index
        %swap3A_328 = arith.constant 0 : index
        %swap3A_329 = tpu.vector_load %arg10[%swap3A_327, %swap3A_328] {strides = array<i32>} : memref<160x32xf32, #tpu.memory_space<vmem>>, vector<1x16xf32>,
        %swap3A_330 = vector.shape_cast %swap3A_329 : vector<1x16xf32> to vector<16xf32>
        %swap3A_331 = vector.shape_cast %broadcast_in_dim3A_263 : vector<16xf32> to vector<1x16xf32>
        tpu.vector_store %arg10[%swap3A_327, %swap3A_328], %swap3A_331 {strides = array<i32>} : memref<160x32xf32, #tpu.memory_space<vmem>>, vector<1x16xf32>,
        %mul3A_332 = arith.constant 4 : i32
        %mul3A_333 = arith.muli %scan3A_305, %mul3A_332 : i32
        %add3A_334 = arith.constant 1 : i32
        %add3A_335 = arith.addi %mul3A_333, %add3A_334 : i32
        %swap3A_336 = arith.index_cast %add3A_335 : i32 to index
        %swap3A_337 = arith.constant 16 : index
        %swap3A_338 = tpu.vector_load %arg10[%swap3A_336, %swap3A_337] {strides = array<i32>} : memref<160x32xf32, #tpu.memory_space<vmem>>, vector<1x16xf32>,
        %swap3A_339 = vector.shape_cast %swap3A_338 : vector<1x16xf32> to vector<16xf32>
        %swap3A_340 = vector.shape_cast %broadcast_in_dim3A_263 : vector<16xf32> to vector<1x16xf32>
        tpu.vector_store %arg10[%swap3A_336, %swap3A_337], %swap3A_340 {strides = array<i32>} : memref<160x32xf32, #tpu.memory_space<vmem>>, vector<1x16xf32>,
        %mul3A_341 = arith.constant 4 : i32
        %mul3A_342 = arith.muli %scan3A_305, %mul3A_341 : i32
        %add3A_343 = arith.constant 2 : i32
        %add3A_344 = arith.addi %mul3A_342, %add3A_343 : i32
        %swap3A_345 = arith.index_cast %add3A_344 : i32 to index
        %swap3A_346 = arith.constant 0 : index
        %swap3A_347 = tpu.vector_load %arg10[%swap3A_345, %swap3A_346] {strides = array<i32>} : memref<160x32xf32, #tpu.memory_space<vmem>>, vector<1x16xf32>,
        %swap3A_348 = vector.shape_cast %swap3A_347 : vector<1x16xf32> to vector<16xf32>
        %swap3A_349 = vector.shape_cast %broadcast_in_dim3A_263 : vector<16xf32> to vector<1x16xf32>
        tpu.vector_store %arg10[%swap3A_345, %swap3A_346], %swap3A_349 {strides = array<i32>} : memref<160x32xf32, #tpu.memory_space<vmem>>, vector<1x16xf32>,
        %mul3A_350 = arith.constant 4 : i32
        %mul3A_351 = arith.muli %scan3A_305, %mul3A_350 : i32
        %add3A_352 = arith.constant 2 : i32
        %add3A_353 = arith.addi %mul3A_351, %add3A_352 : i32
        %swap3A_354 = arith.index_cast %add3A_353 : i32 to index
        %swap3A_355 = arith.constant 16 : index
        %swap3A_356 = tpu.vector_load %arg10[%swap3A_354, %swap3A_355] {strides = array<i32>} : memref<160x32xf32, #tpu.memory_space<vmem>>, vector<1x16xf32>,
        %swap3A_357 = vector.shape_cast %swap3A_356 : vector<1x16xf32> to vector<16xf32>
        %swap3A_358 = vector.shape_cast %broadcast_in_dim3A_263 : vector<16xf32> to vector<1x16xf32>
        tpu.vector_store %arg10[%swap3A_354, %swap3A_355], %swap3A_358 {strides = array<i32>} : memref<160x32xf32, #tpu.memory_space<vmem>>, vector<1x16xf32>,
        %mul3A_359 = arith.constant 4 : i32
        %mul3A_360 = arith.muli %scan3A_305, %mul3A_359 : i32
        %add3A_361 = arith.constant 3 : i32
        %add3A_362 = arith.addi %mul3A_360, %add3A_361 : i32
        %swap3A_363 = arith.index_cast %add3A_362 : i32 to index
        %swap3A_364 = arith.constant 0 : index
        %swap3A_365 = tpu.vector_load %arg10[%swap3A_363, %swap3A_364] {strides = array<i32>} : memref<160x32xf32, #tpu.memory_space<vmem>>, vector<1x16xf32>,
        %swap3A_366 = vector.shape_cast %swap3A_365 : vector<1x16xf32> to vector<16xf32>
        %swap3A_367 = vector.shape_cast %broadcast_in_dim3A_263 : vector<16xf32> to vector<1x16xf32>
        tpu.vector_store %arg10[%swap3A_363, %swap3A_364], %swap3A_367 {strides = array<i32>} : memref<160x32xf32, #tpu.memory_space<vmem>>, vector<1x16xf32>,
        %mul3A_368 = arith.constant 4 : i32
        %mul3A_369 = arith.muli %scan3A_305, %mul3A_368 : i32
        %add3A_370 = arith.constant 3 : i32
        %add3A_371 = arith.addi %mul3A_369, %add3A_370 : i32
        %swap3A_372 = arith.index_cast %add3A_371 : i32 to index
        %swap3A_373 = arith.constant 16 : index
        %swap3A_374 = tpu.vector_load %arg10[%swap3A_372, %swap3A_373] {strides = array<i32>} : memref<160x32xf32, #tpu.memory_space<vmem>>, vector<1x16xf32>,
        %swap3A_375 = vector.shape_cast %swap3A_374 : vector<1x16xf32> to vector<16xf32>
        %swap3A_376 = vector.shape_cast %broadcast_in_dim3A_263 : vector<16xf32> to vector<1x16xf32>
        tpu.vector_store %arg10[%swap3A_372, %swap3A_373], %swap3A_376 {strides = array<i32>} : memref<160x32xf32, #tpu.memory_space<vmem>>, vector<1x16xf32>,
      }
      %scan3A_269 = arith.constant 40 : i32
      "tpu.region"() ({
        %run_scoped3A = tpu.sem_alloc : memref<!tpu.dma_semaphore, #tpu.memory_space<semaphore_mem>>
        %dma_start3A_305 = arith.constant 0 : i32
        %dma_start3A_306 = tpu.memref_slice %arg12[%add3A_261, %dma_start3A_305] : memref<10240x32xf32, #tpu.memory_space<vmem_shared>> -> memref<160x32xf32, #tpu.memory_space<vmem_shared>>
        %dma_start3A_307 = arith.constant 0 : i32
        %dma_start3A_308 = tpu.memref_slice %arg12[%add3A_261, %dma_start3A_307] : memref<10240x32xf32, #tpu.memory_space<vmem_shared>> -> memref<160x32xf32, #tpu.memory_space<vmem_shared>>
        tpu.enqueue_dma source(%arg10 : memref<160x32xf32, #tpu.memory_space<vmem>>) target(%dma_start3A_308 : memref<160x32xf32, #tpu.memory_space<vmem_shared>>) target_semaphore(%run_scoped3A : memref<!tpu.dma_semaphore, #tpu.memory_space<semaphore_mem>>)
        %dma_wait3A_309 = arith.constant 0 : i32
        %dma_wait3A_310 = tpu.memref_slice %arg12[%add3A_261, %dma_wait3A_309] : memref<10240x32xf32, #tpu.memory_space<vmem_shared>> -> memref<160x32xf32, #tpu.memory_space<vmem_shared>>
        %dma_wait3A_311 = arith.constant 0 : i32
        %dma_wait3A_312 = tpu.memref_slice %arg12[%add3A_261, %dma_wait3A_311] : memref<10240x32xf32, #tpu.memory_space<vmem_shared>> -> memref<160x32xf32, #tpu.memory_space<vmem_shared>>
        tpu.wait_dma2 semaphore(%run_scoped3A : memref<!tpu.dma_semaphore, #tpu.memory_space<semaphore_mem>>) src(%arg10 : memref<160x32xf32, #tpu.memory_space<vmem>>) dst(%dma_wait3A_312 : memref<160x32xf32, #tpu.memory_space<vmem_shared>>)
        tpu.yield
      }) : () -> ()
      %add3A_270 = arith.addi %mul3A_0, %add3A_261 : i32
      "tpu.region"() ({
        %run_scoped3A = tpu.sem_alloc : memref<!tpu.dma_semaphore, #tpu.memory_space<semaphore_mem>>
        %dma_start3A_305 = arith.constant 0 : i32
        %dma_start3A_306 = tpu.memref_slice %arg2[%add3A_270, %dma_start3A_305] : memref<20480x32xf32, #tpu.memory_space<hbm>> -> memref<160x32xf32, #tpu.memory_space<hbm>>
        %dma_start3A_307 = arith.constant 0 : i32
        %dma_start3A_308 = tpu.memref_slice %arg2[%add3A_270, %dma_start3A_307] : memref<20480x32xf32, #tpu.memory_space<hbm>> -> memref<160x32xf32, #tpu.memory_space<hbm>>
        tpu.enqueue_dma source(%dma_start3A_308 : memref<160x32xf32, #tpu.memory_space<hbm>>) target(%arg10 : memref<160x32xf32, #tpu.memory_space<vmem>>) target_semaphore(%run_scoped3A : memref<!tpu.dma_semaphore, #tpu.memory_space<semaphore_mem>>)
        %dma_wait3A_309 = arith.constant 0 : i32
        %dma_wait3A_310 = tpu.memref_slice %arg2[%add3A_270, %dma_wait3A_309] : memref<20480x32xf32, #tpu.memory_space<hbm>> -> memref<160x32xf32, #tpu.memory_space<hbm>>
        %dma_wait3A_311 = arith.constant 0 : i32
        %dma_wait3A_312 = tpu.memref_slice %arg2[%add3A_270, %dma_wait3A_311] : memref<20480x32xf32, #tpu.memory_space<hbm>> -> memref<160x32xf32, #tpu.memory_space<hbm>>
        tpu.wait_dma2 semaphore(%run_scoped3A : memref<!tpu.dma_semaphore, #tpu.memory_space<semaphore_mem>>) src(%dma_wait3A_312 : memref<160x32xf32, #tpu.memory_space<hbm>>) dst(%arg10 : memref<160x32xf32, #tpu.memory_space<vmem>>)
        tpu.yield
      }) : () -> ()
      %scan3A_271 = arith.constant 0 : i32
      %scan3A_272 = arith.constant 0 : i32
      %scan3A_273 = arith.constant 160 : i32
      %scan3A_274 = arith.addi %scan3A_272, %scan3A_273 : i32
      %scan3A_275 = arith.constant 1 : i32
      scf.for %scan3A_305 = %scan3A_272 to %scan3A_274 step %scan3A_275  : i32 {
        %add3A_306 = arith.constant 320 : i32
        %add3A_307 = arith.addi %add3A_306, %scan3A_305 : i32
        %get3A = arith.index_cast %add3A_307 : i32 to index
        %get3A_308 = arith.constant 0 : index
        %get3A_309 = tpu.vector_load %arg11[%get3A, %get3A_308] {strides = array<i32>} : memref<640x16xf32, #tpu.memory_space<vmem>>, vector<1x16xf32>,
        %get3A_310 = vector.shape_cast %get3A_309 : vector<1x16xf32> to vector<16xf32>
        %get3A_311 = arith.index_cast %scan3A_305 : i32 to index
        %get3A_312 = arith.constant 0 : index
        %get3A_313 = tpu.vector_load %arg9[%get3A_311, %get3A_312] {strides = array<i32>} : memref<160x32xf32, #tpu.memory_space<vmem>>, vector<1x16xf32>,
        %get3A_314 = vector.shape_cast %get3A_313 : vector<1x16xf32> to vector<16xf32>
        %get3A_315 = arith.index_cast %scan3A_305 : i32 to index
        %get3A_316 = arith.constant 0 : index
        %get3A_317 = tpu.vector_load %arg10[%get3A_315, %get3A_316] {strides = array<i32>} : memref<160x32xf32, #tpu.memory_space<vmem>>, vector<1x16xf32>,
        %get3A_318 = vector.shape_cast %get3A_317 : vector<1x16xf32> to vector<16xf32>
        %mul3A_319 = arith.mulf %get3A_314, %get3A_310 : vector<16xf32>
        %mul3A_320 = arith.constant 1.000000e-01 : f32
        %mul3A_321 = vector.broadcast %mul3A_320 : f32 to vector<16xf32>
        %mul3A_322 = arith.mulf %get3A_318, %mul3A_321 : vector<16xf32>
        %add3A_323 = arith.addf %mul3A_319, %mul3A_322 : vector<16xf32>
        %swap3A = arith.index_cast %scan3A_305 : i32 to index
        %swap3A_324 = arith.constant 0 : index
        %swap3A_325 = tpu.vector_load %arg9[%swap3A, %swap3A_324] {strides = array<i32>} : memref<160x32xf32, #tpu.memory_space<vmem>>, vector<1x16xf32>,
        %swap3A_326 = vector.shape_cast %swap3A_325 : vector<1x16xf32> to vector<16xf32>
        %swap3A_327 = vector.shape_cast %add3A_323 : vector<16xf32> to vector<1x16xf32>
        tpu.vector_store %arg9[%swap3A, %swap3A_324], %swap3A_327 {strides = array<i32>} : memref<160x32xf32, #tpu.memory_space<vmem>>, vector<1x16xf32>,
        %get3A_328 = arith.index_cast %scan3A_305 : i32 to index
        %get3A_329 = arith.constant 16 : index
        %get3A_330 = tpu.vector_load %arg9[%get3A_328, %get3A_329] {strides = array<i32>} : memref<160x32xf32, #tpu.memory_space<vmem>>, vector<1x16xf32>,
        %get3A_331 = vector.shape_cast %get3A_330 : vector<1x16xf32> to vector<16xf32>
        %get3A_332 = arith.index_cast %scan3A_305 : i32 to index
        %get3A_333 = arith.constant 16 : index
        %get3A_334 = tpu.vector_load %arg10[%get3A_332, %get3A_333] {strides = array<i32>} : memref<160x32xf32, #tpu.memory_space<vmem>>, vector<1x16xf32>,
        %get3A_335 = vector.shape_cast %get3A_334 : vector<1x16xf32> to vector<16xf32>
        %mul3A_336 = arith.mulf %get3A_331, %get3A_310 : vector<16xf32>
        %mul3A_337 = arith.constant 1.000000e-01 : f32
        %mul3A_338 = vector.broadcast %mul3A_337 : f32 to vector<16xf32>
        %mul3A_339 = arith.mulf %get3A_335, %mul3A_338 : vector<16xf32>
        %add3A_340 = arith.addf %mul3A_336, %mul3A_339 : vector<16xf32>
        %swap3A_341 = arith.index_cast %scan3A_305 : i32 to index
        %swap3A_342 = arith.constant 16 : index
        %swap3A_343 = tpu.vector_load %arg9[%swap3A_341, %swap3A_342] {strides = array<i32>} : memref<160x32xf32, #tpu.memory_space<vmem>>, vector<1x16xf32>,
        %swap3A_344 = vector.shape_cast %swap3A_343 : vector<1x16xf32> to vector<16xf32>
        %swap3A_345 = vector.shape_cast %add3A_340 : vector<16xf32> to vector<1x16xf32>
        tpu.vector_store %arg9[%swap3A_341, %swap3A_342], %swap3A_345 {strides = array<i32>} : memref<160x32xf32, #tpu.memory_space<vmem>>, vector<1x16xf32>,
      }
      %scan3A_276 = arith.constant 160 : i32
      "tpu.region"() ({
        %run_scoped3A = tpu.sem_alloc : memref<!tpu.dma_semaphore, #tpu.memory_space<semaphore_mem>>
        %dma_start3A_305 = arith.constant 0 : i32
        %dma_start3A_306 = tpu.memref_slice %arg13[%add3A_261, %dma_start3A_305] : memref<10240x32xf32, #tpu.memory_space<vmem_shared>> -> memref<160x32xf32, #tpu.memory_space<vmem_shared>>
        %dma_start3A_307 = arith.constant 0 : i32
        %dma_start3A_308 = tpu.memref_slice %arg13[%add3A_261, %dma_start3A_307] : memref<10240x32xf32, #tpu.memory_space<vmem_shared>> -> memref<160x32xf32, #tpu.memory_space<vmem_shared>>
        tpu.enqueue_dma source(%arg9 : memref<160x32xf32, #tpu.memory_space<vmem>>) target(%dma_start3A_308 : memref<160x32xf32, #tpu.memory_space<vmem_shared>>) target_semaphore(%run_scoped3A : memref<!tpu.dma_semaphore, #tpu.memory_space<semaphore_mem>>)
        %dma_wait3A_309 = arith.constant 0 : i32
        %dma_wait3A_310 = tpu.memref_slice %arg13[%add3A_261, %dma_wait3A_309] : memref<10240x32xf32, #tpu.memory_space<vmem_shared>> -> memref<160x32xf32, #tpu.memory_space<vmem_shared>>
        %dma_wait3A_311 = arith.constant 0 : i32
        %dma_wait3A_312 = tpu.memref_slice %arg13[%add3A_261, %dma_wait3A_311] : memref<10240x32xf32, #tpu.memory_space<vmem_shared>> -> memref<160x32xf32, #tpu.memory_space<vmem_shared>>
        tpu.wait_dma2 semaphore(%run_scoped3A : memref<!tpu.dma_semaphore, #tpu.memory_space<semaphore_mem>>) src(%arg9 : memref<160x32xf32, #tpu.memory_space<vmem>>) dst(%dma_wait3A_312 : memref<160x32xf32, #tpu.memory_space<vmem_shared>>)
        tpu.yield
      }) : () -> ()
      %eq3A_277 = arith.constant 9 : i32
      %eq3A_278 = arith.cmpi eq, %scan3A_83, %eq3A_277 : i32
      %convert_element_type3A_279 = arith.extui %eq3A_278 : i1 to i32
      %cond3A_280 = arith.constant 0 : i32
      %cond3A_281 = arith.cmpi ne, %convert_element_type3A_279, %cond3A_280 : i32
      scf.if %cond3A_281 {
        %add3A_305 = arith.addi %mul3A_0, %add3A_261 : i32
        "tpu.region"() ({
          %run_scoped3A = tpu.sem_alloc : memref<!tpu.dma_semaphore, #tpu.memory_space<semaphore_mem>>
          %dma_start3A_306 = arith.constant 0 : i32
          %dma_start3A_307 = tpu.memref_slice %arg5[%add3A_305, %dma_start3A_306] : memref<20480x32xf32, #tpu.memory_space<hbm>> -> memref<160x32xf32, #tpu.memory_space<hbm>>
          %dma_start3A_308 = arith.constant 0 : i32
          %dma_start3A_309 = tpu.memref_slice %arg5[%add3A_305, %dma_start3A_308] : memref<20480x32xf32, #tpu.memory_space<hbm>> -> memref<160x32xf32, #tpu.memory_space<hbm>>
          tpu.enqueue_dma source(%arg9 : memref<160x32xf32, #tpu.memory_space<vmem>>) target(%dma_start3A_309 : memref<160x32xf32, #tpu.memory_space<hbm>>) target_semaphore(%run_scoped3A : memref<!tpu.dma_semaphore, #tpu.memory_space<semaphore_mem>>)
          %dma_wait3A_310 = arith.constant 0 : i32
          %dma_wait3A_311 = tpu.memref_slice %arg5[%add3A_305, %dma_wait3A_310] : memref<20480x32xf32, #tpu.memory_space<hbm>> -> memref<160x32xf32, #tpu.memory_space<hbm>>
          %dma_wait3A_312 = arith.constant 0 : i32
          %dma_wait3A_313 = tpu.memref_slice %arg5[%add3A_305, %dma_wait3A_312] : memref<20480x32xf32, #tpu.memory_space<hbm>> -> memref<160x32xf32, #tpu.memory_space<hbm>>
          tpu.wait_dma2 semaphore(%run_scoped3A : memref<!tpu.dma_semaphore, #tpu.memory_space<semaphore_mem>>) src(%arg9 : memref<160x32xf32, #tpu.memory_space<vmem>>) dst(%dma_wait3A_313 : memref<160x32xf32, #tpu.memory_space<hbm>>)
          tpu.yield
        }) : () -> ()
      } else {
      }
      %add3A_282 = arith.constant 480 : i32
      %add3A_283 = arith.addi %mul3A_2, %add3A_282 : i32
      "tpu.region"() ({
        %run_scoped3A = tpu.sem_alloc : memref<!tpu.dma_semaphore, #tpu.memory_space<semaphore_mem>>
        %dma_start3A_305 = arith.constant 0 : i32
        %dma_start3A_306 = tpu.memref_slice %arg12[%add3A_283, %dma_start3A_305] : memref<10240x32xf32, #tpu.memory_space<vmem_shared>> -> memref<160x32xf32, #tpu.memory_space<vmem_shared>>
        %dma_start3A_307 = arith.constant 0 : i32
        %dma_start3A_308 = tpu.memref_slice %arg12[%add3A_283, %dma_start3A_307] : memref<10240x32xf32, #tpu.memory_space<vmem_shared>> -> memref<160x32xf32, #tpu.memory_space<vmem_shared>>
        tpu.enqueue_dma source(%dma_start3A_308 : memref<160x32xf32, #tpu.memory_space<vmem_shared>>) target(%arg9 : memref<160x32xf32, #tpu.memory_space<vmem>>) target_semaphore(%run_scoped3A : memref<!tpu.dma_semaphore, #tpu.memory_space<semaphore_mem>>)
        %dma_wait3A_309 = arith.constant 0 : i32
        %dma_wait3A_310 = tpu.memref_slice %arg12[%add3A_283, %dma_wait3A_309] : memref<10240x32xf32, #tpu.memory_space<vmem_shared>> -> memref<160x32xf32, #tpu.memory_space<vmem_shared>>
        %dma_wait3A_311 = arith.constant 0 : i32
        %dma_wait3A_312 = tpu.memref_slice %arg12[%add3A_283, %dma_wait3A_311] : memref<10240x32xf32, #tpu.memory_space<vmem_shared>> -> memref<160x32xf32, #tpu.memory_space<vmem_shared>>
        tpu.wait_dma2 semaphore(%run_scoped3A : memref<!tpu.dma_semaphore, #tpu.memory_space<semaphore_mem>>) src(%dma_wait3A_312 : memref<160x32xf32, #tpu.memory_space<vmem_shared>>) dst(%arg9 : memref<160x32xf32, #tpu.memory_space<vmem>>)
        tpu.yield
      }) : () -> ()
      %broadcast_in_dim3A_284 = arith.constant 0.000000e+00 : f32
      %broadcast_in_dim3A_285 = vector.broadcast %broadcast_in_dim3A_284 : f32 to vector<16xf32>
      %scan3A_286 = arith.constant 0 : i32
      %scan3A_287 = arith.constant 0 : i32
      %scan3A_288 = arith.constant 40 : i32
      %scan3A_289 = arith.addi %scan3A_287, %scan3A_288 : i32
      %scan3A_290 = arith.constant 1 : i32
      scf.for %scan3A_305 = %scan3A_287 to %scan3A_289 step %scan3A_290  : i32 {
        %mul3A_306 = arith.constant 4 : i32
        %mul3A_307 = arith.muli %scan3A_305, %mul3A_306 : i32
        %add3A_308 = arith.constant 0 : i32
        %add3A_309 = arith.addi %mul3A_307, %add3A_308 : i32
        %swap3A = arith.index_cast %add3A_309 : i32 to index
        %swap3A_310 = arith.constant 0 : index
        %swap3A_311 = tpu.vector_load %arg10[%swap3A, %swap3A_310] {strides = array<i32>} : memref<160x32xf32, #tpu.memory_space<vmem>>, vector<1x16xf32>,
        %swap3A_312 = vector.shape_cast %swap3A_311 : vector<1x16xf32> to vector<16xf32>
        %swap3A_313 = vector.shape_cast %broadcast_in_dim3A_285 : vector<16xf32> to vector<1x16xf32>
        tpu.vector_store %arg10[%swap3A, %swap3A_310], %swap3A_313 {strides = array<i32>} : memref<160x32xf32, #tpu.memory_space<vmem>>, vector<1x16xf32>,
        %mul3A_314 = arith.constant 4 : i32
        %mul3A_315 = arith.muli %scan3A_305, %mul3A_314 : i32
        %add3A_316 = arith.constant 0 : i32
        %add3A_317 = arith.addi %mul3A_315, %add3A_316 : i32
        %swap3A_318 = arith.index_cast %add3A_317 : i32 to index
        %swap3A_319 = arith.constant 16 : index
        %swap3A_320 = tpu.vector_load %arg10[%swap3A_318, %swap3A_319] {strides = array<i32>} : memref<160x32xf32, #tpu.memory_space<vmem>>, vector<1x16xf32>,
        %swap3A_321 = vector.shape_cast %swap3A_320 : vector<1x16xf32> to vector<16xf32>
        %swap3A_322 = vector.shape_cast %broadcast_in_dim3A_285 : vector<16xf32> to vector<1x16xf32>
        tpu.vector_store %arg10[%swap3A_318, %swap3A_319], %swap3A_322 {strides = array<i32>} : memref<160x32xf32, #tpu.memory_space<vmem>>, vector<1x16xf32>,
        %mul3A_323 = arith.constant 4 : i32
        %mul3A_324 = arith.muli %scan3A_305, %mul3A_323 : i32
        %add3A_325 = arith.constant 1 : i32
        %add3A_326 = arith.addi %mul3A_324, %add3A_325 : i32
        %swap3A_327 = arith.index_cast %add3A_326 : i32 to index
        %swap3A_328 = arith.constant 0 : index
        %swap3A_329 = tpu.vector_load %arg10[%swap3A_327, %swap3A_328] {strides = array<i32>} : memref<160x32xf32, #tpu.memory_space<vmem>>, vector<1x16xf32>,
        %swap3A_330 = vector.shape_cast %swap3A_329 : vector<1x16xf32> to vector<16xf32>
        %swap3A_331 = vector.shape_cast %broadcast_in_dim3A_285 : vector<16xf32> to vector<1x16xf32>
        tpu.vector_store %arg10[%swap3A_327, %swap3A_328], %swap3A_331 {strides = array<i32>} : memref<160x32xf32, #tpu.memory_space<vmem>>, vector<1x16xf32>,
        %mul3A_332 = arith.constant 4 : i32
        %mul3A_333 = arith.muli %scan3A_305, %mul3A_332 : i32
        %add3A_334 = arith.constant 1 : i32
        %add3A_335 = arith.addi %mul3A_333, %add3A_334 : i32
        %swap3A_336 = arith.index_cast %add3A_335 : i32 to index
        %swap3A_337 = arith.constant 16 : index
        %swap3A_338 = tpu.vector_load %arg10[%swap3A_336, %swap3A_337] {strides = array<i32>} : memref<160x32xf32, #tpu.memory_space<vmem>>, vector<1x16xf32>,
        %swap3A_339 = vector.shape_cast %swap3A_338 : vector<1x16xf32> to vector<16xf32>
        %swap3A_340 = vector.shape_cast %broadcast_in_dim3A_285 : vector<16xf32> to vector<1x16xf32>
        tpu.vector_store %arg10[%swap3A_336, %swap3A_337], %swap3A_340 {strides = array<i32>} : memref<160x32xf32, #tpu.memory_space<vmem>>, vector<1x16xf32>,
        %mul3A_341 = arith.constant 4 : i32
        %mul3A_342 = arith.muli %scan3A_305, %mul3A_341 : i32
        %add3A_343 = arith.constant 2 : i32
        %add3A_344 = arith.addi %mul3A_342, %add3A_343 : i32
        %swap3A_345 = arith.index_cast %add3A_344 : i32 to index
        %swap3A_346 = arith.constant 0 : index
        %swap3A_347 = tpu.vector_load %arg10[%swap3A_345, %swap3A_346] {strides = array<i32>} : memref<160x32xf32, #tpu.memory_space<vmem>>, vector<1x16xf32>,
        %swap3A_348 = vector.shape_cast %swap3A_347 : vector<1x16xf32> to vector<16xf32>
        %swap3A_349 = vector.shape_cast %broadcast_in_dim3A_285 : vector<16xf32> to vector<1x16xf32>
        tpu.vector_store %arg10[%swap3A_345, %swap3A_346], %swap3A_349 {strides = array<i32>} : memref<160x32xf32, #tpu.memory_space<vmem>>, vector<1x16xf32>,
        %mul3A_350 = arith.constant 4 : i32
        %mul3A_351 = arith.muli %scan3A_305, %mul3A_350 : i32
        %add3A_352 = arith.constant 2 : i32
        %add3A_353 = arith.addi %mul3A_351, %add3A_352 : i32
        %swap3A_354 = arith.index_cast %add3A_353 : i32 to index
        %swap3A_355 = arith.constant 16 : index
        %swap3A_356 = tpu.vector_load %arg10[%swap3A_354, %swap3A_355] {strides = array<i32>} : memref<160x32xf32, #tpu.memory_space<vmem>>, vector<1x16xf32>,
        %swap3A_357 = vector.shape_cast %swap3A_356 : vector<1x16xf32> to vector<16xf32>
        %swap3A_358 = vector.shape_cast %broadcast_in_dim3A_285 : vector<16xf32> to vector<1x16xf32>
        tpu.vector_store %arg10[%swap3A_354, %swap3A_355], %swap3A_358 {strides = array<i32>} : memref<160x32xf32, #tpu.memory_space<vmem>>, vector<1x16xf32>,
        %mul3A_359 = arith.constant 4 : i32
        %mul3A_360 = arith.muli %scan3A_305, %mul3A_359 : i32
        %add3A_361 = arith.constant 3 : i32
        %add3A_362 = arith.addi %mul3A_360, %add3A_361 : i32
        %swap3A_363 = arith.index_cast %add3A_362 : i32 to index
        %swap3A_364 = arith.constant 0 : index
        %swap3A_365 = tpu.vector_load %arg10[%swap3A_363, %swap3A_364] {strides = array<i32>} : memref<160x32xf32, #tpu.memory_space<vmem>>, vector<1x16xf32>,
        %swap3A_366 = vector.shape_cast %swap3A_365 : vector<1x16xf32> to vector<16xf32>
        %swap3A_367 = vector.shape_cast %broadcast_in_dim3A_285 : vector<16xf32> to vector<1x16xf32>
        tpu.vector_store %arg10[%swap3A_363, %swap3A_364], %swap3A_367 {strides = array<i32>} : memref<160x32xf32, #tpu.memory_space<vmem>>, vector<1x16xf32>,
        %mul3A_368 = arith.constant 4 : i32
        %mul3A_369 = arith.muli %scan3A_305, %mul3A_368 : i32
        %add3A_370 = arith.constant 3 : i32
        %add3A_371 = arith.addi %mul3A_369, %add3A_370 : i32
        %swap3A_372 = arith.index_cast %add3A_371 : i32 to index
        %swap3A_373 = arith.constant 16 : index
        %swap3A_374 = tpu.vector_load %arg10[%swap3A_372, %swap3A_373] {strides = array<i32>} : memref<160x32xf32, #tpu.memory_space<vmem>>, vector<1x16xf32>,
        %swap3A_375 = vector.shape_cast %swap3A_374 : vector<1x16xf32> to vector<16xf32>
        %swap3A_376 = vector.shape_cast %broadcast_in_dim3A_285 : vector<16xf32> to vector<1x16xf32>
        tpu.vector_store %arg10[%swap3A_372, %swap3A_373], %swap3A_376 {strides = array<i32>} : memref<160x32xf32, #tpu.memory_space<vmem>>, vector<1x16xf32>,
      }
      %scan3A_291 = arith.constant 40 : i32
      "tpu.region"() ({
        %run_scoped3A = tpu.sem_alloc : memref<!tpu.dma_semaphore, #tpu.memory_space<semaphore_mem>>
        %dma_start3A_305 = arith.constant 0 : i32
        %dma_start3A_306 = tpu.memref_slice %arg12[%add3A_283, %dma_start3A_305] : memref<10240x32xf32, #tpu.memory_space<vmem_shared>> -> memref<160x32xf32, #tpu.memory_space<vmem_shared>>
        %dma_start3A_307 = arith.constant 0 : i32
        %dma_start3A_308 = tpu.memref_slice %arg12[%add3A_283, %dma_start3A_307] : memref<10240x32xf32, #tpu.memory_space<vmem_shared>> -> memref<160x32xf32, #tpu.memory_space<vmem_shared>>
        tpu.enqueue_dma source(%arg10 : memref<160x32xf32, #tpu.memory_space<vmem>>) target(%dma_start3A_308 : memref<160x32xf32, #tpu.memory_space<vmem_shared>>) target_semaphore(%run_scoped3A : memref<!tpu.dma_semaphore, #tpu.memory_space<semaphore_mem>>)
        %dma_wait3A_309 = arith.constant 0 : i32
        %dma_wait3A_310 = tpu.memref_slice %arg12[%add3A_283, %dma_wait3A_309] : memref<10240x32xf32, #tpu.memory_space<vmem_shared>> -> memref<160x32xf32, #tpu.memory_space<vmem_shared>>
        %dma_wait3A_311 = arith.constant 0 : i32
        %dma_wait3A_312 = tpu.memref_slice %arg12[%add3A_283, %dma_wait3A_311] : memref<10240x32xf32, #tpu.memory_space<vmem_shared>> -> memref<160x32xf32, #tpu.memory_space<vmem_shared>>
        tpu.wait_dma2 semaphore(%run_scoped3A : memref<!tpu.dma_semaphore, #tpu.memory_space<semaphore_mem>>) src(%arg10 : memref<160x32xf32, #tpu.memory_space<vmem>>) dst(%dma_wait3A_312 : memref<160x32xf32, #tpu.memory_space<vmem_shared>>)
        tpu.yield
      }) : () -> ()
      %add3A_292 = arith.addi %mul3A_0, %add3A_283 : i32
      "tpu.region"() ({
        %run_scoped3A = tpu.sem_alloc : memref<!tpu.dma_semaphore, #tpu.memory_space<semaphore_mem>>
        %dma_start3A_305 = arith.constant 0 : i32
        %dma_start3A_306 = tpu.memref_slice %arg2[%add3A_292, %dma_start3A_305] : memref<20480x32xf32, #tpu.memory_space<hbm>> -> memref<160x32xf32, #tpu.memory_space<hbm>>
        %dma_start3A_307 = arith.constant 0 : i32
        %dma_start3A_308 = tpu.memref_slice %arg2[%add3A_292, %dma_start3A_307] : memref<20480x32xf32, #tpu.memory_space<hbm>> -> memref<160x32xf32, #tpu.memory_space<hbm>>
        tpu.enqueue_dma source(%dma_start3A_308 : memref<160x32xf32, #tpu.memory_space<hbm>>) target(%arg10 : memref<160x32xf32, #tpu.memory_space<vmem>>) target_semaphore(%run_scoped3A : memref<!tpu.dma_semaphore, #tpu.memory_space<semaphore_mem>>)
        %dma_wait3A_309 = arith.constant 0 : i32
        %dma_wait3A_310 = tpu.memref_slice %arg2[%add3A_292, %dma_wait3A_309] : memref<20480x32xf32, #tpu.memory_space<hbm>> -> memref<160x32xf32, #tpu.memory_space<hbm>>
        %dma_wait3A_311 = arith.constant 0 : i32
        %dma_wait3A_312 = tpu.memref_slice %arg2[%add3A_292, %dma_wait3A_311] : memref<20480x32xf32, #tpu.memory_space<hbm>> -> memref<160x32xf32, #tpu.memory_space<hbm>>
        tpu.wait_dma2 semaphore(%run_scoped3A : memref<!tpu.dma_semaphore, #tpu.memory_space<semaphore_mem>>) src(%dma_wait3A_312 : memref<160x32xf32, #tpu.memory_space<hbm>>) dst(%arg10 : memref<160x32xf32, #tpu.memory_space<vmem>>)
        tpu.yield
      }) : () -> ()
      %scan3A_293 = arith.constant 0 : i32
      %scan3A_294 = arith.constant 0 : i32
      %scan3A_295 = arith.constant 160 : i32
      %scan3A_296 = arith.addi %scan3A_294, %scan3A_295 : i32
      %scan3A_297 = arith.constant 1 : i32
      scf.for %scan3A_305 = %scan3A_294 to %scan3A_296 step %scan3A_297  : i32 {
        %add3A_306 = arith.constant 480 : i32
        %add3A_307 = arith.addi %add3A_306, %scan3A_305 : i32
        %get3A = arith.index_cast %add3A_307 : i32 to index
        %get3A_308 = arith.constant 0 : index
        %get3A_309 = tpu.vector_load %arg11[%get3A, %get3A_308] {strides = array<i32>} : memref<640x16xf32, #tpu.memory_space<vmem>>, vector<1x16xf32>,
        %get3A_310 = vector.shape_cast %get3A_309 : vector<1x16xf32> to vector<16xf32>
        %get3A_311 = arith.index_cast %scan3A_305 : i32 to index
        %get3A_312 = arith.constant 0 : index
        %get3A_313 = tpu.vector_load %arg9[%get3A_311, %get3A_312] {strides = array<i32>} : memref<160x32xf32, #tpu.memory_space<vmem>>, vector<1x16xf32>,
        %get3A_314 = vector.shape_cast %get3A_313 : vector<1x16xf32> to vector<16xf32>
        %get3A_315 = arith.index_cast %scan3A_305 : i32 to index
        %get3A_316 = arith.constant 0 : index
        %get3A_317 = tpu.vector_load %arg10[%get3A_315, %get3A_316] {strides = array<i32>} : memref<160x32xf32, #tpu.memory_space<vmem>>, vector<1x16xf32>,
        %get3A_318 = vector.shape_cast %get3A_317 : vector<1x16xf32> to vector<16xf32>
        %mul3A_319 = arith.mulf %get3A_314, %get3A_310 : vector<16xf32>
        %mul3A_320 = arith.constant 1.000000e-01 : f32
        %mul3A_321 = vector.broadcast %mul3A_320 : f32 to vector<16xf32>
        %mul3A_322 = arith.mulf %get3A_318, %mul3A_321 : vector<16xf32>
        %add3A_323 = arith.addf %mul3A_319, %mul3A_322 : vector<16xf32>
        %swap3A = arith.index_cast %scan3A_305 : i32 to index
        %swap3A_324 = arith.constant 0 : index
        %swap3A_325 = tpu.vector_load %arg9[%swap3A, %swap3A_324] {strides = array<i32>} : memref<160x32xf32, #tpu.memory_space<vmem>>, vector<1x16xf32>,
        %swap3A_326 = vector.shape_cast %swap3A_325 : vector<1x16xf32> to vector<16xf32>
        %swap3A_327 = vector.shape_cast %add3A_323 : vector<16xf32> to vector<1x16xf32>
        tpu.vector_store %arg9[%swap3A, %swap3A_324], %swap3A_327 {strides = array<i32>} : memref<160x32xf32, #tpu.memory_space<vmem>>, vector<1x16xf32>,
        %get3A_328 = arith.index_cast %scan3A_305 : i32 to index
        %get3A_329 = arith.constant 16 : index
        %get3A_330 = tpu.vector_load %arg9[%get3A_328, %get3A_329] {strides = array<i32>} : memref<160x32xf32, #tpu.memory_space<vmem>>, vector<1x16xf32>,
        %get3A_331 = vector.shape_cast %get3A_330 : vector<1x16xf32> to vector<16xf32>
        %get3A_332 = arith.index_cast %scan3A_305 : i32 to index
        %get3A_333 = arith.constant 16 : index
        %get3A_334 = tpu.vector_load %arg10[%get3A_332, %get3A_333] {strides = array<i32>} : memref<160x32xf32, #tpu.memory_space<vmem>>, vector<1x16xf32>,
        %get3A_335 = vector.shape_cast %get3A_334 : vector<1x16xf32> to vector<16xf32>
        %mul3A_336 = arith.mulf %get3A_331, %get3A_310 : vector<16xf32>
        %mul3A_337 = arith.constant 1.000000e-01 : f32
        %mul3A_338 = vector.broadcast %mul3A_337 : f32 to vector<16xf32>
        %mul3A_339 = arith.mulf %get3A_335, %mul3A_338 : vector<16xf32>
        %add3A_340 = arith.addf %mul3A_336, %mul3A_339 : vector<16xf32>
        %swap3A_341 = arith.index_cast %scan3A_305 : i32 to index
        %swap3A_342 = arith.constant 16 : index
        %swap3A_343 = tpu.vector_load %arg9[%swap3A_341, %swap3A_342] {strides = array<i32>} : memref<160x32xf32, #tpu.memory_space<vmem>>, vector<1x16xf32>,
        %swap3A_344 = vector.shape_cast %swap3A_343 : vector<1x16xf32> to vector<16xf32>
        %swap3A_345 = vector.shape_cast %add3A_340 : vector<16xf32> to vector<1x16xf32>
        tpu.vector_store %arg9[%swap3A_341, %swap3A_342], %swap3A_345 {strides = array<i32>} : memref<160x32xf32, #tpu.memory_space<vmem>>, vector<1x16xf32>,
      }
      %scan3A_298 = arith.constant 160 : i32
      "tpu.region"() ({
        %run_scoped3A = tpu.sem_alloc : memref<!tpu.dma_semaphore, #tpu.memory_space<semaphore_mem>>
        %dma_start3A_305 = arith.constant 0 : i32
        %dma_start3A_306 = tpu.memref_slice %arg13[%add3A_283, %dma_start3A_305] : memref<10240x32xf32, #tpu.memory_space<vmem_shared>> -> memref<160x32xf32, #tpu.memory_space<vmem_shared>>
        %dma_start3A_307 = arith.constant 0 : i32
        %dma_start3A_308 = tpu.memref_slice %arg13[%add3A_283, %dma_start3A_307] : memref<10240x32xf32, #tpu.memory_space<vmem_shared>> -> memref<160x32xf32, #tpu.memory_space<vmem_shared>>
        tpu.enqueue_dma source(%arg9 : memref<160x32xf32, #tpu.memory_space<vmem>>) target(%dma_start3A_308 : memref<160x32xf32, #tpu.memory_space<vmem_shared>>) target_semaphore(%run_scoped3A : memref<!tpu.dma_semaphore, #tpu.memory_space<semaphore_mem>>)
        %dma_wait3A_309 = arith.constant 0 : i32
        %dma_wait3A_310 = tpu.memref_slice %arg13[%add3A_283, %dma_wait3A_309] : memref<10240x32xf32, #tpu.memory_space<vmem_shared>> -> memref<160x32xf32, #tpu.memory_space<vmem_shared>>
        %dma_wait3A_311 = arith.constant 0 : i32
        %dma_wait3A_312 = tpu.memref_slice %arg13[%add3A_283, %dma_wait3A_311] : memref<10240x32xf32, #tpu.memory_space<vmem_shared>> -> memref<160x32xf32, #tpu.memory_space<vmem_shared>>
        tpu.wait_dma2 semaphore(%run_scoped3A : memref<!tpu.dma_semaphore, #tpu.memory_space<semaphore_mem>>) src(%arg9 : memref<160x32xf32, #tpu.memory_space<vmem>>) dst(%dma_wait3A_312 : memref<160x32xf32, #tpu.memory_space<vmem_shared>>)
        tpu.yield
      }) : () -> ()
      %eq3A_299 = arith.constant 9 : i32
      %eq3A_300 = arith.cmpi eq, %scan3A_83, %eq3A_299 : i32
      %convert_element_type3A_301 = arith.extui %eq3A_300 : i1 to i32
      %cond3A_302 = arith.constant 0 : i32
      %cond3A_303 = arith.cmpi ne, %convert_element_type3A_301, %cond3A_302 : i32
      scf.if %cond3A_303 {
        %add3A_305 = arith.addi %mul3A_0, %add3A_283 : i32
        "tpu.region"() ({
          %run_scoped3A = tpu.sem_alloc : memref<!tpu.dma_semaphore, #tpu.memory_space<semaphore_mem>>
          %dma_start3A_306 = arith.constant 0 : i32
          %dma_start3A_307 = tpu.memref_slice %arg5[%add3A_305, %dma_start3A_306] : memref<20480x32xf32, #tpu.memory_space<hbm>> -> memref<160x32xf32, #tpu.memory_space<hbm>>
          %dma_start3A_308 = arith.constant 0 : i32
          %dma_start3A_309 = tpu.memref_slice %arg5[%add3A_305, %dma_start3A_308] : memref<20480x32xf32, #tpu.memory_space<hbm>> -> memref<160x32xf32, #tpu.memory_space<hbm>>
          tpu.enqueue_dma source(%arg9 : memref<160x32xf32, #tpu.memory_space<vmem>>) target(%dma_start3A_309 : memref<160x32xf32, #tpu.memory_space<hbm>>) target_semaphore(%run_scoped3A : memref<!tpu.dma_semaphore, #tpu.memory_space<semaphore_mem>>)
          %dma_wait3A_310 = arith.constant 0 : i32
          %dma_wait3A_311 = tpu.memref_slice %arg5[%add3A_305, %dma_wait3A_310] : memref<20480x32xf32, #tpu.memory_space<hbm>> -> memref<160x32xf32, #tpu.memory_space<hbm>>
          %dma_wait3A_312 = arith.constant 0 : i32
          %dma_wait3A_313 = tpu.memref_slice %arg5[%add3A_305, %dma_wait3A_312] : memref<20480x32xf32, #tpu.memory_space<hbm>> -> memref<160x32xf32, #tpu.memory_space<hbm>>
          tpu.wait_dma2 semaphore(%run_scoped3A : memref<!tpu.dma_semaphore, #tpu.memory_space<semaphore_mem>>) src(%arg9 : memref<160x32xf32, #tpu.memory_space<vmem>>) dst(%dma_wait3A_313 : memref<160x32xf32, #tpu.memory_space<hbm>>)
          tpu.yield
        }) : () -> ()
      } else {
      }
      %barrier3A_304 = arith.constant 0 : index
      tpu.barrier barrier_id(%barrier3A_304)
    }
    %scan3A_82 = arith.constant 10 : i32
    return
  }
}

module attributes {stable_mosaic.version = 14 : i64} {
  func.func @_mlp_body(%arg0: i32, %arg1: memref<640x128xf32, #tpu.memory_space<vmem>>, %arg2: memref<128x128xf32, #tpu.memory_space<vmem>>, %arg3: memref<1x128xf32, #tpu.memory_space<vmem>>, %arg4: memref<64x128xf32, #tpu.memory_space<vmem>>, %arg5: memref<1x64xf32, #tpu.memory_space<vmem>>, %arg6: memref<640x64xf32, #tpu.memory_space<vmem>>) attributes {dimension_semantics = [#tpu.dimension_semantics<arbitrary>], iteration_bounds = array<i64: 16>, scalar_prefetch = 0 : i64, scratch_operands = 0 : i64, tpu.core_type = #tpu.core_type<tc>, window_params = [{transform_indices = @transform_0, window_bounds = array<i64: 640, 128>}, {pipeline_mode = #tpu.pipeline_mode<synchronous>, transform_indices = @transform_1, window_bounds = array<i64: 128, 128>}, {pipeline_mode = #tpu.pipeline_mode<synchronous>, transform_indices = @transform_2, window_bounds = array<i64: 1, 128>}, {pipeline_mode = #tpu.pipeline_mode<synchronous>, transform_indices = @transform_3, window_bounds = array<i64: 64, 128>}, {pipeline_mode = #tpu.pipeline_mode<synchronous>, transform_indices = @transform_4, window_bounds = array<i64: 1, 64>}, {transform_indices = @transform_5, window_bounds = array<i64: 640, 64>}]} {
    %get3A = arith.constant 0 : index
    %get3A_0 = arith.constant 0 : index
    %get3A_1 = vector.load %arg1[%get3A, %get3A_0] : memref<640x128xf32, #tpu.memory_space<vmem>>, vector<640x128xf32>
    %get3A_2 = arith.constant 0 : index
    %get3A_3 = arith.constant 0 : index
    %get3A_4 = vector.load %arg2[%get3A_2, %get3A_3] : memref<128x128xf32, #tpu.memory_space<vmem>>, vector<128x128xf32>
    %dot_general3A = arith.constant dense<0.000000e+00> : vector<640x128xf32>
    %dot_general3A_5 = tpu.matmul %get3A_1, %get3A_4, %dot_general3A {dimension_numbers = #tpu.dot_dimension_numbers<[1], [1], [0], [0], [0, 0, 1, 0], [], []>, transpose_lhs_hint = false} : vector<640x128xf32>, vector<128x128xf32>, vector<640x128xf32> -> vector<640x128xf32>
    %get3A_6 = arith.constant 0 : index
    %get3A_7 = arith.constant 0 : index
    %get3A_8 = vector.load %arg3[%get3A_6, %get3A_7] : memref<1x128xf32, #tpu.memory_space<vmem>>, vector<1x128xf32>
    %add3A = vector.broadcast %get3A_8 : vector<1x128xf32> to vector<640x128xf32>
    %add3A_9 = arith.addf %dot_general3A_5, %add3A : vector<640x128xf32>
    %max3A = arith.constant 0.000000e+00 : f32
    %max3A_10 = vector.broadcast %max3A : f32 to vector<640x128xf32>
    %max3A_11 = arith.maximumf %add3A_9, %max3A_10 : vector<640x128xf32>
    %get3A_12 = arith.constant 0 : index
    %get3A_13 = arith.constant 0 : index
    %get3A_14 = vector.load %arg4[%get3A_12, %get3A_13] : memref<64x128xf32, #tpu.memory_space<vmem>>, vector<64x128xf32>
    %dot_general3A_15 = arith.constant dense<0.000000e+00> : vector<640x64xf32>
    %dot_general3A_16 = tpu.matmul %max3A_11, %get3A_14, %dot_general3A_15 {dimension_numbers = #tpu.dot_dimension_numbers<[1], [1], [0], [0], [0, 0, 1, 0], [], []>, transpose_lhs_hint = false} : vector<640x128xf32>, vector<64x128xf32>, vector<640x64xf32> -> vector<640x64xf32>
    %get3A_17 = arith.constant 0 : index
    %get3A_18 = arith.constant 0 : index
    %get3A_19 = vector.load %arg5[%get3A_17, %get3A_18] : memref<1x64xf32, #tpu.memory_space<vmem>>, vector<1x64xf32>
    %add3A_20 = vector.broadcast %get3A_19 : vector<1x64xf32> to vector<640x64xf32>
    %add3A_21 = arith.addf %dot_general3A_16, %add3A_20 : vector<640x64xf32>
    %swap3A = arith.constant 0 : index
    %swap3A_22 = arith.constant 0 : index
    %swap3A_23 = vector.load %arg6[%swap3A, %swap3A_22] : memref<640x64xf32, #tpu.memory_space<vmem>>, vector<640x64xf32>
    tpu.vector_store %arg6[%swap3A, %swap3A_22], %add3A_21 {strides = array<i32>} : memref<640x64xf32, #tpu.memory_space<vmem>>, vector<640x64xf32>,
    return
  }
  func.func @transform_0(%arg0: i32) -> (i32, i32) {
    %c0_i32 = arith.constant 0 : i32
    %c0_i32_0 = arith.constant 0 : i32
    return %arg0, %c0_i32 : i32, i32
  }
  func.func @transform_1(%arg0: i32) -> (i32, i32) {
    %c0_i32 = arith.constant 0 : i32
    %c0_i32_0 = arith.constant 0 : i32
    %c0_i32_1 = arith.constant 0 : i32
    return %c0_i32, %c0_i32_0 : i32, i32
  }
  func.func @transform_2(%arg0: i32) -> (i32, i32) {
    %c0_i32 = arith.constant 0 : i32
    %c0_i32_0 = arith.constant 0 : i32
    %c0_i32_1 = arith.constant 0 : i32
    return %c0_i32, %c0_i32_0 : i32, i32
  }
  func.func @transform_3(%arg0: i32) -> (i32, i32) {
    %c0_i32 = arith.constant 0 : i32
    %c0_i32_0 = arith.constant 0 : i32
    %c0_i32_1 = arith.constant 0 : i32
    return %c0_i32, %c0_i32_0 : i32, i32
  }
  func.func @transform_4(%arg0: i32) -> (i32, i32) {
    %c0_i32 = arith.constant 0 : i32
    %c0_i32_0 = arith.constant 0 : i32
    %c0_i32_1 = arith.constant 0 : i32
    return %c0_i32, %c0_i32_0 : i32, i32
  }
  func.func @transform_5(%arg0: i32) -> (i32, i32) {
    %c0_i32 = arith.constant 0 : i32
    %c0_i32_0 = arith.constant 0 : i32
    return %arg0, %c0_i32 : i32, i32
  }
}

</mosaic_0001>

<sc_bundles>
// kernel: kernel.4.cloned.1.call-start
scs
__scs_entry_jumppad:
0x0: {  	(pc) =	sbr.rel $0x88, $3  }
0x1: {  	(tag) =	ssettag $0x0;
	lr =	simm.s32 $0x1  }
0x2: {  	[smem:$0x3F9B] =	sst lr;
	_ =	strace $0xD0000000  }
0x3: {  	_ = 	snop  }
0x4: {  	_ = 	snop  }
0x5: {  	_ = 	snop  }
0x6: {  	_ = 	snop  }
0x7: {  	_ = 	snop  }
__scs_overlays_trampoline_lowered:
0x8: {  	[smem:$0x3FAA] =	sst s0  }
0x9: {  	[smem:$0x3FAB] =	sst s1  }
0xa: {  	[smem:$0x3FAC] =	sst s2  }
0xb: {  	[smem:$0x3FAD] =	sst s3  }
0xc: {  	[smem:$0x3FAE] =	sst s4  }
0xd: {  	[smem:$0x3FAF] =	sst s5  }
0xe: {  	[smem:$0x3FB0] =	sst s6  }
0xf: {  	[smem:$0x3FB1] =	sst s7  }
0x10: {  	[smem:$0x3FB2] =	sst s8  }
0x11: {  	[smem:$0x3FB3] =	sst s9;
	s0 =	simm.s32 @!p0 $0x0  }
0x12: {  	s1 =	sld [smem:$0x3F99];
	s0 =	simm.s32 @p0 $0x1  }
0x13: {  	[smem:$0x3FB4] =	sst s0;
	s0 =	simm.s32 @!p1 $0x0  }
0x14: {  	s2 =	sld [smem:$0x3F98];
	s0 =	simm.s32 @p1 $0x1  }
0x15: {  	[smem:$0x3FB5] =	sst s0;
	s0 =	simm.s32 @!p2 $0x0  }
0x16: {  	s3 =	sld [smem:$0x3FDB];
	s0 =	simm.s32 @p2 $0x1  }
0x17: {  	s4 =	simm.s32 $0x1BF5;
	[smem:$0x3FB7] =	sst s0  }
0x18: {  	s0 =	sld [smem:$0x3F9A];
	_ =	swait.ge [sflag:s4], $0x0  }
0x19: {  	s7 =	sld [smem:$0x3F9B]  }
0x1a: {  	s8 =	sadd.s32 $0xFFFFE003, lr  }
0x1b: {  	s9 =	sadd.s32 $0xFFFFFEF7, lr;
	s5 =	simm.s32 $0xFFFFFFFF;
	p2 =	slt.u32 s8, $0xFFFFF086  }
0x1c: {  	p1 =	slt.u32 s9, $0xF7A;
	s5 =	simm.s32 @!p2 $0x0  }
0x1d: {  	s5 =	simm.s32 @p1 $0x1;
	p0 =	seq.s32 s7, s2  }
0x1e: {  	s7 =	smul.u32 @!p0 $0xF7A, s2;
	p2 =	seq.s32 @!p0 s5, $0x0  }
0x1f: {  	s9 =	smul.u32 $0xF7A, s1;
	s8 =	simm.s32 @!p0 $0x1BF5;
	p2 =	por !p2, p0  }
0x20: {  	[sflag:s8] =	ssyncset.s32 @!p0 $0xFFFFF086;
	s6 =	sadd.s32 @!p0 s3, s7;
	s7 =	simm.s32 @!p0 $0x108  }
0x21: {  	s3 =	sadd.s32 s3, s9;
	s6 =	sadd.s32 @!p0 $0x88, s6;
	s7 =	simm.s32 @p2 $0x1082  }
0x22: {  	[simem:s7], [sflag:s8] =	dma.local @!p0 [hbm:s6], $0xF7A  }
0x23: {  	s9 =	sor.u32 $0xD0000000, s2;
	s6 =	simm.s32 $0x108;
	_ =	swait.ge @!p0 [sflag:s8], $0x0  }
0x24: {  	s3 =	sadd.s32 $0x88, s3;
	s6 =	simm.s32 @!p1 $0x1082;
	[sflag:s4] =	ssyncset.s32 $0xFFFFF086  }
0x25: {  	[simem:s6], [sflag:s4] =	dma.local [hbm:s3], $0xF7A  }
0x26: {  	[smem:$0x3F9B] =	sst s1;
	(tag) =	ssettag s2;
	_ =	strace s9  }
0x27: {  	s1 =	sld [smem:$0x3FAB]  }
0x28: {  	s2 =	sld [smem:$0x3FAC]  }
0x29: {  	s4 =	sld [smem:$0x3FAE]  }
0x2a: {  	p0 =	seq.s32 s5, $0x0;
	s5 =	sld [smem:$0x3FAF]  }
0x2b: {  	s6 =	sld [smem:$0x3FB0]  }
0x2c: {  	s7 =	sld [smem:$0x3FB1]  }
0x2d: {  	s3 =	simm.s32 $0x108;
	s8 =	sld [smem:$0x3FB2]  }
0x2e: {  	s3 =	simm.s32 @!p0 $0x1082;
	s9 =	sld [smem:$0x3FB3]  }
0x2f: {  	lr =	sadd.s32 s0, s3;
	s0 =	sld [smem:$0x3FAA]  }
0x30: {  	s3 =	sld [smem:$0x3FAD]  }
0x31: {  	[smem:$0x3FB6] =	sst s10  }
0x32: {  	s10 =	sld [smem:$0x3FB4];
	_ =	sdelay $0x3  }
0x33: {  	p0 =	seq.s32 s10, $0x1;
	s10 =	sld [smem:$0x3FB6];
	_ =	sdelay $0x3  }
0x34: {  	[smem:$0x3FB6] =	sst s10  }
0x35: {  	s10 =	sld [smem:$0x3FB5];
	_ =	sdelay $0x3  }
0x36: {  	p1 =	seq.s32 s10, $0x1;
	s10 =	sld [smem:$0x3FB6];
	_ =	sdelay $0x3  }
0x37: {  	[smem:$0x3FB6] =	sst s10  }
0x38: {  	s10 =	sld [smem:$0x3FB7]  }
0x39: {  	_ = 	snop;
	(pc) =	sbr.ind lr, $3  }
0x3a: {  	_ = 	snop  }
0x3b: {  	_ = 	snop  }
0x3c: {  	p2 =	seq.s32 s10, $0x1;
	s10 =	sld [smem:$0x3FB6]  }
0x3d: {  	_ =	shalt  }
0x3e: {  	_ =	shalt  }
0x3f: {  	_ =	shalt  }
0x40: {  	_ =	shalt  }
0x41: {  	_ =	shalt  }
0x42: {  	_ =	shalt  }
0x43: {  	_ =	shalt  }
0x44: {  	_ =	shalt  }
0x45: {  	_ =	shalt  }
0x46: {  	_ =	shalt  }
0x47: {  	_ =	shalt  }
0x48: {  	_ =	shalt  }
0x49: {  	_ =	shalt  }
0x4a: {  	_ =	shalt  }
0x4b: {  	_ =	shalt  }
0x4c: {  	_ =	shalt  }
0x4d: {  	_ =	shalt  }
0x4e: {  	_ =	shalt  }
0x4f: {  	_ =	shalt  }
0x50: {  	_ =	shalt  }
0x51: {  	_ =	shalt  }
0x52: {  	_ =	shalt  }
0x53: {  	_ =	shalt  }
0x54: {  	_ =	shalt  }
0x55: {  	_ =	shalt  }
0x56: {  	_ =	shalt  }
0x57: {  	_ =	shalt  }
0x58: {  	_ =	shalt  }
0x59: {  	_ =	shalt  }
0x5a: {  	_ =	shalt  }
0x5b: {  	_ =	shalt  }
0x5c: {  	_ =	shalt  }
0x5d: {  	_ =	shalt  }
0x5e: {  	_ =	shalt  }
0x5f: {  	_ =	shalt  }
0x60: {  	_ =	shalt  }
0x61: {  	_ =	shalt  }
0x62: {  	_ =	shalt  }
0x63: {  	_ =	shalt  }
0x64: {  	_ =	shalt  }
0x65: {  	_ =	shalt  }
0x66: {  	_ =	shalt  }
0x67: {  	_ =	shalt  }
0x68: {  	_ =	shalt  }
0x69: {  	_ =	shalt  }
0x6a: {  	_ =	shalt  }
0x6b: {  	_ =	shalt  }
0x6c: {  	_ =	shalt  }
0x6d: {  	_ =	shalt  }
0x6e: {  	_ =	shalt  }
0x6f: {  	_ =	shalt  }
0x70: {  	_ =	shalt  }
0x71: {  	_ =	shalt  }
0x72: {  	_ =	shalt  }
0x73: {  	_ =	shalt  }
0x74: {  	_ =	shalt  }
0x75: {  	_ =	shalt  }
0x76: {  	_ =	shalt  }
0x77: {  	_ =	shalt  }
0x78: {  	_ =	shalt  }
0x79: {  	_ =	shalt  }
0x7a: {  	_ =	shalt  }
0x7b: {  	_ =	shalt  }
0x7c: {  	_ =	shalt  }
0x7d: {  	_ =	shalt  }
0x7e: {  	_ =	shalt  }
0x7f: {  	_ =	shalt  }
0x80: {  	_ =	shalt  }
0x81: {  	_ =	shalt  }
0x82: {  	_ =	shalt  }
0x83: {  	_ =	shalt  }
0x84: {  	_ =	shalt  }
0x85: {  	_ =	shalt  }
0x86: {  	_ =	shalt  }
0x87: {  	_ =	shalt  }
.Lfunc_end0:
.L_simem_size_0:
called_computation_lowered:
.L_overlay_start_0:
0x88: {  	s2 =	sld [smem:$0x3FD9]  }
0x89: {  	s3 =	sld [smem:$0x3FFE];
	_ =	sdelay $0x1  }
0x8a: {  	s1 =	srdreg.scid  }
0x8b: {  	s0 =	sand.u32 $0x1, s1  }
0x8c: {  	s17 =	sshll.u32 s0, $0xA;
	s2 =	sadd.s32 s3, s2  }
0x8d: {  	s2 =	sadd.s32 s2, s17  }
0x8e: {  	[smem:$0x3FC2] =	sst s2  }
0x8f: {  	_ = 	snop  }
0x90: {  	s2 =	sld [smem:$0x3FD0];
	(tm) =	ssettm $0x1  }
0x91: {  	s18 =	sld [smem:$0x3FFB];
	_ =	sdelay $0x3  }
0x92: {  	_ =	strace s18  }
0x93: {  	s3 =	sld [smem:$0x3FFC];
	_ =	sdelay $0x3  }
0x94: {  	_ =	strace s3  }
0x95: {  	s3 =	sld [smem:$0x3FFD];
	_ =	sdelay $0x3  }
0x96: {  	_ =	strace s3  }
0x97: {  	_ =	strace $0x8FFFFFFF  }
0x98: {  	s19 =	sld [smem:$0x3FDB];
	_ =	sdelay $0x1  }
0x99: {  	s4 =	simm.s32 $_scs_section_size  }
0x9a: {  	s5 =	simm.s32 $_size__tile_overlayer_lowered;
	s6 =	simm.s32 $_tile_overlayer_lowered  }
0x9b: {  	s22 =	simm.s32 $0x1BFF;
	s21 =	sshll.u32 s6, $0x1;
	s3 =	sadd.s32 s4, s19  }
0x9c: {  	s7 =	simm.s32 $0x0;
	s20 =	sshll.u32 s5, $0x1;
	s5 =	sadd.s32 s21, s3  }
0x9d: {  	[timem:s7], [sflag:s22] =	dma.local [hbm:s5], s20  }
0x9e: {  	_ =	swait.ge [sflag:s22], s20  }
0x9f: {  	s4 =	ssub.s32 $0x0, s20;
	[sflag:s22] =	ssyncset.done $0x0  }
0xa0: {  	[sflag:s22] =	ssyncadd.s32 s4;
	_ =	sdelay $0x1  }
0xa1: {  	s23 =	simm.s32 $0x1B8B  }
0xa2: {  	_ =	swait.ge [sflag:s23], $0x1  }
0xa3: {  	[sflag:s23] =	ssyncset.done $0x0  }
0xa4: {  	s25 =	simm.s32 $0x1B8E;
	s24 =	sld [smem:$0x3FFE];
	[sflag:s23] =	ssyncadd.s32 $0xFFFFFFFF  }
0xa5: {  	s26 =	simm.s32 $execute0_lowered;
	[smem:$0x3FD2] =	sst s25  }
0xa6: {  	s5 =	sshll.u32 s26, $0x1;
	_ =	strace $0x80000046;
	[dreg:$0x1] =	wrdreg $0xFFFFFFFF  }
0xa7: {  	s28 =	simm.s32 $_size_execute0_lowered;
	s3 =	sadd.s32 s3, s5;
	[dreg:$0x0] =	wrdreg $0x0  }
0xa8: {  	s5 =	sshll.u32 s28, $0x1;
	[dreg:$0x2] =	wrdreg s3  }
0xa9: {  	[dreg:$0x3] =	wrdreg s5  }
0xaa: {  	[dreg:$0x4] =	wrdreg $0xC0  }
0xab: {  	_ =	task [dreg:s7], $0x5FFFF  }
0xac: {  	[dreg:$0x1] =	wrdreg $0xFFFFFFFF  }
0xad: {  	[dreg:$0x0] =	wrdreg $0x60  }
0xae: {  	[dreg:$0x2] =	wrdreg s24  }
0xaf: {  	[dreg:$0x3] =	wrdreg s2  }
0xb0: {  	[dreg:$0x4] =	wrdreg $0x192800  }
0xb1: {  	[dreg:$0x5] =	wrdreg $0x142800  }
0xb2: {  	[dreg:$0x6] =	wrdreg $0x9  }
0xb3: {  	_ =	task.clear_ibuf [dreg:s7], $0x7FFFF;
	_ =	strace $0x90000046  }
0xb4: {  	s29 =	simm.s32 $0x9;
	_ =	strace $0x80000048  }
0xb5: {  	_ =	swait.ge [sflag:s29], $0x1  }
0xb6: {  	[sflag:s29] =	ssyncadd.s32 $0xFFFFFFFF  }
0xb7: {  	_ =	strace $0x90000048  }
0xb8: {  	_ =	sfence  }
0xb9: {  	s30 =	sld [smem:$0x0];
	_ =	sdelay $0x2  }
0xba: {  	s31 =	sshll.u32 s1, $0xD;
	s1 =	sshrl.u32 s1, $0x2  }
0xbb: {  	s3 =	sand.u32 $0x4000, s31;
	s1 =	sadd.s32 s1, s30  }
0xbc: {  	s0 =	sor.u32 s3, s0;
	s1 =	sshll.u32 s1, $0x11  }
0xbd: {  	s0 =	sor.u32 s1, s0  }
0xbe: {  	s0 =	sadd.s32 $0x8F2B, s0  }
0xbf: {  	[sflag:s0] =	ssyncadd.remote.s32 $0x1  }
0xc0: {  	_ =	sfence.sel $0xFFFF  }
0xc1: {  	[dreg:$0x0] =	wrdreg $0xFFFFFFFF;
	(pc) =	sbr.abs _section_cstart, $3  }
0xc2: {  	[dreg:$0x1] =	wrdreg $0xFFFFFFFF  }
0xc3: {  	_ =	task.clear_ibuf [dreg:s7], $0x2FFFF;
	_ =	strace $0x9FFFFFFF  }
0xc4: {  	(tm) =	ssettm $0x7FFFFFFF  }
0xc5: {  	_ =	shalt  }
tec
execute0_lowered:
.L_overlay_start_1:
0x0: {  	(tag) =	ssettag $0x1  }
0x1: {  	s0 =	rddreg [dreg:$0x0]  }
0x2: {  	s1 =	rddreg [dreg:$0x1]  }
0x3: {  	s2 =	rddreg [dreg:$0x2]  }
0x4: {  	s3 =	rddreg [dreg:$0x3];
	s11 =	stileid.u32  }
0x5: {  	s14 =	simm.s32 $0x0;
	s4 =	srdreg.scid;
	s5 =	smul.u32 $0xA00, s11  }
0x6: {  	s28 =	simm.s32 $0x10680;
	s29 =	simm.s32 $0x80;
	s8 =	smul.u32 $0x280, s11  }
0x7: {  	s30 =	simm.s32 $0xA280;
	s31 =	simm.s32 $0xB280;
	s10 =	smul.u32 $0xA50, s11  }
0x8: {  	[smem:$0x7FF] =	sst s14;
	s4 =	sand.u32 $0x1, s4;
	s15 =	smul.u32 $0x5000, s11  }
0x9: {  	s7 =	sadd.s32 $0xC00, s0;
	s6 =	smul.u32 $0x2800, s4;
	s4 =	ssub.s32 $0x2, s4  }
0xa: {  	_ =	strace $0x80000047;
	s5 =	sadd.s32 s5, s0;
	s9 =	sshrl.u32 s4, $0x1  }
0xb: {  	s0 =	sadd.s32 $0x1EC00, s0;
	s1 =	sadd.s32 s1, s10;
	s17 =	sadd.s32 $0xA0, s8  }
0xc: {  	s18 =	sadd.s32 s15, s2;
	s20 =	sadd.s32 $0x140, s8;
	s4 =	ssub.s32 s4, s9  }
0xd: {  	s25 =	sadd.s32 s8, s6;
	[dreg:$0x5] =	wrdreg s1;
	s5 =	sadd.s32 $0x14C00, s5  }
0xe: {  	[dreg:$0x8] =	wrdreg s18;
	s9 =	sadd.s32 s15, s3;
	s19 =	sadd.s32 s6, s17  }
0xf: {  	s13 =	sadd.s32 s6, s20;
	s8 =	sadd.s32 $0x1E0, s8;
	s11 =	sshll.u32 s20, $0x5  }
0x10: {  	s20 =	simm.s32 $0x8;
	s26 =	sshll.u32 s25, $0x2;
	[dreg:$0x6] =	wrdreg s5  }
0x11: {  	s10 =	sshll.u32 s19, $0x2;
	s5 =	sshll.u32 s17, $0x5;
	s22 =	sshll.u32 s13, $0x2  }
0x12: {  	s6 =	sadd.s32 s6, s8;
	s23 =	sadd.s32 s11, s2;
	s8 =	sshll.u32 s8, $0x5  }
0x13: {  	s15 =	sadd.s32 s11, s3;
	s19 =	simm.s32 $0x4;
	s11 =	simm.s32 $0x0  }
0x14: {  	s16 =	sadd.s32 s7, s26;
	s12 =	sadd.s32 s7, s10;
	s21 =	sadd.s32 s5, s2  }
0x15: {  	s13 =	sadd.s32 s7, s22;
	[dreg:$0xc] =	wrdreg s23;
	s6 =	sshll.u32 s6, $0x2  }
0x16: {  	s17 =	sadd.s32 s8, s2;
	s18 =	sadd.s32 s8, s3;
	[dreg:$0x7] =	wrdreg s16  }
0x17: {  	s1 =	sadd.s32 s0, s26;
	s24 =	sadd.s32 s0, s10;
	[dreg:$0x9] =	wrdreg s12  }
0x18: {  	s25 =	sadd.s32 s0, s22;
	s26 =	smax.u32 s4, $0x1;
	[dreg:$0xa] =	wrdreg s21  }
0x19: {  	s22 =	simm.s32 $0xE280;
	s23 =	simm.s32 $0x1;
	[dreg:$0xb] =	wrdreg s13  }
0x1a: {  	s4 =	simm.s32 $0x2;
	s8 =	simm.s32 $0xA;
	[dreg:$0xe] =	wrdreg s1  }
0x1b: {  	s12 =	sadd.s32 s5, s3;
	s7 =	sadd.s32 s7, s6;
	[dreg:$0xf] =	wrdreg s24  }
.Ltmp0:
0x1c: {  	[dreg:$0x10] =	wrdreg s25;
	s0 =	sadd.s32 s0, s6;
	(pc) =	sbr.rel .LBB2_1-.Ltmp0, $4  }
0x1d: {  	[dreg:$0x12] =	wrdreg s26;
	s24 =	simm.s32 $0xB;
	s26 =	simm.s32 $0xF280  }
0x1e: {  	s1 =	simm.s32 $0xC280;
	s5 =	simm.s32 $0xD280;
	s25 =	simm.s32 $0x3  }
0x1f: {  	s6 =	simm.s32 $0x7;
	s21 =	simm.s32 $0x5;
	[dreg:$0xd] =	wrdreg s7  }
0x20: {  	v0 =	vimm.f32 $0.0e+00;
	v1 =	vimm.f32 $1.000000000e+00;
	[dreg:$0x11] =	wrdreg s0;
	s0 =	simm.s32 $0x6;
	s7 =	simm.s32 $0x9  }
.LBB2_38:
0x21: {  	s14 =	simm.s32 $0x0;
	s10 =	rddreg [dreg:$0x11]  }
0x22: {  	[hbm4b:s10+s14] =	stream.linear.scatter [tilespmem:s26], [sflag:$0xB], $0x1400, $0x38;
	[tilespmem:$0x1E280] =	vst v63  }
0x23: {  	_ =	swait.ge [sflag:s24], $0x1400  }
0x24: {  	s11 =	rddreg [dreg:$0x13]  }
0x25: {  	s16 =	rddreg [dreg:$0x12];
	s11 =	sadd.s32 $0x1, s11  }
0x26: {  	p0 =	sne.s32 s11, s16  }
.Ltmp1:
0x27: {  	_ = 	snop;
	(pc) =	sbr.rel @!p0 .LBB2_39-.Ltmp1, $3  }
0x28: {  	[sflag:s24] =	ssyncset.done $0x0  }
0x29: {  	[sflag:s24] =	ssyncadd.s32 $0xFFFFEC00  }
0x2a: {  	[bflag:$0x0] =	sbarrier.arrive $0xFFFF;
	_ =	sdelay $0x1  }
.LBB2_1:
0x2b: {  	[dreg:$0x13] =	wrdreg s11  }
0x2c: {  	s10 =	rddreg [dreg:$0x5]  }
0x2d: {  	[tilespmem:s14], [sflag:$0xB] =	stream.linear.gather [hbm4b:s10+s14], $0x5280, $0x38;
	[tilespmem:$0x1E280] =	vst v63  }
0x2e: {  	_ =	swait.ge [sflag:s24], $0x5280  }
0x2f: {  	[sflag:s24] =	ssyncset.done $0x0  }
0x30: {  	s16 =	simm.s32 $0x5280;
	s13 =	rddreg [dreg:$0x6];
	[sflag:s24] =	ssyncadd.s32 $0xFFFFAD80  }
0x31: {  	[tilespmem:s16], [sflag:$0xB] =	stream.linear.gather [hbm4b:s13+s14], $0x5000, $0x38;
	[tilespmem:$0x1E280] =	vst v63  }
0x32: {  	_ =	swait.ge [sflag:s24], $0x5000  }
0x33: {  	[sflag:s24] =	ssyncset.done $0x0  }
0x34: {  	s11 =	simm.s32 $0x200;
	s10 =	simm.s32 $0x0;
	[sflag:s24] =	ssyncadd.s32 $0xFFFFB000  }
.LBB2_2:
0x35: {  	p0 =	sne.s32 s11, $0x4E00;
	[tilespmem:s10+$0x106F0] =	vst v0  }
0x36: {  	[tilespmem:s10+$0x10680] =	vst v0  }
0x37: {  	[tilespmem:s10+$0x10690] =	vst v0  }
.Ltmp2:
0x38: {  	[tilespmem:s10+$0x106A0] =	vst v0;
	(pc) =	sbr.rel @p0 .LBB2_2-.Ltmp2, $4  }
0x39: {  	[tilespmem:s10+$0x106B0] =	vst v0  }
0x3a: {  	[tilespmem:s10+$0x106C0] =	vst v0  }
0x3b: {  	[tilespmem:s10+$0x106D0] =	vst v0  }
0x3c: {  	[tilespmem:s10+$0x106E0] =	vst v0;
	s10 =	sshra.s32 s11, $0x2;
	s11 =	sadd.s32 $0x200, s11  }
0x3d: {  	[tilespmem:s10+$0x106F0] =	vst v0  }
0x3e: {  	[tilespmem:s10+$0x10680] =	vst v0  }
0x3f: {  	[tilespmem:s10+$0x10690] =	vst v0  }
0x40: {  	[tilespmem:s10+$0x106A0] =	vst v0  }
0x41: {  	[tilespmem:s10+$0x106B0] =	vst v0  }
0x42: {  	[tilespmem:s10+$0x106C0] =	vst v0  }
0x43: {  	[tilespmem:s10+$0x106D0] =	vst v0  }
0x44: {  	[tilespmem:s10+$0x106E0] =	vst v0;
	s10 =	simm.s32 $0x0;
	s11 =	rddreg [dreg:$0x7]  }
0x45: {  	[tilespmem:s26], [sflag:$0xB] =	stream.linear.gather [hbm4b:s11+s10], $0x1400, $0x38;
	[tilespmem:$0x1E280] =	vst v63  }
0x46: {  	_ =	swait.ge [sflag:s24], $0x1400  }
0x47: {  	[sflag:s24] =	ssyncset.done $0x0  }
0x48: {  	s13 =	rddreg [dreg:$0x8];
	[sflag:s24] =	ssyncadd.s32 $0xFFFFEC00  }
0x49: {  	[spmem:s13] =	stream.linear.scatter [tilespmem:s26], [sflag:$0xB], $0x1400, $0x38;
	[tilespmem:$0x1E280] =	vst v63  }
0x4a: {  	_ =	swait.ge [sflag:s24], $0x1400  }
0x4b: {  	[sflag:s24] =	ssyncset.done $0x0  }
0x4c: {  	[sflag:s24] =	ssyncadd.s32 $0xFFFFEC00  }
0x4d: {  	[spmem:s9] =	stream.linear.scatter [tilespmem:s28], [sflag:$0xB], $0x1400, $0x38;
	[tilespmem:$0x1E280] =	vst v63  }
0x4e: {  	_ =	swait.ge [sflag:s24], $0x1400  }
0x4f: {  	[sflag:s24] =	ssyncset.done $0x0  }
0x50: {  	s14 =	rddreg [dreg:$0x9];
	[sflag:s24] =	ssyncadd.s32 $0xFFFFEC00  }
0x51: {  	[tilespmem:s26], [sflag:$0xB] =	stream.linear.gather [hbm4b:s14+s10], $0x1400, $0x38;
	[tilespmem:$0x1E280] =	vst v63  }
0x52: {  	_ =	swait.ge [sflag:s24], $0x1400  }
0x53: {  	[sflag:s24] =	ssyncset.done $0x0  }
0x54: {  	s16 =	rddreg [dreg:$0xa];
	[sflag:s24] =	ssyncadd.s32 $0xFFFFEC00  }
0x55: {  	[spmem:s16] =	stream.linear.scatter [tilespmem:s26], [sflag:$0xB], $0x1400, $0x38;
	[tilespmem:$0x1E280] =	vst v63  }
0x56: {  	_ =	swait.ge [sflag:s24], $0x1400  }
0x57: {  	[sflag:s24] =	ssyncset.done $0x0  }
0x58: {  	[sflag:s24] =	ssyncadd.s32 $0xFFFFEC00  }
0x59: {  	[spmem:s12] =	stream.linear.scatter [tilespmem:s28], [sflag:$0xB], $0x1400, $0x38;
	[tilespmem:$0x1E280] =	vst v63  }
0x5a: {  	_ =	swait.ge [sflag:s24], $0x1400  }
0x5b: {  	[sflag:s24] =	ssyncset.done $0x0  }
0x5c: {  	s13 =	rddreg [dreg:$0xb];
	[sflag:s24] =	ssyncadd.s32 $0xFFFFEC00  }
0x5d: {  	[tilespmem:s26], [sflag:$0xB] =	stream.linear.gather [hbm4b:s13+s10], $0x1400, $0x38;
	[tilespmem:$0x1E280] =	vst v63  }
0x5e: {  	_ =	swait.ge [sflag:s24], $0x1400  }
0x5f: {  	[sflag:s24] =	ssyncset.done $0x0  }
0x60: {  	s14 =	rddreg [dreg:$0xc];
	[sflag:s24] =	ssyncadd.s32 $0xFFFFEC00  }
0x61: {  	[spmem:s14] =	stream.linear.scatter [tilespmem:s26], [sflag:$0xB], $0x1400, $0x38;
	[tilespmem:$0x1E280] =	vst v63  }
0x62: {  	_ =	swait.ge [sflag:s24], $0x1400  }
0x63: {  	[sflag:s24] =	ssyncset.done $0x0  }
0x64: {  	[sflag:s24] =	ssyncadd.s32 $0xFFFFEC00  }
0x65: {  	[spmem:s15] =	stream.linear.scatter [tilespmem:s28], [sflag:$0xB], $0x1400, $0x38;
	[tilespmem:$0x1E280] =	vst v63  }
0x66: {  	_ =	swait.ge [sflag:s24], $0x1400  }
0x67: {  	[sflag:s24] =	ssyncset.done $0x0  }
0x68: {  	s16 =	rddreg [dreg:$0xd];
	[sflag:s24] =	ssyncadd.s32 $0xFFFFEC00  }
0x69: {  	[tilespmem:s26], [sflag:$0xB] =	stream.linear.gather [hbm4b:s16+s10], $0x1400, $0x38;
	[tilespmem:$0x1E280] =	vst v63  }
0x6a: {  	_ =	swait.ge [sflag:s24], $0x1400  }
0x6b: {  	[sflag:s24] =	ssyncset.done $0x0  }
0x6c: {  	[sflag:s24] =	ssyncadd.s32 $0xFFFFEC00  }
0x6d: {  	[spmem:s17] =	stream.linear.scatter [tilespmem:s26], [sflag:$0xB], $0x1400, $0x38;
	[tilespmem:$0x1E280] =	vst v63  }
0x6e: {  	_ =	swait.ge [sflag:s24], $0x1400  }
0x6f: {  	[sflag:s24] =	ssyncset.done $0x0  }
0x70: {  	[sflag:s24] =	ssyncadd.s32 $0xFFFFEC00  }
0x71: {  	[spmem:s18] =	stream.linear.scatter [tilespmem:s28], [sflag:$0xB], $0x1400, $0x38;
	[tilespmem:$0x1E280] =	vst v63  }
0x72: {  	_ =	swait.ge [sflag:s24], $0x1400  }
0x73: {  	[sflag:s24] =	ssyncset.done $0x0  }
0x74: {  	[sflag:s24] =	ssyncadd.s32 $0xFFFFEC00  }
0x75: {  	s11 =	simm.s32 $0x200;
	s10 =	simm.s32 $0x0;
	[bflag:$0x0] =	sbarrier.arrive $0xFFFF  }
.LBB2_4:
0x76: {  	p0 =	sne.s32 s11, $0x3E00;
	[tilespmem:s10+$0xA2F0] =	vst v1  }
0x77: {  	[tilespmem:s10+$0xA280] =	vst v1  }
0x78: {  	[tilespmem:s10+$0xA290] =	vst v1  }
.Ltmp3:
0x79: {  	[tilespmem:s10+$0xA2A0] =	vst v1;
	(pc) =	sbr.rel @p0 .LBB2_4-.Ltmp3, $4  }
0x7a: {  	[tilespmem:s10+$0xA2B0] =	vst v1  }
0x7b: {  	[tilespmem:s10+$0xA2C0] =	vst v1  }
0x7c: {  	[tilespmem:s10+$0xA2D0] =	vst v1  }
0x7d: {  	[tilespmem:s10+$0xA2E0] =	vst v1;
	s10 =	sshra.s32 s11, $0x2;
	s11 =	sadd.s32 $0x200, s11  }
0x7e: {  	[tilespmem:s10+$0xA2F0] =	vst v1  }
0x7f: {  	[tilespmem:s10+$0xA280] =	vst v1  }
0x80: {  	[tilespmem:s10+$0xA290] =	vst v1  }
0x81: {  	[tilespmem:s10+$0xA2A0] =	vst v1  }
0x82: {  	[tilespmem:s10+$0xA2B0] =	vst v1  }
0x83: {  	[tilespmem:s10+$0xA2C0] =	vst v1  }
0x84: {  	[tilespmem:s10+$0xA2D0] =	vst v1  }
0x85: {  	[tilespmem:s10+$0xA2E0] =	vst v1;
	s16 =	simm.s32 $0x5280  }
0x86: {  	[spmem:s3] =	stream.indirect.scatter.add.f32 [tilespmem:s30], [sflag:$0xB], $0x20, s16, s29, $0xb8;
	[tilespmem:$0x1E280] =	vst v63  }
0x87: {  	s10 =	simm.s32 $0x200;
	_ =	swait.ge [sflag:s24], $0x1000  }
.LBB2_6:
0x88: {  	s11 =	sshra.s32 s10, $0x2;
	[sflag:s24] =	ssyncset.done $0x0;
	p0 =	sne.s32 s10, $0x13E00  }
.Ltmp4:
0x89: {  	s11 =	sadd.s32 $0x5280, s11;
	[sflag:s24] =	ssyncadd.s32 $0xFFFFF000;
	(pc) =	sbr.rel @p0 .LBB2_6-.Ltmp4, $3  }
0x8a: {  	[spmem:s3] =	stream.indirect.scatter.add.f32 [tilespmem:s30], [sflag:$0xB], $0x20, s11, s29, $0xb8;
	[tilespmem:$0x1E280] =	vst v63  }
0x8b: {  	s10 =	sadd.s32 $0x200, s10;
	_ =	sdelay $0x1  }
0x8c: {  	_ =	swait.ge [sflag:s24], $0x1000  }
0x8d: {  	[sflag:s24] =	ssyncset.done $0x0  }
0x8e: {  	[sflag:s24] =	ssyncadd.s32 $0xFFFFF000  }
0x8f: {  	s10 =	simm.s32 $0x0;
	s11 =	simm.s32 $0x200;
	[bflag:$0x0] =	sbarrier.arrive $0xFFFF  }
.LBB2_8:
0x90: {  	p0 =	sne.s32 s11, $0x4E00;
	[tilespmem:s10+$0x106F0] =	vst v0  }
0x91: {  	[tilespmem:s10+$0x10680] =	vst v0  }
0x92: {  	[tilespmem:s10+$0x10690] =	vst v0  }
.Ltmp5:
0x93: {  	[tilespmem:s10+$0x106A0] =	vst v0;
	(pc) =	sbr.rel @p0 .LBB2_8-.Ltmp5, $4  }
0x94: {  	[tilespmem:s10+$0x106B0] =	vst v0  }
0x95: {  	[tilespmem:s10+$0x106C0] =	vst v0  }
0x96: {  	[tilespmem:s10+$0x106D0] =	vst v0  }
0x97: {  	[tilespmem:s10+$0x106E0] =	vst v0;
	s10 =	sshra.s32 s11, $0x2;
	s11 =	sadd.s32 $0x200, s11  }
0x98: {  	[tilespmem:s10+$0x106F0] =	vst v0  }
0x99: {  	[tilespmem:s10+$0x10680] =	vst v0  }
0x9a: {  	[tilespmem:s10+$0x10690] =	vst v0  }
0x9b: {  	[tilespmem:s10+$0x106A0] =	vst v0  }
0x9c: {  	[tilespmem:s10+$0x106B0] =	vst v0  }
0x9d: {  	[tilespmem:s10+$0x106C0] =	vst v0  }
0x9e: {  	[tilespmem:s10+$0x106D0] =	vst v0  }
0x9f: {  	[tilespmem:s10+$0x106E0] =	vst v0;
	s10 =	simm.s32 $0xF280  }
0xa0: {  	[tilespmem:s10], [sflag:$0xB] =	stream.linear.gather [spmem:s9], $0x1400, $0x38;
	[tilespmem:$0x1E280] =	vst v63  }
0xa1: {  	_ =	swait.ge [sflag:s24], $0x1400  }
0xa2: {  	[sflag:s24] =	ssyncset.done $0x0  }
0xa3: {  	[sflag:s24] =	ssyncadd.s32 $0xFFFFEC00  }
0xa4: {  	[spmem:s9] =	stream.linear.scatter [tilespmem:s28], [sflag:$0xB], $0x1400, $0x38;
	[tilespmem:$0x1E280] =	vst v63  }
0xa5: {  	_ =	swait.ge [sflag:s24], $0x1400  }
0xa6: {  	[sflag:s24] =	ssyncset.done $0x0  }
0xa7: {  	[sflag:s24] =	ssyncadd.s32 $0xFFFFEC00  }
0xa8: {  	s11 =	simm.s32 $0x0;
	s13 =	simm.s32 $0x40;
	v2 =	vld [tilespmem:s10+$0x0]  }
.LBB2_10:
0xa9: {  	p0 =	sne.s32 s13, $0x27C0;
	_ =	sdelay $0x3  }
0xaa: {  	v2 =	vmax.f32 v2, $1.000000000e+00  }
0xab: {  	(erf) = vrcp.f32 v2;
	_ =	sdelay $0x8  }
.Ltmp6:
0xac: {  	v2 =	vpop (erf);
	(pc) =	sbr.rel @p0 .LBB2_10-.Ltmp6, $4  }
0xad: {  	v2 =	vmul.f32 $8.999999760e-01, v2  }
0xae: {  	s14 =	sshra.s32 s11, $0x2;
	s11 =	smov.u32 s13  }
0xaf: {  	s10 =	sadd.s32 $0x20, s10;
	[tilespmem:s14+$0x11A80] =	vst v2  }
0xb0: {  	s13 =	sadd.s32 $0x40, s13;
	v2 =	vld [tilespmem:s10+$0x0]  }
0xb1: {  	_ =	sdelay $0x3  }
0xb2: {  	v2 =	vmax.f32 v2, $1.000000000e+00  }
0xb3: {  	(erf) = vrcp.f32 v2;
	_ =	sdelay $0x8  }
0xb4: {  	v2 =	vpop (erf)  }
0xb5: {  	v2 =	vmul.f32 $8.999999760e-01, v2  }
0xb6: {  	s10 =	sshra.s32 s11, $0x2  }
0xb7: {  	[tilespmem:s10+$0x11A80] =	vst v2;
	s10 =	simm.s32 $0xF280  }
0xb8: {  	[tilespmem:s10], [sflag:$0xB] =	stream.linear.gather [spmem:s12], $0x1400, $0x38;
	[tilespmem:$0x1E280] =	vst v63  }
0xb9: {  	_ =	swait.ge [sflag:s24], $0x1400  }
0xba: {  	[sflag:s24] =	ssyncset.done $0x0  }
0xbb: {  	[sflag:s24] =	ssyncadd.s32 $0xFFFFEC00  }
0xbc: {  	[spmem:s12] =	stream.linear.scatter [tilespmem:s28], [sflag:$0xB], $0x1400, $0x38;
	[tilespmem:$0x1E280] =	vst v63  }
0xbd: {  	_ =	swait.ge [sflag:s24], $0x1400  }
0xbe: {  	[sflag:s24] =	ssyncset.done $0x0  }
0xbf: {  	[sflag:s24] =	ssyncadd.s32 $0xFFFFEC00  }
0xc0: {  	s11 =	simm.s32 $0x0;
	s13 =	simm.s32 $0x40;
	v2 =	vld [tilespmem:s10+$0x0]  }
.LBB2_12:
0xc1: {  	p0 =	sne.s32 s13, $0x27C0;
	_ =	sdelay $0x3  }
0xc2: {  	v2 =	vmax.f32 v2, $1.000000000e+00  }
0xc3: {  	(erf) = vrcp.f32 v2;
	_ =	sdelay $0x8  }
.Ltmp7:
0xc4: {  	v2 =	vpop (erf);
	(pc) =	sbr.rel @p0 .LBB2_12-.Ltmp7, $4  }
0xc5: {  	v2 =	vmul.f32 $8.999999760e-01, v2  }
0xc6: {  	s14 =	sshra.s32 s11, $0x2;
	s11 =	smov.u32 s13  }
0xc7: {  	s10 =	sadd.s32 $0x20, s10;
	[tilespmem:s14+$0x12480] =	vst v2  }
0xc8: {  	s13 =	sadd.s32 $0x40, s13;
	v2 =	vld [tilespmem:s10+$0x0]  }
0xc9: {  	_ =	sdelay $0x3  }
0xca: {  	v2 =	vmax.f32 v2, $1.000000000e+00  }
0xcb: {  	(erf) = vrcp.f32 v2;
	_ =	sdelay $0x8  }
0xcc: {  	v2 =	vpop (erf)  }
0xcd: {  	v2 =	vmul.f32 $8.999999760e-01, v2  }
0xce: {  	s10 =	sshra.s32 s11, $0x2  }
0xcf: {  	[tilespmem:s10+$0x12480] =	vst v2;
	s10 =	simm.s32 $0xF280  }
0xd0: {  	[tilespmem:s10], [sflag:$0xB] =	stream.linear.gather [spmem:s15], $0x1400, $0x38;
	[tilespmem:$0x1E280] =	vst v63  }
0xd1: {  	_ =	swait.ge [sflag:s24], $0x1400  }
0xd2: {  	[sflag:s24] =	ssyncset.done $0x0  }
0xd3: {  	[sflag:s24] =	ssyncadd.s32 $0xFFFFEC00  }
0xd4: {  	[spmem:s15] =	stream.linear.scatter [tilespmem:s28], [sflag:$0xB], $0x1400, $0x38;
	[tilespmem:$0x1E280] =	vst v63  }
0xd5: {  	_ =	swait.ge [sflag:s24], $0x1400  }
0xd6: {  	[sflag:s24] =	ssyncset.done $0x0  }
0xd7: {  	[sflag:s24] =	ssyncadd.s32 $0xFFFFEC00  }
0xd8: {  	s11 =	simm.s32 $0x0;
	s13 =	simm.s32 $0x40;
	v2 =	vld [tilespmem:s10+$0x0]  }
.LBB2_14:
0xd9: {  	p0 =	sne.s32 s13, $0x27C0;
	_ =	sdelay $0x3  }
0xda: {  	v2 =	vmax.f32 v2, $1.000000000e+00  }
0xdb: {  	(erf) = vrcp.f32 v2;
	_ =	sdelay $0x8  }
.Ltmp8:
0xdc: {  	v2 =	vpop (erf);
	(pc) =	sbr.rel @p0 .LBB2_14-.Ltmp8, $4  }
0xdd: {  	v2 =	vmul.f32 $8.999999760e-01, v2  }
0xde: {  	s14 =	sshra.s32 s11, $0x2;
	s11 =	smov.u32 s13  }
0xdf: {  	s10 =	sadd.s32 $0x20, s10;
	[tilespmem:s14+$0x12E80] =	vst v2  }
0xe0: {  	s13 =	sadd.s32 $0x40, s13;
	v2 =	vld [tilespmem:s10+$0x0]  }
0xe1: {  	_ =	sdelay $0x3  }
0xe2: {  	v2 =	vmax.f32 v2, $1.000000000e+00  }
0xe3: {  	(erf) = vrcp.f32 v2;
	_ =	sdelay $0x8  }
0xe4: {  	v2 =	vpop (erf)  }
0xe5: {  	v2 =	vmul.f32 $8.999999760e-01, v2  }
0xe6: {  	s10 =	sshra.s32 s11, $0x2  }
0xe7: {  	[tilespmem:s10+$0x12E80] =	vst v2;
	s10 =	simm.s32 $0xF280  }
0xe8: {  	[tilespmem:s10], [sflag:$0xB] =	stream.linear.gather [spmem:s18], $0x1400, $0x38;
	[tilespmem:$0x1E280] =	vst v63  }
0xe9: {  	_ =	swait.ge [sflag:s24], $0x1400  }
0xea: {  	[sflag:s24] =	ssyncset.done $0x0  }
0xeb: {  	[sflag:s24] =	ssyncadd.s32 $0xFFFFEC00  }
0xec: {  	[spmem:s18] =	stream.linear.scatter [tilespmem:s28], [sflag:$0xB], $0x1400, $0x38;
	[tilespmem:$0x1E280] =	vst v63  }
0xed: {  	_ =	swait.ge [sflag:s24], $0x1400  }
0xee: {  	[sflag:s24] =	ssyncset.done $0x0  }
0xef: {  	[sflag:s24] =	ssyncadd.s32 $0xFFFFEC00  }
0xf0: {  	s11 =	simm.s32 $0x0;
	s13 =	simm.s32 $0x40;
	v2 =	vld [tilespmem:s10+$0x0]  }
.LBB2_16:
0xf1: {  	p0 =	sne.s32 s13, $0x27C0;
	_ =	sdelay $0x3  }
0xf2: {  	v2 =	vmax.f32 v2, $1.000000000e+00  }
0xf3: {  	(erf) = vrcp.f32 v2;
	_ =	sdelay $0x8  }
.Ltmp9:
0xf4: {  	v2 =	vpop (erf);
	(pc) =	sbr.rel @p0 .LBB2_16-.Ltmp9, $4  }
0xf5: {  	v2 =	vmul.f32 $8.999999760e-01, v2  }
0xf6: {  	s14 =	sshra.s32 s11, $0x2;
	s11 =	smov.u32 s13  }
0xf7: {  	s10 =	sadd.s32 $0x20, s10;
	[tilespmem:s14+$0x13880] =	vst v2  }
0xf8: {  	s13 =	sadd.s32 $0x40, s13;
	v2 =	vld [tilespmem:s10+$0x0]  }
0xf9: {  	_ =	sdelay $0x3  }
0xfa: {  	v2 =	vmax.f32 v2, $1.000000000e+00  }
0xfb: {  	(erf) = vrcp.f32 v2;
	_ =	sdelay $0x8  }
0xfc: {  	v2 =	vpop (erf)  }
0xfd: {  	v2 =	vmul.f32 $8.999999760e-01, v2  }
0xfe: {  	s10 =	sshra.s32 s11, $0x2  }
0xff: {  	[tilespmem:s10+$0x13880] =	vst v2  }
0x100: {  	s10 =	simm.s32 $0x0;
	[bflag:$0x0] =	sbarrier.arrive $0xFFFF  }
.LBB2_18:
0x101: {  	s11 =	simm.s32 $0x0  }
0x102: {  	[tilespmem:s30], [sflag:$0x1] =	stream.indirect.gather [spmem:s2], $0x20, s11, s29, $0xb8;
	[tilespmem:$0x1E280] =	vst v63  }
0x103: {  	_ = 	snop  }
0x104: {  	[tilespmem:s31], [sflag:$0x2] =	stream.indirect.gather [spmem:s2], $0x20, s29, s29, $0xb8;
	[tilespmem:$0x1E280] =	vst v63  }
0x105: {  	s13 =	simm.s32 $0x100  }
0x106: {  	[tilespmem:s1], [sflag:$0x3] =	stream.indirect.gather [spmem:s2], $0x20, s13, s29, $0xb8;
	[tilespmem:$0x1E280] =	vst v63  }
0x107: {  	s14 =	simm.s32 $0x180  }
0x108: {  	[tilespmem:s5], [sflag:$0x4] =	stream.indirect.gather [spmem:s2], $0x20, s14, s29, $0xb8;
	[tilespmem:$0x1E280] =	vst v63  }
0x109: {  	s16 =	simm.s32 $0x200  }
0x10a: {  	[tilespmem:s22], [sflag:$0x5] =	stream.indirect.gather [spmem:s2], $0x20, s16, s29, $0xb8;
	[tilespmem:$0x1E280] =	vst v63  }
0x10b: {  	_ =	swait.ge [sflag:s23], $0x1000  }
0x10c: {  	[sflag:s23] =	ssyncset.done $0x0  }
0x10d: {  	s13 =	simm.s32 $0x5280;
	[sflag:s23] =	ssyncadd.s32 $0xFFFFF000  }
0x10e: {  	[spmem:s3] =	stream.indirect.scatter.add.f32 [tilespmem:s30], [sflag:$0x6], $0x20, s13, s29, $0xb8;
	[tilespmem:$0x1E280] =	vst v63  }
0x10f: {  	_ =	swait.ge [sflag:s4], $0x1000  }
0x110: {  	[sflag:s4] =	ssyncset.done $0x0  }
0x111: {  	s14 =	simm.s32 $0x5300;
	[sflag:s4] =	ssyncadd.s32 $0xFFFFF000  }
0x112: {  	[spmem:s3] =	stream.indirect.scatter.add.f32 [tilespmem:s31], [sflag:$0x7], $0x20, s14, s29, $0xb8;
	[tilespmem:$0x1E280] =	vst v63  }
0x113: {  	_ =	swait.ge [sflag:s0], $0x1000  }
0x114: {  	[sflag:s0] =	ssyncset.done $0x0  }
0x115: {  	s16 =	simm.s32 $0x280;
	[sflag:s0] =	ssyncadd.s32 $0xFFFFF000  }
0x116: {  	[tilespmem:s30], [sflag:$0x1] =	stream.indirect.gather [spmem:s2], $0x20, s16, s29, $0xb8;
	[tilespmem:$0x1E280] =	vst v63  }
0x117: {  	_ =	swait.ge [sflag:s25], $0x1000  }
0x118: {  	[sflag:s25] =	ssyncset.done $0x0  }
0x119: {  	s13 =	simm.s32 $0x5380;
	[sflag:s25] =	ssyncadd.s32 $0xFFFFF000  }
0x11a: {  	[spmem:s3] =	stream.indirect.scatter.add.f32 [tilespmem:s1], [sflag:$0x8], $0x20, s13, s29, $0xb8;
	[tilespmem:$0x1E280] =	vst v63  }
0x11b: {  	_ =	swait.ge [sflag:s6], $0x1000  }
0x11c: {  	[sflag:s6] =	ssyncset.done $0x0  }
0x11d: {  	s14 =	simm.s32 $0x300;
	[sflag:s6] =	ssyncadd.s32 $0xFFFFF000  }
0x11e: {  	[tilespmem:s31], [sflag:$0x2] =	stream.indirect.gather [spmem:s2], $0x20, s14, s29, $0xb8;
	[tilespmem:$0x1E280] =	vst v63  }
0x11f: {  	_ =	swait.ge [sflag:s19], $0x1000  }
0x120: {  	[sflag:s19] =	ssyncset.done $0x0  }
0x121: {  	s16 =	simm.s32 $0x5400;
	[sflag:s19] =	ssyncadd.s32 $0xFFFFF000  }
0x122: {  	[spmem:s3] =	stream.indirect.scatter.add.f32 [tilespmem:s5], [sflag:$0x9], $0x20, s16, s29, $0xb8;
	[tilespmem:$0x1E280] =	vst v63  }
0x123: {  	_ =	swait.ge [sflag:s20], $0x1000  }
0x124: {  	[sflag:s20] =	ssyncset.done $0x0  }
0x125: {  	s13 =	simm.s32 $0x380;
	[sflag:s20] =	ssyncadd.s32 $0xFFFFF000  }
0x126: {  	[tilespmem:s1], [sflag:$0x3] =	stream.indirect.gather [spmem:s2], $0x20, s13, s29, $0xb8;
	[tilespmem:$0x1E280] =	vst v63  }
0x127: {  	_ =	swait.ge [sflag:s21], $0x1000  }
0x128: {  	[sflag:s21] =	ssyncset.done $0x0  }
0x129: {  	s14 =	simm.s32 $0x5480;
	[sflag:s21] =	ssyncadd.s32 $0xFFFFF000  }
0x12a: {  	[spmem:s3] =	stream.indirect.scatter.add.f32 [tilespmem:s22], [sflag:$0xA], $0x20, s14, s29, $0xb8;
	[tilespmem:$0x1E280] =	vst v63  }
0x12b: {  	_ =	swait.ge [sflag:s7], $0x1000  }
0x12c: {  	[sflag:s7] =	ssyncset.done $0x0  }
0x12d: {  	s16 =	simm.s32 $0x400;
	[sflag:s7] =	ssyncadd.s32 $0xFFFFF000  }
0x12e: {  	[tilespmem:s5], [sflag:$0x4] =	stream.indirect.gather [spmem:s2], $0x20, s16, s29, $0xb8;
	[tilespmem:$0x1E280] =	vst v63  }
0x12f: {  	_ =	swait.ge [sflag:s8], $0x1000  }
0x130: {  	[sflag:s8] =	ssyncset.done $0x0  }
0x131: {  	s11 =	simm.s32 $0xA00;
	s13 =	simm.s32 $0x480;
	[sflag:s8] =	ssyncadd.s32 $0xFFFFF000  }
.LBB2_19:
0x132: {  	[tilespmem:s22], [sflag:$0x5] =	stream.indirect.gather [spmem:s2], $0x20, s13, s29, $0xb8;
	[tilespmem:$0x1E280] =	vst v63  }
0x133: {  	s13 =	smov.u32 s11  }
0x134: {  	p0 =	sne.s32 s11, $0x13600;
	s11 =	sadd.s32 $0xA00, s11;
	_ =	swait.ge [sflag:s23], $0x1000  }
0x135: {  	s13 =	sshra.s32 s13, $0x2;
	[sflag:s23] =	ssyncset.done $0x0  }
0x136: {  	s14 =	sadd.s32 $0x5280, s13;
	[sflag:s23] =	ssyncadd.s32 $0xFFFFF000  }
0x137: {  	[spmem:s3] =	stream.indirect.scatter.add.f32 [tilespmem:s30], [sflag:$0x6], $0x20, s14, s29, $0xb8;
	[tilespmem:$0x1E280] =	vst v63  }
0x138: {  	_ =	swait.ge [sflag:s4], $0x1000  }
0x139: {  	[sflag:s4] =	ssyncset.done $0x0  }
0x13a: {  	s14 =	sadd.s32 $0x5300, s13;
	[sflag:s4] =	ssyncadd.s32 $0xFFFFF000  }
0x13b: {  	[spmem:s3] =	stream.indirect.scatter.add.f32 [tilespmem:s31], [sflag:$0x7], $0x20, s14, s29, $0xb8;
	[tilespmem:$0x1E280] =	vst v63  }
0x13c: {  	_ =	swait.ge [sflag:s0], $0x1000  }
0x13d: {  	[sflag:s0] =	ssyncset.done $0x0  }
0x13e: {  	s14 =	sadd.s32 $0x280, s13;
	[sflag:s0] =	ssyncadd.s32 $0xFFFFF000  }
0x13f: {  	[tilespmem:s30], [sflag:$0x1] =	stream.indirect.gather [spmem:s2], $0x20, s14, s29, $0xb8;
	[tilespmem:$0x1E280] =	vst v63  }
0x140: {  	_ =	swait.ge [sflag:s25], $0x1000  }
0x141: {  	[sflag:s25] =	ssyncset.done $0x0  }
0x142: {  	s14 =	sadd.s32 $0x5380, s13;
	[sflag:s25] =	ssyncadd.s32 $0xFFFFF000  }
0x143: {  	[spmem:s3] =	stream.indirect.scatter.add.f32 [tilespmem:s1], [sflag:$0x8], $0x20, s14, s29, $0xb8;
	[tilespmem:$0x1E280] =	vst v63  }
0x144: {  	_ =	swait.ge [sflag:s6], $0x1000  }
0x145: {  	[sflag:s6] =	ssyncset.done $0x0  }
0x146: {  	s14 =	sadd.s32 $0x300, s13;
	[sflag:s6] =	ssyncadd.s32 $0xFFFFF000  }
0x147: {  	[tilespmem:s31], [sflag:$0x2] =	stream.indirect.gather [spmem:s2], $0x20, s14, s29, $0xb8;
	[tilespmem:$0x1E280] =	vst v63  }
0x148: {  	_ =	swait.ge [sflag:s19], $0x1000  }
0x149: {  	[sflag:s19] =	ssyncset.done $0x0  }
0x14a: {  	s14 =	sadd.s32 $0x5400, s13;
	[sflag:s19] =	ssyncadd.s32 $0xFFFFF000  }
0x14b: {  	[spmem:s3] =	stream.indirect.scatter.add.f32 [tilespmem:s5], [sflag:$0x9], $0x20, s14, s29, $0xb8;
	[tilespmem:$0x1E280] =	vst v63  }
0x14c: {  	_ =	swait.ge [sflag:s20], $0x1000  }
0x14d: {  	[sflag:s20] =	ssyncset.done $0x0  }
0x14e: {  	s14 =	sadd.s32 $0x380, s13;
	[sflag:s20] =	ssyncadd.s32 $0xFFFFF000  }
0x14f: {  	[tilespmem:s1], [sflag:$0x3] =	stream.indirect.gather [spmem:s2], $0x20, s14, s29, $0xb8;
	[tilespmem:$0x1E280] =	vst v63  }
0x150: {  	_ =	swait.ge [sflag:s21], $0x1000  }
0x151: {  	[sflag:s21] =	ssyncset.done $0x0  }
0x152: {  	s14 =	sadd.s32 $0x5480, s13;
	[sflag:s21] =	ssyncadd.s32 $0xFFFFF000  }
0x153: {  	[spmem:s3] =	stream.indirect.scatter.add.f32 [tilespmem:s22], [sflag:$0xA], $0x20, s14, s29, $0xb8;
	[tilespmem:$0x1E280] =	vst v63  }
0x154: {  	_ =	swait.ge [sflag:s7], $0x1000  }
0x155: {  	[sflag:s7] =	ssyncset.done $0x0  }
.Ltmp10:
0x156: {  	s14 =	sadd.s32 $0x400, s13;
	[sflag:s7] =	ssyncadd.s32 $0xFFFFF000;
	(pc) =	sbr.rel @p0 .LBB2_19-.Ltmp10, $4  }
0x157: {  	[tilespmem:s5], [sflag:$0x4] =	stream.indirect.gather [spmem:s2], $0x20, s14, s29, $0xb8;
	[tilespmem:$0x1E280] =	vst v63  }
0x158: {  	_ =	swait.ge [sflag:s8], $0x1000  }
0x159: {  	[sflag:s8] =	ssyncset.done $0x0  }
0x15a: {  	s13 =	sadd.s32 $0x480, s13;
	[sflag:s8] =	ssyncadd.s32 $0xFFFFF000  }
0x15b: {  	[tilespmem:s22], [sflag:$0x5] =	stream.indirect.gather [spmem:s2], $0x20, s13, s29, $0xb8;
	[tilespmem:$0x1E280] =	vst v63  }
0x15c: {  	_ =	swait.ge [sflag:s23], $0x1000  }
0x15d: {  	[sflag:s23] =	ssyncset.done $0x0  }
0x15e: {  	[sflag:s23] =	ssyncadd.s32 $0xFFFFF000  }
0x15f: {  	_ =	swait.ge [sflag:s4], $0x1000  }
0x160: {  	[sflag:s4] =	ssyncset.done $0x0  }
0x161: {  	[sflag:s4] =	ssyncadd.s32 $0xFFFFF000  }
0x162: {  	_ =	swait.ge [sflag:s25], $0x1000  }
0x163: {  	[sflag:s25] =	ssyncset.done $0x0  }
0x164: {  	[sflag:s25] =	ssyncadd.s32 $0xFFFFF000  }
0x165: {  	_ =	swait.ge [sflag:s19], $0x1000  }
0x166: {  	[sflag:s19] =	ssyncset.done $0x0  }
0x167: {  	[sflag:s19] =	ssyncadd.s32 $0xFFFFF000  }
0x168: {  	_ =	swait.ge [sflag:s21], $0x1000  }
0x169: {  	[sflag:s21] =	ssyncset.done $0x0  }
0x16a: {  	[sflag:s21] =	ssyncadd.s32 $0xFFFFF000  }
0x16b: {  	[bflag:$0x0] =	sbarrier.arrive $0xFFFF  }
0x16c: {  	[tilespmem:s26], [sflag:$0xB] =	stream.linear.gather [spmem:s9], $0x1400, $0x38;
	[tilespmem:$0x1E280] =	vst v63  }
0x16d: {  	_ =	swait.ge [sflag:s24], $0x1400  }
0x16e: {  	[sflag:s24] =	ssyncset.done $0x0  }
0x16f: {  	s11 =	simm.s32 $0x0;
	s13 =	simm.s32 $0x200;
	[sflag:s24] =	ssyncadd.s32 $0xFFFFEC00  }
.LBB2_21:
0x170: {  	p0 =	sne.s32 s13, $0x4E00;
	[tilespmem:s11+$0x106F0] =	vst v0  }
0x171: {  	[tilespmem:s11+$0x10680] =	vst v0  }
0x172: {  	[tilespmem:s11+$0x10690] =	vst v0  }
.Ltmp11:
0x173: {  	[tilespmem:s11+$0x106A0] =	vst v0;
	(pc) =	sbr.rel @p0 .LBB2_21-.Ltmp11, $4  }
0x174: {  	[tilespmem:s11+$0x106B0] =	vst v0  }
0x175: {  	[tilespmem:s11+$0x106C0] =	vst v0  }
0x176: {  	[tilespmem:s11+$0x106D0] =	vst v0  }
0x177: {  	[tilespmem:s11+$0x106E0] =	vst v0;
	s11 =	sshra.s32 s13, $0x2;
	s13 =	sadd.s32 $0x200, s13  }
0x178: {  	[tilespmem:s11+$0x106F0] =	vst v0  }
0x179: {  	[tilespmem:s11+$0x10680] =	vst v0  }
0x17a: {  	[tilespmem:s11+$0x10690] =	vst v0  }
0x17b: {  	[tilespmem:s11+$0x106A0] =	vst v0  }
0x17c: {  	[tilespmem:s11+$0x106B0] =	vst v0  }
0x17d: {  	[tilespmem:s11+$0x106C0] =	vst v0  }
0x17e: {  	[tilespmem:s11+$0x106D0] =	vst v0  }
0x17f: {  	[tilespmem:s11+$0x106E0] =	vst v0  }
0x180: {  	[spmem:s9] =	stream.linear.scatter [tilespmem:s28], [sflag:$0xB], $0x1400, $0x38;
	[tilespmem:$0x1E280] =	vst v63  }
0x181: {  	_ =	swait.ge [sflag:s24], $0x1400  }
0x182: {  	[sflag:s24] =	ssyncset.done $0x0  }
0x183: {  	s16 =	simm.s32 $0x0;
	s13 =	rddreg [dreg:$0x7];
	[sflag:s24] =	ssyncadd.s32 $0xFFFFEC00  }
0x184: {  	[tilespmem:s28], [sflag:$0xB] =	stream.linear.gather [hbm4b:s13+s16], $0x1400, $0x38;
	[tilespmem:$0x1E280] =	vst v63  }
0x185: {  	_ =	swait.ge [sflag:s24], $0x1400  }
0x186: {  	[sflag:s24] =	ssyncset.done $0x0  }
0x187: {  	s11 =	simm.s32 $0x0;
	[sflag:s24] =	ssyncadd.s32 $0xFFFFEC00  }
0x188: {  	v3 =	vld [tilespmem:s11+$0x10690]  }
0x189: {  	s13 =	simm.s32 $0x11A80;
	v4 =	vld [tilespmem:s11+$0x10680]  }
0x18a: {  	v2 =	vld [tilespmem:s13+$0x0]  }
0x18b: {  	v6 =	vld [tilespmem:s11+$0xF290];
	_ =	sdelay $0x1  }
0x18c: {  	v5 =	vld [tilespmem:s11+$0xF280];
	_ =	sdelay $0x1  }
0x18d: {  	v3 =	vmul.f32 $1.000000010e-01, v3  }
0x18e: {  	s14 =	simm.s32 $0x80;
	v4 =	vmul.f32 $1.000000010e-01, v4;
	v6 =	vmul.f32 v6, v2  }
.LBB2_23:
0x18f: {  	p0 =	sne.s32 s14, $0x4F80  }
0x190: {  	v2 =	vmul.f32 v5, v2;
	s13 =	sadd.s32 $0x10, s13;
	s16 =	smov.u32 s14;
	s14 =	sadd.s32 $0x80, s14  }
0x191: {  	v3 =	vadd.f32 v3, v6  }
0x192: {  	s16 =	sshra.s32 s16, $0x2;
	v2 =	vadd.f32 v4, v2  }
0x193: {  	v4 =	vld [tilespmem:s16+$0x10690];
	[tilespmem:s11+$0xF290] =	vst v3  }
0x194: {  	v6 =	vld [tilespmem:s16+$0x10680];
	[tilespmem:s11+$0xF280] =	vst v2;
	s11 =	smov.u32 s16  }
0x195: {  	v2 =	vld [tilespmem:s13+$0x0]  }
0x196: {  	v7 =	vld [tilespmem:s11+$0xF290]  }
.Ltmp12:
0x197: {  	v5 =	vld [tilespmem:s11+$0xF280];
	(pc) =	sbr.rel @p0 .LBB2_23-.Ltmp12, $4  }
0x198: {  	_ = 	snop  }
0x199: {  	v3 =	vmul.f32 $1.000000010e-01, v4  }
0x19a: {  	v4 =	vmul.f32 $1.000000010e-01, v6  }
0x19b: {  	v6 =	vmul.f32 v7, v2  }
0x19c: {  	v2 =	vmul.f32 v5, v2  }
0x19d: {  	v3 =	vadd.f32 v3, v6  }
0x19e: {  	v2 =	vadd.f32 v4, v2  }
0x19f: {  	[tilespmem:s11+$0xF290] =	vst v3  }
0x1a0: {  	s16 =	rddreg [dreg:$0x8];
	[tilespmem:s11+$0xF280] =	vst v2  }
0x1a1: {  	[spmem:s16] =	stream.linear.scatter [tilespmem:s26], [sflag:$0xB], $0x1400, $0x38;
	[tilespmem:$0x1E280] =	vst v63  }
0x1a2: {  	p0 =	sne.s32 s10, $0x9;
	_ =	swait.ge [sflag:s24], $0x1400  }
0x1a3: {  	s13 =	simm.s32 @!p0 $0xF280;
	[sflag:s24] =	ssyncset.done $0x0  }
0x1a4: {  	s11 =	simm.s32 @!p0 $0x0;
	s14 =	rddreg [dreg:$0xe];
	[sflag:s24] =	ssyncadd.s32 $0xFFFFEC00  }
0x1a5: {  	[hbm4b:s14+s11] =	stream.linear.scatter @!p0 [tilespmem:s13], [sflag:$0xB], $0x1400, $0x38;
	[tilespmem:$0x1E280] =	vst v63  }
0x1a6: {  	s11 =	simm.s32 @!p0 $0xB  }
0x1a7: {  	_ =	swait.ge @!p0 [sflag:s11], $0x1400  }
0x1a8: {  	[sflag:s11] =	ssyncset.done @!p0 $0x0  }
0x1a9: {  	[sflag:s11] =	ssyncadd.s32 @!p0 $0xFFFFEC00  }
0x1aa: {  	[tilespmem:s26], [sflag:$0xB] =	stream.linear.gather [spmem:s12], $0x1400, $0x38;
	[tilespmem:$0x1E280] =	vst v63  }
0x1ab: {  	_ =	swait.ge [sflag:s24], $0x1400  }
0x1ac: {  	[sflag:s24] =	ssyncset.done $0x0  }
0x1ad: {  	s13 =	simm.s32 $0x200;
	s11 =	simm.s32 $0x0;
	[sflag:s24] =	ssyncadd.s32 $0xFFFFEC00  }
.LBB2_25:
0x1ae: {  	p1 =	sne.s32 s13, $0x4E00;
	[tilespmem:s11+$0x106F0] =	vst v0  }
0x1af: {  	[tilespmem:s11+$0x10680] =	vst v0  }
0x1b0: {  	[tilespmem:s11+$0x10690] =	vst v0  }
.Ltmp13:
0x1b1: {  	[tilespmem:s11+$0x106A0] =	vst v0;
	(pc) =	sbr.rel @p1 .LBB2_25-.Ltmp13, $4  }
0x1b2: {  	[tilespmem:s11+$0x106B0] =	vst v0  }
0x1b3: {  	[tilespmem:s11+$0x106C0] =	vst v0  }
0x1b4: {  	[tilespmem:s11+$0x106D0] =	vst v0  }
0x1b5: {  	[tilespmem:s11+$0x106E0] =	vst v0;
	s11 =	sshra.s32 s13, $0x2;
	s13 =	sadd.s32 $0x200, s13  }
0x1b6: {  	[tilespmem:s11+$0x106F0] =	vst v0  }
0x1b7: {  	[tilespmem:s11+$0x10680] =	vst v0  }
0x1b8: {  	[tilespmem:s11+$0x10690] =	vst v0  }
0x1b9: {  	[tilespmem:s11+$0x106A0] =	vst v0  }
0x1ba: {  	[tilespmem:s11+$0x106B0] =	vst v0  }
0x1bb: {  	[tilespmem:s11+$0x106C0] =	vst v0  }
0x1bc: {  	[tilespmem:s11+$0x106D0] =	vst v0  }
0x1bd: {  	[tilespmem:s11+$0x106E0] =	vst v0  }
0x1be: {  	[spmem:s12] =	stream.linear.scatter [tilespmem:s28], [sflag:$0xB], $0x1400, $0x38;
	[tilespmem:$0x1E280] =	vst v63  }
0x1bf: {  	_ =	swait.ge [sflag:s24], $0x1400  }
0x1c0: {  	[sflag:s24] =	ssyncset.done $0x0  }
0x1c1: {  	s16 =	simm.s32 $0x0;
	s13 =	rddreg [dreg:$0x9];
	[sflag:s24] =	ssyncadd.s32 $0xFFFFEC00  }
0x1c2: {  	[tilespmem:s28], [sflag:$0xB] =	stream.linear.gather [hbm4b:s13+s16], $0x1400, $0x38;
	[tilespmem:$0x1E280] =	vst v63  }
0x1c3: {  	_ =	swait.ge [sflag:s24], $0x1400  }
0x1c4: {  	[sflag:s24] =	ssyncset.done $0x0  }
0x1c5: {  	s11 =	simm.s32 $0x0;
	[sflag:s24] =	ssyncadd.s32 $0xFFFFEC00  }
0x1c6: {  	v3 =	vld [tilespmem:s11+$0x10690]  }
0x1c7: {  	s13 =	simm.s32 $0x12480;
	v4 =	vld [tilespmem:s11+$0x10680]  }
0x1c8: {  	v2 =	vld [tilespmem:s13+$0x0]  }
0x1c9: {  	v6 =	vld [tilespmem:s11+$0xF290];
	_ =	sdelay $0x1  }
0x1ca: {  	v5 =	vld [tilespmem:s11+$0xF280];
	_ =	sdelay $0x1  }
0x1cb: {  	v3 =	vmul.f32 $1.000000010e-01, v3  }
0x1cc: {  	s14 =	simm.s32 $0x80;
	v4 =	vmul.f32 $1.000000010e-01, v4;
	v6 =	vmul.f32 v6, v2  }
.LBB2_27:
0x1cd: {  	p1 =	sne.s32 s14, $0x4F80  }
0x1ce: {  	v2 =	vmul.f32 v5, v2;
	s13 =	sadd.s32 $0x10, s13;
	s16 =	smov.u32 s14;
	s14 =	sadd.s32 $0x80, s14  }
0x1cf: {  	v3 =	vadd.f32 v3, v6  }
0x1d0: {  	s16 =	sshra.s32 s16, $0x2;
	v2 =	vadd.f32 v4, v2  }
0x1d1: {  	v4 =	vld [tilespmem:s16+$0x10690];
	[tilespmem:s11+$0xF290] =	vst v3  }
0x1d2: {  	v6 =	vld [tilespmem:s16+$0x10680];
	[tilespmem:s11+$0xF280] =	vst v2;
	s11 =	smov.u32 s16  }
0x1d3: {  	v2 =	vld [tilespmem:s13+$0x0]  }
0x1d4: {  	v7 =	vld [tilespmem:s11+$0xF290]  }
.Ltmp14:
0x1d5: {  	v5 =	vld [tilespmem:s11+$0xF280];
	(pc) =	sbr.rel @p1 .LBB2_27-.Ltmp14, $4  }
0x1d6: {  	_ = 	snop  }
0x1d7: {  	v3 =	vmul.f32 $1.000000010e-01, v4  }
0x1d8: {  	v4 =	vmul.f32 $1.000000010e-01, v6  }
0x1d9: {  	v6 =	vmul.f32 v7, v2  }
0x1da: {  	v2 =	vmul.f32 v5, v2  }
0x1db: {  	v3 =	vadd.f32 v3, v6  }
0x1dc: {  	v2 =	vadd.f32 v4, v2  }
0x1dd: {  	[tilespmem:s11+$0xF290] =	vst v3  }
0x1de: {  	s16 =	rddreg [dreg:$0xa];
	[tilespmem:s11+$0xF280] =	vst v2  }
0x1df: {  	[spmem:s16] =	stream.linear.scatter [tilespmem:s26], [sflag:$0xB], $0x1400, $0x38;
	[tilespmem:$0x1E280] =	vst v63  }
0x1e0: {  	_ =	swait.ge [sflag:s24], $0x1400  }
0x1e1: {  	s13 =	simm.s32 @!p0 $0xF280;
	[sflag:s24] =	ssyncset.done $0x0  }
0x1e2: {  	s11 =	simm.s32 @!p0 $0x0;
	s14 =	rddreg [dreg:$0xf];
	[sflag:s24] =	ssyncadd.s32 $0xFFFFEC00  }
0x1e3: {  	[hbm4b:s14+s11] =	stream.linear.scatter @!p0 [tilespmem:s13], [sflag:$0xB], $0x1400, $0x38;
	[tilespmem:$0x1E280] =	vst v63  }
0x1e4: {  	s11 =	simm.s32 @!p0 $0xB  }
0x1e5: {  	_ =	swait.ge @!p0 [sflag:s11], $0x1400  }
0x1e6: {  	[sflag:s11] =	ssyncset.done @!p0 $0x0  }
0x1e7: {  	[sflag:s11] =	ssyncadd.s32 @!p0 $0xFFFFEC00  }
0x1e8: {  	[tilespmem:s26], [sflag:$0xB] =	stream.linear.gather [spmem:s15], $0x1400, $0x38;
	[tilespmem:$0x1E280] =	vst v63  }
0x1e9: {  	_ =	swait.ge [sflag:s24], $0x1400  }
0x1ea: {  	[sflag:s24] =	ssyncset.done $0x0  }
0x1eb: {  	s13 =	simm.s32 $0x200;
	s11 =	simm.s32 $0x0;
	[sflag:s24] =	ssyncadd.s32 $0xFFFFEC00  }
.LBB2_29:
0x1ec: {  	p1 =	sne.s32 s13, $0x4E00;
	[tilespmem:s11+$0x106F0] =	vst v0  }
0x1ed: {  	[tilespmem:s11+$0x10680] =	vst v0  }
0x1ee: {  	[tilespmem:s11+$0x10690] =	vst v0  }
.Ltmp15:
0x1ef: {  	[tilespmem:s11+$0x106A0] =	vst v0;
	(pc) =	sbr.rel @p1 .LBB2_29-.Ltmp15, $4  }
0x1f0: {  	[tilespmem:s11+$0x106B0] =	vst v0  }
0x1f1: {  	[tilespmem:s11+$0x106C0] =	vst v0  }
0x1f2: {  	[tilespmem:s11+$0x106D0] =	vst v0  }
0x1f3: {  	[tilespmem:s11+$0x106E0] =	vst v0;
	s11 =	sshra.s32 s13, $0x2;
	s13 =	sadd.s32 $0x200, s13  }
0x1f4: {  	[tilespmem:s11+$0x106F0] =	vst v0  }
0x1f5: {  	[tilespmem:s11+$0x10680] =	vst v0  }
0x1f6: {  	[tilespmem:s11+$0x10690] =	vst v0  }
0x1f7: {  	[tilespmem:s11+$0x106A0] =	vst v0  }
0x1f8: {  	[tilespmem:s11+$0x106B0] =	vst v0  }
0x1f9: {  	[tilespmem:s11+$0x106C0] =	vst v0  }
0x1fa: {  	[tilespmem:s11+$0x106D0] =	vst v0  }
0x1fb: {  	[tilespmem:s11+$0x106E0] =	vst v0  }
0x1fc: {  	[spmem:s15] =	stream.linear.scatter [tilespmem:s28], [sflag:$0xB], $0x1400, $0x38;
	[tilespmem:$0x1E280] =	vst v63  }
0x1fd: {  	_ =	swait.ge [sflag:s24], $0x1400  }
0x1fe: {  	[sflag:s24] =	ssyncset.done $0x0  }
0x1ff: {  	s16 =	simm.s32 $0x0;
	s13 =	rddreg [dreg:$0xb];
	[sflag:s24] =	ssyncadd.s32 $0xFFFFEC00  }
0x200: {  	[tilespmem:s28], [sflag:$0xB] =	stream.linear.gather [hbm4b:s13+s16], $0x1400, $0x38;
	[tilespmem:$0x1E280] =	vst v63  }
0x201: {  	_ =	swait.ge [sflag:s24], $0x1400  }
0x202: {  	[sflag:s24] =	ssyncset.done $0x0  }
0x203: {  	s11 =	simm.s32 $0x0;
	[sflag:s24] =	ssyncadd.s32 $0xFFFFEC00  }
0x204: {  	v3 =	vld [tilespmem:s11+$0x10690]  }
0x205: {  	s13 =	simm.s32 $0x12E80;
	v4 =	vld [tilespmem:s11+$0x10680]  }
0x206: {  	v2 =	vld [tilespmem:s13+$0x0]  }
0x207: {  	v6 =	vld [tilespmem:s11+$0xF290];
	_ =	sdelay $0x1  }
0x208: {  	v5 =	vld [tilespmem:s11+$0xF280];
	_ =	sdelay $0x1  }
0x209: {  	v3 =	vmul.f32 $1.000000010e-01, v3  }
0x20a: {  	s14 =	simm.s32 $0x80;
	v4 =	vmul.f32 $1.000000010e-01, v4;
	v6 =	vmul.f32 v6, v2  }
.LBB2_31:
0x20b: {  	p1 =	sne.s32 s14, $0x4F80  }
0x20c: {  	v2 =	vmul.f32 v5, v2;
	s13 =	sadd.s32 $0x10, s13;
	s16 =	smov.u32 s14;
	s14 =	sadd.s32 $0x80, s14  }
0x20d: {  	v3 =	vadd.f32 v3, v6  }
0x20e: {  	s16 =	sshra.s32 s16, $0x2;
	v2 =	vadd.f32 v4, v2  }
0x20f: {  	v4 =	vld [tilespmem:s16+$0x10690];
	[tilespmem:s11+$0xF290] =	vst v3  }
0x210: {  	v6 =	vld [tilespmem:s16+$0x10680];
	[tilespmem:s11+$0xF280] =	vst v2;
	s11 =	smov.u32 s16  }
0x211: {  	v2 =	vld [tilespmem:s13+$0x0]  }
0x212: {  	v7 =	vld [tilespmem:s11+$0xF290]  }
.Ltmp16:
0x213: {  	v5 =	vld [tilespmem:s11+$0xF280];
	(pc) =	sbr.rel @p1 .LBB2_31-.Ltmp16, $4  }
0x214: {  	_ = 	snop  }
0x215: {  	v3 =	vmul.f32 $1.000000010e-01, v4  }
0x216: {  	v4 =	vmul.f32 $1.000000010e-01, v6  }
0x217: {  	v6 =	vmul.f32 v7, v2  }
0x218: {  	v2 =	vmul.f32 v5, v2  }
0x219: {  	v3 =	vadd.f32 v3, v6  }
0x21a: {  	v2 =	vadd.f32 v4, v2  }
0x21b: {  	[tilespmem:s11+$0xF290] =	vst v3  }
0x21c: {  	s16 =	rddreg [dreg:$0xc];
	[tilespmem:s11+$0xF280] =	vst v2  }
0x21d: {  	[spmem:s16] =	stream.linear.scatter [tilespmem:s26], [sflag:$0xB], $0x1400, $0x38;
	[tilespmem:$0x1E280] =	vst v63  }
0x21e: {  	_ =	swait.ge [sflag:s24], $0x1400  }
0x21f: {  	s13 =	simm.s32 @!p0 $0xF280;
	[sflag:s24] =	ssyncset.done $0x0  }
0x220: {  	s11 =	simm.s32 @!p0 $0x0;
	s14 =	rddreg [dreg:$0x10];
	[sflag:s24] =	ssyncadd.s32 $0xFFFFEC00  }
0x221: {  	[hbm4b:s14+s11] =	stream.linear.scatter @!p0 [tilespmem:s13], [sflag:$0xB], $0x1400, $0x38;
	[tilespmem:$0x1E280] =	vst v63  }
0x222: {  	s11 =	simm.s32 @!p0 $0xB  }
0x223: {  	_ =	swait.ge @!p0 [sflag:s11], $0x1400  }
0x224: {  	[sflag:s11] =	ssyncset.done @!p0 $0x0  }
0x225: {  	[sflag:s11] =	ssyncadd.s32 @!p0 $0xFFFFEC00  }
0x226: {  	[tilespmem:s26], [sflag:$0xB] =	stream.linear.gather [spmem:s18], $0x1400, $0x38;
	[tilespmem:$0x1E280] =	vst v63  }
0x227: {  	_ =	swait.ge [sflag:s24], $0x1400  }
0x228: {  	[sflag:s24] =	ssyncset.done $0x0  }
0x229: {  	s13 =	simm.s32 $0x200;
	s11 =	simm.s32 $0x0;
	[sflag:s24] =	ssyncadd.s32 $0xFFFFEC00  }
.LBB2_33:
0x22a: {  	p0 =	sne.s32 s13, $0x4E00;
	[tilespmem:s11+$0x106F0] =	vst v0  }
0x22b: {  	[tilespmem:s11+$0x10680] =	vst v0  }
0x22c: {  	[tilespmem:s11+$0x10690] =	vst v0  }
.Ltmp17:
0x22d: {  	[tilespmem:s11+$0x106A0] =	vst v0;
	(pc) =	sbr.rel @p0 .LBB2_33-.Ltmp17, $4  }
0x22e: {  	[tilespmem:s11+$0x106B0] =	vst v0  }
0x22f: {  	[tilespmem:s11+$0x106C0] =	vst v0  }
0x230: {  	[tilespmem:s11+$0x106D0] =	vst v0  }
0x231: {  	[tilespmem:s11+$0x106E0] =	vst v0;
	s11 =	sshra.s32 s13, $0x2;
	s13 =	sadd.s32 $0x200, s13  }
0x232: {  	[tilespmem:s11+$0x106F0] =	vst v0  }
0x233: {  	[tilespmem:s11+$0x10680] =	vst v0  }
0x234: {  	[tilespmem:s11+$0x10690] =	vst v0  }
0x235: {  	[tilespmem:s11+$0x106A0] =	vst v0  }
0x236: {  	[tilespmem:s11+$0x106B0] =	vst v0  }
0x237: {  	[tilespmem:s11+$0x106C0] =	vst v0  }
0x238: {  	[tilespmem:s11+$0x106D0] =	vst v0  }
0x239: {  	[tilespmem:s11+$0x106E0] =	vst v0  }
0x23a: {  	[spmem:s18] =	stream.linear.scatter [tilespmem:s28], [sflag:$0xB], $0x1400, $0x38;
	[tilespmem:$0x1E280] =	vst v63  }
0x23b: {  	_ =	swait.ge [sflag:s24], $0x1400  }
0x23c: {  	[sflag:s24] =	ssyncset.done $0x0  }
0x23d: {  	s16 =	simm.s32 $0x0;
	s13 =	rddreg [dreg:$0xd];
	[sflag:s24] =	ssyncadd.s32 $0xFFFFEC00  }
0x23e: {  	[tilespmem:s28], [sflag:$0xB] =	stream.linear.gather [hbm4b:s13+s16], $0x1400, $0x38;
	[tilespmem:$0x1E280] =	vst v63  }
0x23f: {  	_ =	swait.ge [sflag:s24], $0x1400  }
0x240: {  	[sflag:s24] =	ssyncset.done $0x0  }
0x241: {  	s11 =	simm.s32 $0x0;
	[sflag:s24] =	ssyncadd.s32 $0xFFFFEC00  }
0x242: {  	v3 =	vld [tilespmem:s11+$0x10690]  }
0x243: {  	s13 =	simm.s32 $0x13880;
	v4 =	vld [tilespmem:s11+$0x10680]  }
0x244: {  	v2 =	vld [tilespmem:s13+$0x0]  }
0x245: {  	v6 =	vld [tilespmem:s11+$0xF290];
	_ =	sdelay $0x1  }
0x246: {  	v5 =	vld [tilespmem:s11+$0xF280];
	_ =	sdelay $0x1  }
0x247: {  	v3 =	vmul.f32 $1.000000010e-01, v3  }
0x248: {  	s14 =	simm.s32 $0x80;
	v4 =	vmul.f32 $1.000000010e-01, v4;
	v6 =	vmul.f32 v6, v2  }
.LBB2_35:
0x249: {  	p0 =	sne.s32 s14, $0x4F80  }
0x24a: {  	v2 =	vmul.f32 v5, v2;
	s13 =	sadd.s32 $0x10, s13;
	s16 =	smov.u32 s14;
	s14 =	sadd.s32 $0x80, s14  }
0x24b: {  	v3 =	vadd.f32 v3, v6  }
0x24c: {  	s16 =	sshra.s32 s16, $0x2;
	v2 =	vadd.f32 v4, v2  }
0x24d: {  	v4 =	vld [tilespmem:s16+$0x10690];
	[tilespmem:s11+$0xF290] =	vst v3  }
0x24e: {  	v6 =	vld [tilespmem:s16+$0x10680];
	[tilespmem:s11+$0xF280] =	vst v2;
	s11 =	smov.u32 s16  }
0x24f: {  	v2 =	vld [tilespmem:s13+$0x0]  }
0x250: {  	v7 =	vld [tilespmem:s11+$0xF290]  }
.Ltmp18:
0x251: {  	v5 =	vld [tilespmem:s11+$0xF280];
	(pc) =	sbr.rel @p0 .LBB2_35-.Ltmp18, $4  }
0x252: {  	_ = 	snop  }
0x253: {  	v3 =	vmul.f32 $1.000000010e-01, v4  }
0x254: {  	v4 =	vmul.f32 $1.000000010e-01, v6  }
0x255: {  	v6 =	vmul.f32 v7, v2  }
0x256: {  	v2 =	vmul.f32 v5, v2  }
0x257: {  	v3 =	vadd.f32 v3, v6  }
0x258: {  	v2 =	vadd.f32 v4, v2  }
0x259: {  	p0 =	seq.s32 s10, $0x9;
	[tilespmem:s11+$0xF290] =	vst v3  }
.Ltmp19:
0x25a: {  	[tilespmem:s11+$0xF280] =	vst v2;
	(pc) =	sbr.rel @p0 .LBB2_38-.Ltmp19, $4  }
0x25b: {  	[spmem:s17] =	stream.linear.scatter [tilespmem:s26], [sflag:$0xB], $0x1400, $0x38;
	[tilespmem:$0x1E280] =	vst v63  }
0x25c: {  	_ =	swait.ge [sflag:s24], $0x1400  }
0x25d: {  	[sflag:s24] =	ssyncset.done $0x0  }
0x25e: {  	[sflag:s24] =	ssyncadd.s32 $0xFFFFEC00  }
.Ltmp20:
0x25f: {  	(pc) =	sbr.rel .LBB2_18-.Ltmp20, $3  }
0x260: {  	_ =	sdelay $0x1  }
0x261: {  	[bflag:$0x0] =	sbarrier.arrive $0xFFFF  }
0x262: {  	s10 =	sadd.s32 $0x1, s10  }
.LBB2_39:
0x263: {  	_ =	sfence.sel $0x180000  }
0x264: {  	[bflag:$0x0] =	sbarrier.arrive $0xFFFF  }
0x265: {  	_ =	strace $0x90000047  }
0x266: {  	s0 =	stileid.u32;
	[bflag:$0x2] =	sbarrier.arrive $0xFFFF  }
0x267: {  	p0 =	sne.s32 s0, $0x0;
	s0 =	rddreg [dreg:$0x4]  }
0x268: {  	s0 =	sadd.s32 @!p0 $0x100000, s0  }
0x269: {  	[sflag:s0] =	ssyncadd.tile.s32 @!p0 $0x1;
	_ =	shalt  }
.Lfunc_end2:
_tile_overlayer_lowered:
.L_overlay_start_2:
0x26a: {  	(tag) =	ssettag $0x2  }
0x26b: {  	s0 =	rddreg [dreg:$0x0];
	s2 =	stileid.u32  }
0x26c: {  	s1 =	rddreg [dreg:$0x1];
	p0 =	sne.s32 s2, $0x0  }
0x26d: {  	s3 =	rddreg [dreg:$0x2];
	[bflag:$0x3] =	sbarrier.arrive $0xFFFF;
	s2 =	simm.s32 @!p0 $0x1C0B  }
0x26e: {  	[timem:s3], [sflag:s2] =	dma.local @!p0 [hbm:s0], s1  }
0x26f: {  	s0 =	simm.s32 @!p0 $0xB  }
0x270: {  	_ =	swait.ge @!p0 [sflag:s0], s1  }
0x271: {  	s1 =	ssub.s32 @!p0 $0x0, s1;
	[sflag:s0] =	ssyncset.done @!p0 $0x0  }
0x272: {  	[sflag:s0] =	ssyncadd.s32 @!p0 s1  }
0x273: {  	[bflag:$0x3] =	sbarrier.arrive $0xFFFF  }
0x274: {  	_ =	shalt  }

</sc_bundles>
